<compile_context>
chip_gen: v7x
topology: tpu7x:2x2x1
jax: 0.10.2.dev20260603
libtpu: 0.0.44.dev20260713+nightly
codegen_flags: <defaults>
</compile_context>

<pallas_src>
import functools

import jax
import jax.numpy as jnp
from jax import lax
from jax.experimental import pallas as pl
from jax.experimental.pallas import tpu as pltpu
from jax.experimental.pallas import tpu_sc as plsc

NC = 2
NS = 16
CK = 128
CPT = 80


def _zero_f32(ref, rows, cols):
    z = jnp.zeros((16,), jnp.float32)

    def body(i, _):
        for g in range(cols // 16):
            ref[i, pl.ds(g * 16, 16)] = z
        return 0

    lax.fori_loop(0, rows, body, 0)


def _make_degree_kernel(n):
    npad = ((n + NS * 16 - 1) // (NS * 16)) * (NS * 16)
    rpt = npad // NS
    mesh = plsc.VectorSubcoreMesh(
        core_axis_name="c", subcore_axis_name="s", num_cores=NC,
        num_subcores=NS)

    def body(dstm_hbm, deg_out, deg_sp, zbuf, ones_v, idx_all):
        c = lax.axis_index("c")
        s = lax.axis_index("s")
        w = c * NS + s
        zv = jnp.zeros((16,), jnp.float32)
        ov = jnp.ones((16,), jnp.float32)

        def z16(i, _):
            zbuf[pl.ds(i * 16, 16)] = zv
            return 0

        lax.fori_loop(0, rpt // 16, z16, 0)
        for g in range(CK // 16):
            ones_v[pl.ds(g * 16, 16)] = ov
        pltpu.sync_copy(dstm_hbm.at[pl.ds(w * CPT, CPT), :], idx_all)
        pltpu.sync_copy(zbuf, deg_sp.at[pl.ds(s * rpt, rpt)])
        plsc.subcore_barrier()

        def chunk(j, _):
            pltpu.sync_copy(ones_v, deg_sp.at[idx_all.at[j]], add=True)
            return 0

        lax.fori_loop(0, CPT, chunk, 0)
        plsc.subcore_barrier()

        low = s * rpt
        size_last = n - rpt * (NS - 1)

        @pl.when(s < NS - 1)
        def _():
            pltpu.sync_copy(deg_sp.at[pl.ds(low, rpt)], zbuf)
            pltpu.sync_copy(zbuf, deg_out.at[pl.ds(c * n + low, rpt)])

        @pl.when(s == NS - 1)
        def _():
            pltpu.sync_copy(deg_sp.at[pl.ds(low, size_last)],
                            zbuf.at[pl.ds(0, size_last)])
            pltpu.sync_copy(zbuf.at[pl.ds(0, size_last)],
                            deg_out.at[pl.ds(c * n + low, size_last)])

    return pl.kernel(
        body,
        out_type=jax.ShapeDtypeStruct((NC * n,), jnp.float32),
        mesh=mesh,
        scratch_types=[
            pltpu.VMEM_SHARED((npad,), jnp.float32),
            pltpu.VMEM((rpt,), jnp.float32),
            pltpu.VMEM((CK,), jnp.float32),
            pltpu.VMEM((CPT, CK), jnp.int32),
        ],
    )


def _make_agg_kernel(n, f, tc_tiling=True):
    coc = 80
    rpt = ((n + NS * coc - 1) // (NS * coc)) * coc
    last = n - rpt * (NS - 1)
    assert rpt % coc == 0 and last % coc == 0 and last > 0
    mesh = plsc.VectorSubcoreMesh(
        core_axis_name="c", subcore_axis_name="s", num_cores=NC,
        num_subcores=NS)

    cpt2 = CPT // 2

    def body(y_hbm, srcm_hbm, dstm_hbm, out_hbm, acc_sp,
             rows_a, rows_b, sidx_h, didx_h, sem_a, sem_b):
        c = lax.axis_index("c")
        s = lax.axis_index("s")
        w = c * NS + s
        nch = jnp.where(s == NS - 1, last // coc, rpt // coc)
        nzch = jnp.where(s == NS - 1, (last + coc) // coc, rpt // coc)

        pltpu.async_copy(srcm_hbm.at[pl.ds(w * CPT, cpt2), :], sidx_h, sem_a)
        pltpu.async_copy(dstm_hbm.at[pl.ds(w * CPT, cpt2), :], didx_h, sem_b)

        _zero_f32(rows_a, coc, f)

        def zcp(k, _):
            pltpu.sync_copy(rows_a.at[pl.ds(0, coc), :],
                            acc_sp.at[pl.ds(s * rpt + k * coc, coc), :])
            return 0

        lax.fori_loop(0, nzch, zcp, 0)
        plsc.subcore_barrier()

        def start(jj, rows, sem):
            pltpu.async_copy(y_hbm.at[sidx_h.at[jj]], rows, sem)

        def finish(jj, rows, sem):
            pltpu.make_async_copy(y_hbm.at[sidx_h.at[jj]], rows, sem).wait()
            pltpu.sync_copy(rows, acc_sp.at[didx_h.at[jj]], add=True)

        def pair(t, _):
            j = 2 * t
            start(j + 1, rows_b, sem_b)
            finish(j, rows_a, sem_a)

            @pl.when(j + 2 < cpt2)
            def _():
                start(j + 2, rows_a, sem_a)

            finish(j + 1, rows_b, sem_b)
            return 0

        for h in range(2):
            base = w * CPT + h * cpt2
            if h == 0:
                pltpu.make_async_copy(srcm_hbm.at[pl.ds(base, cpt2), :],
                                      sidx_h, sem_a).wait()
                pltpu.make_async_copy(dstm_hbm.at[pl.ds(base, cpt2), :],
                                      didx_h, sem_b).wait()
            else:
                pltpu.sync_copy(srcm_hbm.at[pl.ds(base, cpt2), :], sidx_h)
                pltpu.sync_copy(dstm_hbm.at[pl.ds(base, cpt2), :], didx_h)
            start(0, rows_a, sem_a)
            lax.fori_loop(0, cpt2 // 2, pair, 0)
        plsc.subcore_barrier()

        def cout(k, _):
            r = s * rpt + k * coc
            pltpu.sync_copy(acc_sp.at[pl.ds(r, coc), :],
                            rows_a.at[pl.ds(0, coc), :])
            pltpu.sync_copy(rows_a.at[pl.ds(0, coc), :],
                            out_hbm.at[c, pl.ds(r, coc), :])
            return 0

        lax.fori_loop(0, nch, cout, 0)

    return pl.kernel(
        body,
        out_type=jax.ShapeDtypeStruct((NC, n, f), jnp.float32),
        mesh=mesh,
        scratch_types=[
            pltpu.VMEM_SHARED((n + coc, f), jnp.float32),
            pltpu.VMEM((CK, f), jnp.float32),
            pltpu.VMEM((CK, f), jnp.float32),
            pltpu.VMEM((cpt2, CK), jnp.int32),
            pltpu.VMEM((cpt2, CK), jnp.int32),
            pltpu.SemaphoreType.DMA,
            pltpu.SemaphoreType.DMA,
        ],
        compiler_params=pltpu.CompilerParams(use_tc_tiling_on_sc=tc_tiling),
    )


def _dinv_from(degp_ref):
    dp = degp_ref[...]
    deg = dp[:, 0] + dp[:, 1] + 1.0
    return lax.rsqrt(deg)


def _tc1_body(x_ref, w_ref, degp_ref, y_ref):
    dinv = _dinv_from(degp_ref)
    xw = jnp.dot(x_ref[...], w_ref[...], preferred_element_type=jnp.float32)
    y_ref[...] = xw * dinv[:, None]


def _tc2_body(a_ref, y1_ref, degp_ref, b1_ref, w2_ref, y2_ref):
    dinv = _dinv_from(degp_ref)
    a = a_ref[...]
    srow = a[0] + a[1] + y1_ref[...]
    h = jax.nn.relu(srow * dinv[:, None] + b1_ref[...])
    y2_ref[...] = jnp.dot(h, w2_ref[...],
                          preferred_element_type=jnp.float32) * dinv[:, None]


def _tc3_body(a_ref, y2_ref, degp_ref, b2_ref, o_ref):
    dinv = _dinv_from(degp_ref)
    a = a_ref[...]
    o = (a[0] + a[1] + y2_ref[...]) * dinv[:, None] + b2_ref[...]
    m = jnp.max(o, axis=1, keepdims=True)
    l = o - m
    o_ref[...] = l - jnp.log(jnp.sum(jnp.exp(l), axis=1, keepdims=True))


def kernel(x, edge_index, W1, b1, W2, b2):
    n, f_in = x.shape
    e = edge_index.shape[1]
    nhid = W1.shape[1]
    ncls = W2.shape[1]

    nw = NC * NS
    epw = e // nw
    pad_pt = CPT * CK - epw
    src = jnp.concatenate(
        [edge_index[0].reshape(nw, epw),
         jnp.broadcast_to(jnp.arange(pad_pt, dtype=jnp.int32) % n,
                          (nw, pad_pt))], axis=1).reshape(-1, CK)
    sink = n + (jnp.arange(pad_pt, dtype=jnp.int32) % 80)
    dst = jnp.concatenate(
        [edge_index[1].reshape(nw, epw),
         jnp.broadcast_to(sink, (nw, pad_pt))], axis=1).reshape(-1, CK)

    degp = _make_degree_kernel(n)(dst).reshape(NC, n).T

    blk = 1000
    grid = (n // blk,)
    y1 = pl.pallas_call(
        _tc1_body,
        grid=grid,
        in_specs=[
            pl.BlockSpec((blk, f_in), lambda i: (i, 0)),
            pl.BlockSpec((f_in, nhid), lambda i: (0, 0)),
            pl.BlockSpec((blk, NC), lambda i: (i, 0)),
        ],
        out_specs=pl.BlockSpec((blk, nhid), lambda i: (i, 0)),
        out_shape=jax.ShapeDtypeStruct((n, nhid), jnp.float32),
    )(x, W1, degp)

    a1 = _make_agg_kernel(n, nhid)(y1, src, dst)

    y2 = pl.pallas_call(
        _tc2_body,
        grid=grid,
        in_specs=[
            pl.BlockSpec((NC, blk, nhid), lambda i: (0, i, 0)),
            pl.BlockSpec((blk, nhid), lambda i: (i, 0)),
            pl.BlockSpec((blk, NC), lambda i: (i, 0)),
            pl.BlockSpec((1, nhid), lambda i: (0, 0)),
            pl.BlockSpec((nhid, ncls), lambda i: (0, 0)),
        ],
        out_specs=pl.BlockSpec((blk, ncls), lambda i: (i, 0)),
        out_shape=jax.ShapeDtypeStruct((n, ncls), jnp.float32),
    )(a1, y1, degp, b1.reshape(1, nhid), W2)

    a2 = _make_agg_kernel(n, ncls, tc_tiling=False)(y2, src, dst)

    out = pl.pallas_call(
        _tc3_body,
        grid=grid,
        in_specs=[
            pl.BlockSpec((NC, blk, ncls), lambda i: (0, i, 0)),
            pl.BlockSpec((blk, ncls), lambda i: (i, 0)),
            pl.BlockSpec((blk, NC), lambda i: (i, 0)),
            pl.BlockSpec((1, ncls), lambda i: (0, 0)),
        ],
        out_specs=pl.BlockSpec((blk, ncls), lambda i: (i, 0)),
        out_shape=jax.ShapeDtypeStruct((n, ncls), jnp.float32),
    )(a2, y2, degp, b2.reshape(1, ncls))

    return out

# --- scband reference (transcript-rebuilt; emitter-appended) ---
"""Pipeline reference for scband-net-28587302322287 (READ-ONLY COPY).

The authoritative reference and input builder live on the scoring server;
editing this copy changes nothing except your own understanding.
"""

import jax, jax.numpy as jnp
import numpy as np

N = 10000
E = 320000
F_IN = 128
NHID = 128
NCLS = 32


def setup_inputs(seed: int = 0) -> dict:
    key = jax.random.key(seed)
    k1, k2, k3, k4 = jax.random.split(key, 4)
    x = jax.random.normal(k1, (N, F_IN), dtype=jnp.float32)
    edge_index = jax.random.randint(k2, (2, E), 0, N, dtype=jnp.int32)
    W1 = jax.random.normal(k3, (F_IN, NHID), dtype=jnp.float32) * (1.0 / np.sqrt(F_IN))
    b1 = jnp.zeros((NHID,), dtype=jnp.float32)
    W2 = jax.random.normal(k4, (NHID, NCLS), dtype=jnp.float32) * (1.0 / np.sqrt(NHID))
    b2 = jnp.zeros((NCLS,), dtype=jnp.float32)
    return {"x": x, "edge_index": edge_index, "W1": W1, "b1": b1, "W2": W2, "b2": b2}


def gcn_conv(x, edge_index, W, b):
    # Faithful GCNConv: add self loops, symmetric degree normalization,
    # linear transform, scatter-add aggregation at dst, bias.
    n = x.shape[0]
    src = edge_index[0]
    dst = edge_index[1]
    loop = jnp.arange(n, dtype=src.dtype)
    src = jnp.concatenate([src, loop])
    dst = jnp.concatenate([dst, loop])
    ew = jnp.ones(src.shape[0], dtype=x.dtype)
    deg = jnp.zeros((n,), dtype=x.dtype).at[dst].add(ew)
    deg_inv_sqrt = jnp.where(deg > 0, jax.lax.rsqrt(jnp.where(deg > 0, deg, 1.0)), 0.0)
    norm = deg_inv_sqrt[src] * deg_inv_sqrt[dst]
    xw = x @ W
    msg = xw[src] * norm[:, None]
    out = jnp.zeros((n, W.shape[1]), dtype=x.dtype).at[dst].add(msg)
    return out + b


def reference(x, edge_index, W1, b1, W2, b2):
    # Original casts to float64; kept float32 here (default jax x64 disabled),
    # math is otherwise identical. Dropout is identity at inference.
    h = jax.nn.relu(gcn_conv(x, edge_index, W1, b1))
    o = gcn_conv(h, edge_index, W2, b2)
    return jax.nn.log_softmax(o, axis=1)

if __name__ == "__main__":
    import jax
    _d = setup_inputs()
    print(jax.jit(kernel)(*tuple(_d.values())))

</pallas_src>

<mosaic_0001>
#map = affine_map<(d0, d1) -> (0, 0)>
#map1 = affine_map<(d0, d1) -> (0, 0, 0)>
module attributes {stable_mosaic.version = 14 : i64} {
  func.func @body(%arg0: i32, %arg1: i32, %arg2: memref<10000x32xf32, #tpu.memory_space<hbm>>, %arg3: memref<2560x128xi32, #tpu.memory_space<hbm>>, %arg4: memref<2560x128xi32, #tpu.memory_space<hbm>>, %arg5: memref<2x10000x32xf32, #tpu.memory_space<hbm>>, %arg6: memref<10080x32xf32, #tpu.memory_space<vmem_shared>>, %arg7: memref<128x32xf32, #tpu.memory_space<vmem>>, %arg8: memref<128x32xf32, #tpu.memory_space<vmem>>, %arg9: memref<40x128xi32, #tpu.memory_space<vmem>>, %arg10: memref<40x128xi32, #tpu.memory_space<vmem>>, %arg11: memref<!tpu.dma_semaphore, #tpu.memory_space<semaphore_mem>>, %arg12: memref<!tpu.dma_semaphore, #tpu.memory_space<semaphore_mem>>) attributes {dimension_semantics = [#tpu.dimension_semantics<core_parallel>, #tpu.dimension_semantics<subcore_parallel>], iteration_bounds = array<i64: 2, 16>, scalar_prefetch = 0 : i64, scratch_operands = 7 : i64, tpu.core_type = #tpu.core_type<sc_vector_subcore>, window_params = [{transform_indices = #map}, {transform_indices = #map}, {transform_indices = #map}, {transform_indices = #map1}]} {
    %mul3A = arith.constant 16 : i32
    %mul3A_0 = arith.muli %arg0, %mul3A : i32
    %add3A = arith.addi %mul3A_0, %arg1 : i32
    %eq3A = arith.constant 15 : i32
    %eq3A_1 = arith.cmpi eq, %arg1, %eq3A : i32
    %jit3A = arith.constant 5 : i32
    %jit3A_2 = arith.constant 8 : i32
    %select_n3A = arith.select %eq3A_1, %jit3A, %jit3A_2 : i32
    %eq3A_3 = arith.constant 15 : i32
    %eq3A_4 = arith.cmpi eq, %arg1, %eq3A_3 : i32
    %jit3A_5 = arith.constant 6 : i32
    %jit3A_6 = arith.constant 8 : i32
    %select_n3A_7 = arith.select %eq3A_4, %jit3A_5, %jit3A_6 : i32
    %mul3A_8 = arith.constant 80 : i32
    %mul3A_9 = arith.muli %add3A, %mul3A_8 : i32
    %dma_start3A = arith.constant 0 : i32
    %dma_start3A_10 = tpu.memref_slice %arg3[%mul3A_9, %dma_start3A] : memref<2560x128xi32, #tpu.memory_space<hbm>> -> memref<40x128xi32, #tpu.memory_space<hbm>>
    %dma_start3A_11 = arith.constant 0 : i32
    %dma_start3A_12 = tpu.memref_slice %arg3[%mul3A_9, %dma_start3A_11] : memref<2560x128xi32, #tpu.memory_space<hbm>> -> memref<40x128xi32, #tpu.memory_space<hbm>>
    tpu.enqueue_dma source(%dma_start3A_12 : memref<40x128xi32, #tpu.memory_space<hbm>>) target(%arg9 : memref<40x128xi32, #tpu.memory_space<vmem>>) target_semaphore(%arg11 : memref<!tpu.dma_semaphore, #tpu.memory_space<semaphore_mem>>)
    %mul3A_13 = arith.constant 80 : i32
    %mul3A_14 = arith.muli %add3A, %mul3A_13 : i32
    %dma_start3A_15 = arith.constant 0 : i32
    %dma_start3A_16 = tpu.memref_slice %arg4[%mul3A_14, %dma_start3A_15] : memref<2560x128xi32, #tpu.memory_space<hbm>> -> memref<40x128xi32, #tpu.memory_space<hbm>>
    %dma_start3A_17 = arith.constant 0 : i32
    %dma_start3A_18 = tpu.memref_slice %arg4[%mul3A_14, %dma_start3A_17] : memref<2560x128xi32, #tpu.memory_space<hbm>> -> memref<40x128xi32, #tpu.memory_space<hbm>>
    tpu.enqueue_dma source(%dma_start3A_18 : memref<40x128xi32, #tpu.memory_space<hbm>>) target(%arg10 : memref<40x128xi32, #tpu.memory_space<vmem>>) target_semaphore(%arg12 : memref<!tpu.dma_semaphore, #tpu.memory_space<semaphore_mem>>)
    %broadcast_in_dim3A = arith.constant 0.000000e+00 : f32
    %broadcast_in_dim3A_19 = vector.broadcast %broadcast_in_dim3A : f32 to vector<16xf32>
    %scan3A = arith.constant 0 : i32
    %scan3A_20 = arith.constant 0 : i32
    %scan3A_21 = arith.constant 80 : i32
    %scan3A_22 = arith.addi %scan3A_20, %scan3A_21 : i32
    %scan3A_23 = arith.constant 1 : i32
    %scan3A_24 = scf.for %scan3A_93 = %scan3A_20 to %scan3A_22 step %scan3A_23 iter_args(%scan3A_94 = %scan3A) -> (i32)  : i32 {
      %swap3A = arith.index_cast %scan3A_93 : i32 to index
      %swap3A_95 = arith.constant 0 : index
      %swap3A_96 = tpu.vector_load %arg7[%swap3A, %swap3A_95] {strides = array<i32>} : memref<128x32xf32, #tpu.memory_space<vmem>>, vector<1x16xf32>,
      %swap3A_97 = vector.shape_cast %swap3A_96 : vector<1x16xf32> to vector<16xf32>
      %swap3A_98 = vector.shape_cast %broadcast_in_dim3A_19 : vector<16xf32> to vector<1x16xf32>
      tpu.vector_store %arg7[%swap3A, %swap3A_95], %swap3A_98 {strides = array<i32>} : memref<128x32xf32, #tpu.memory_space<vmem>>, vector<1x16xf32>,
      %swap3A_99 = arith.index_cast %scan3A_93 : i32 to index
      %swap3A_100 = arith.constant 16 : index
      %swap3A_101 = tpu.vector_load %arg7[%swap3A_99, %swap3A_100] {strides = array<i32>} : memref<128x32xf32, #tpu.memory_space<vmem>>, vector<1x16xf32>,
      %swap3A_102 = vector.shape_cast %swap3A_101 : vector<1x16xf32> to vector<16xf32>
      %swap3A_103 = vector.shape_cast %broadcast_in_dim3A_19 : vector<16xf32> to vector<1x16xf32>
      tpu.vector_store %arg7[%swap3A_99, %swap3A_100], %swap3A_103 {strides = array<i32>} : memref<128x32xf32, #tpu.memory_space<vmem>>, vector<1x16xf32>,
      %scan3A_104 = arith.constant 0 : i32
      scf.yield %scan3A_104 : i32
    }
    %scan3A_25 = arith.constant 80 : i32
    %while3A = arith.constant 0 : i32
    %while3A_26 = arith.constant 0 : i32
    %while3A_27 = arith.subi %select_n3A_7, %while3A : i32
    %while3A_28 = arith.addi %while3A, %while3A_27 : i32
    %while3A_29 = arith.constant 1 : i32
    %while3A_30 = arith.divsi %while3A_27, %while3A_29 : i32
    %while3A_31 = arith.muli %while3A_30, %while3A_29 : i32
    %while3A_32 = arith.addi %while3A, %while3A_31 : i32
    %while3A_33 = arith.constant 1 : i32
    %while3A_34 = scf.for %while3A_93 = %while3A to %while3A_32 step %while3A_33 iter_args(%while3A_94 = %while3A_26) -> (i32)  : i32 {
      %mul3A_95 = arith.constant 640 : i32
      %mul3A_96 = arith.muli %arg1, %mul3A_95 : i32
      %mul3A_97 = arith.constant 80 : i32
      %mul3A_98 = arith.muli %while3A_93, %mul3A_97 : i32
      %add3A_99 = arith.addi %mul3A_96, %mul3A_98 : i32
      "tpu.region"() ({
        %run_scoped3A = tpu.sem_alloc : memref<!tpu.dma_semaphore, #tpu.memory_space<semaphore_mem>>
        %dma_start3A_101 = arith.constant 0 : i32
        %dma_start3A_102 = arith.constant 0 : i32
        %dma_start3A_103 = tpu.memref_slice %arg7[%dma_start3A_101, %dma_start3A_102] : memref<128x32xf32, #tpu.memory_space<vmem>> -> memref<80x32xf32, #tpu.memory_space<vmem>>
        %dma_start3A_104 = arith.constant 0 : i32
        %dma_start3A_105 = tpu.memref_slice %arg6[%add3A_99, %dma_start3A_104] : memref<10080x32xf32, #tpu.memory_space<vmem_shared>> -> memref<80x32xf32, #tpu.memory_space<vmem_shared>>
        %dma_start3A_106 = arith.constant 0 : i32
        %dma_start3A_107 = tpu.memref_slice %arg6[%add3A_99, %dma_start3A_106] : memref<10080x32xf32, #tpu.memory_space<vmem_shared>> -> memref<80x32xf32, #tpu.memory_space<vmem_shared>>
        %dma_start3A_108 = arith.constant 0 : i32
        %dma_start3A_109 = arith.constant 0 : i32
        %dma_start3A_110 = tpu.memref_slice %arg7[%dma_start3A_108, %dma_start3A_109] : memref<128x32xf32, #tpu.memory_space<vmem>> -> memref<80x32xf32, #tpu.memory_space<vmem>>
        tpu.enqueue_dma source(%dma_start3A_110 : memref<80x32xf32, #tpu.memory_space<vmem>>) target(%dma_start3A_107 : memref<80x32xf32, #tpu.memory_space<vmem_shared>>) target_semaphore(%run_scoped3A : memref<!tpu.dma_semaphore, #tpu.memory_space<semaphore_mem>>)
        %dma_wait3A_111 = arith.constant 0 : i32
        %dma_wait3A_112 = arith.constant 0 : i32
        %dma_wait3A_113 = tpu.memref_slice %arg7[%dma_wait3A_111, %dma_wait3A_112] : memref<128x32xf32, #tpu.memory_space<vmem>> -> memref<80x32xf32, #tpu.memory_space<vmem>>
        %dma_wait3A_114 = arith.constant 0 : i32
        %dma_wait3A_115 = tpu.memref_slice %arg6[%add3A_99, %dma_wait3A_114] : memref<10080x32xf32, #tpu.memory_space<vmem_shared>> -> memref<80x32xf32, #tpu.memory_space<vmem_shared>>
        %dma_wait3A_116 = arith.constant 0 : i32
        %dma_wait3A_117 = tpu.memref_slice %arg6[%add3A_99, %dma_wait3A_116] : memref<10080x32xf32, #tpu.memory_space<vmem_shared>> -> memref<80x32xf32, #tpu.memory_space<vmem_shared>>
        %dma_wait3A_118 = arith.constant 0 : i32
        %dma_wait3A_119 = arith.constant 0 : i32
        %dma_wait3A_120 = tpu.memref_slice %arg7[%dma_wait3A_118, %dma_wait3A_119] : memref<128x32xf32, #tpu.memory_space<vmem>> -> memref<80x32xf32, #tpu.memory_space<vmem>>
        tpu.wait_dma2 semaphore(%run_scoped3A : memref<!tpu.dma_semaphore, #tpu.memory_space<semaphore_mem>>) src(%dma_wait3A_120 : memref<80x32xf32, #tpu.memory_space<vmem>>) dst(%dma_wait3A_117 : memref<80x32xf32, #tpu.memory_space<vmem_shared>>)
        tpu.yield
      }) : () -> ()
      %while3A_100 = arith.constant 0 : i32
      scf.yield %while3A_100 : i32
    }
    %while3A_35 = arith.constant 1 : i32
    %while3A_36 = scf.for %while3A_93 = %while3A_32 to %while3A_28 step %while3A_35 iter_args(%while3A_94 = %while3A_34) -> (i32)  : i32 {
      %mul3A_95 = arith.constant 640 : i32
      %mul3A_96 = arith.muli %arg1, %mul3A_95 : i32
      %mul3A_97 = arith.constant 80 : i32
      %mul3A_98 = arith.muli %while3A_93, %mul3A_97 : i32
      %add3A_99 = arith.addi %mul3A_96, %mul3A_98 : i32
      "tpu.region"() ({
        %run_scoped3A = tpu.sem_alloc : memref<!tpu.dma_semaphore, #tpu.memory_space<semaphore_mem>>
        %dma_start3A_101 = arith.constant 0 : i32
        %dma_start3A_102 = arith.constant 0 : i32
        %dma_start3A_103 = tpu.memref_slice %arg7[%dma_start3A_101, %dma_start3A_102] : memref<128x32xf32, #tpu.memory_space<vmem>> -> memref<80x32xf32, #tpu.memory_space<vmem>>
        %dma_start3A_104 = arith.constant 0 : i32
        %dma_start3A_105 = tpu.memref_slice %arg6[%add3A_99, %dma_start3A_104] : memref<10080x32xf32, #tpu.memory_space<vmem_shared>> -> memref<80x32xf32, #tpu.memory_space<vmem_shared>>
        %dma_start3A_106 = arith.constant 0 : i32
        %dma_start3A_107 = tpu.memref_slice %arg6[%add3A_99, %dma_start3A_106] : memref<10080x32xf32, #tpu.memory_space<vmem_shared>> -> memref<80x32xf32, #tpu.memory_space<vmem_shared>>
        %dma_start3A_108 = arith.constant 0 : i32
        %dma_start3A_109 = arith.constant 0 : i32
        %dma_start3A_110 = tpu.memref_slice %arg7[%dma_start3A_108, %dma_start3A_109] : memref<128x32xf32, #tpu.memory_space<vmem>> -> memref<80x32xf32, #tpu.memory_space<vmem>>
        tpu.enqueue_dma source(%dma_start3A_110 : memref<80x32xf32, #tpu.memory_space<vmem>>) target(%dma_start3A_107 : memref<80x32xf32, #tpu.memory_space<vmem_shared>>) target_semaphore(%run_scoped3A : memref<!tpu.dma_semaphore, #tpu.memory_space<semaphore_mem>>)
        %dma_wait3A_111 = arith.constant 0 : i32
        %dma_wait3A_112 = arith.constant 0 : i32
        %dma_wait3A_113 = tpu.memref_slice %arg7[%dma_wait3A_111, %dma_wait3A_112] : memref<128x32xf32, #tpu.memory_space<vmem>> -> memref<80x32xf32, #tpu.memory_space<vmem>>
        %dma_wait3A_114 = arith.constant 0 : i32
        %dma_wait3A_115 = tpu.memref_slice %arg6[%add3A_99, %dma_wait3A_114] : memref<10080x32xf32, #tpu.memory_space<vmem_shared>> -> memref<80x32xf32, #tpu.memory_space<vmem_shared>>
        %dma_wait3A_116 = arith.constant 0 : i32
        %dma_wait3A_117 = tpu.memref_slice %arg6[%add3A_99, %dma_wait3A_116] : memref<10080x32xf32, #tpu.memory_space<vmem_shared>> -> memref<80x32xf32, #tpu.memory_space<vmem_shared>>
        %dma_wait3A_118 = arith.constant 0 : i32
        %dma_wait3A_119 = arith.constant 0 : i32
        %dma_wait3A_120 = tpu.memref_slice %arg7[%dma_wait3A_118, %dma_wait3A_119] : memref<128x32xf32, #tpu.memory_space<vmem>> -> memref<80x32xf32, #tpu.memory_space<vmem>>
        tpu.wait_dma2 semaphore(%run_scoped3A : memref<!tpu.dma_semaphore, #tpu.memory_space<semaphore_mem>>) src(%dma_wait3A_120 : memref<80x32xf32, #tpu.memory_space<vmem>>) dst(%dma_wait3A_117 : memref<80x32xf32, #tpu.memory_space<vmem_shared>>)
        tpu.yield
      }) : () -> ()
      %while3A_100 = arith.constant 0 : i32
      scf.yield %while3A_100 : i32
    }
    %barrier3A = arith.constant 0 : index
    tpu.barrier barrier_id(%barrier3A)
    %mul3A_37 = arith.constant 80 : i32
    %mul3A_38 = arith.muli %add3A, %mul3A_37 : i32
    %add3A_39 = arith.constant 0 : i32
    %add3A_40 = arith.addi %mul3A_38, %add3A_39 : i32
    %dma_wait3A = arith.constant 0 : i32
    %dma_wait3A_41 = tpu.memref_slice %arg3[%add3A_40, %dma_wait3A] : memref<2560x128xi32, #tpu.memory_space<hbm>> -> memref<40x128xi32, #tpu.memory_space<hbm>>
    %dma_wait3A_42 = arith.constant 0 : i32
    %dma_wait3A_43 = tpu.memref_slice %arg3[%add3A_40, %dma_wait3A_42] : memref<2560x128xi32, #tpu.memory_space<hbm>> -> memref<40x128xi32, #tpu.memory_space<hbm>>
    tpu.wait_dma2 semaphore(%arg11 : memref<!tpu.dma_semaphore, #tpu.memory_space<semaphore_mem>>) src(%dma_wait3A_43 : memref<40x128xi32, #tpu.memory_space<hbm>>) dst(%arg9 : memref<40x128xi32, #tpu.memory_space<vmem>>)
    %dma_wait3A_44 = arith.constant 0 : i32
    %dma_wait3A_45 = tpu.memref_slice %arg4[%add3A_40, %dma_wait3A_44] : memref<2560x128xi32, #tpu.memory_space<hbm>> -> memref<40x128xi32, #tpu.memory_space<hbm>>
    %dma_wait3A_46 = arith.constant 0 : i32
    %dma_wait3A_47 = tpu.memref_slice %arg4[%add3A_40, %dma_wait3A_46] : memref<2560x128xi32, #tpu.memory_space<hbm>> -> memref<40x128xi32, #tpu.memory_space<hbm>>
    tpu.wait_dma2 semaphore(%arg12 : memref<!tpu.dma_semaphore, #tpu.memory_space<semaphore_mem>>) src(%dma_wait3A_47 : memref<40x128xi32, #tpu.memory_space<hbm>>) dst(%arg10 : memref<40x128xi32, #tpu.memory_space<vmem>>)
    %dma_start3A_48 = arith.constant 0 : i32
    %dma_start3A_49 = arith.constant 0 : i32
    %dma_start3A_50 = tpu.memref_slice %arg9[%dma_start3A_48, %dma_start3A_49] : memref<40x128xi32, #tpu.memory_space<vmem>> -> memref<1x128xi32, #tpu.memory_space<vmem>>
    %dma_start3A_51 = tpu.memref_squeeze %dma_start3A_50 : memref<1x128xi32, #tpu.memory_space<vmem>> -> memref<128xi32, #tpu.memory_space<vmem>>
    %dma_start3A_52 = arith.constant 0 : i32
    %dma_start3A_53 = arith.constant 0 : i32
    %dma_start3A_54 = tpu.memref_slice %arg2[%dma_start3A_52, %dma_start3A_53] : memref<10000x32xf32, #tpu.memory_space<hbm>> -> memref<10000x32xf32, #tpu.memory_space<hbm>>
    tpu.enqueue_indirect_dma source(%dma_start3A_54 : memref<10000x32xf32, #tpu.memory_space<hbm>>) target(%arg7 : memref<128x32xf32, #tpu.memory_space<vmem>>) offsets(%dma_start3A_51 : memref<128xi32, #tpu.memory_space<vmem>>) semaphore(%arg11 : memref<!tpu.dma_semaphore, #tpu.memory_space<semaphore_mem>>)
    %scan3A_55 = arith.constant 0 : i32
    %scan3A_56 = arith.constant 0 : i32
    %scan3A_57 = arith.constant 20 : i32
    %scan3A_58 = arith.addi %scan3A_56, %scan3A_57 : i32
    %scan3A_59 = arith.constant 1 : i32
    %scan3A_60 = scf.for %scan3A_93 = %scan3A_56 to %scan3A_58 step %scan3A_59 iter_args(%scan3A_94 = %scan3A_55) -> (i32)  : i32 {
      %mul3A_95 = arith.constant 2 : i32
      %mul3A_96 = arith.muli %mul3A_95, %scan3A_93 : i32
      %add3A_97 = arith.constant 1 : i32
      %add3A_98 = arith.addi %mul3A_96, %add3A_97 : i32
      %dma_start3A_99 = arith.constant 0 : i32
      %dma_start3A_100 = tpu.memref_slice %arg9[%add3A_98, %dma_start3A_99] : memref<40x128xi32, #tpu.memory_space<vmem>> -> memref<1x128xi32, #tpu.memory_space<vmem>>
      %dma_start3A_101 = tpu.memref_squeeze %dma_start3A_100 : memref<1x128xi32, #tpu.memory_space<vmem>> -> memref<128xi32, #tpu.memory_space<vmem>>
      %dma_start3A_102 = arith.constant 0 : i32
      %dma_start3A_103 = arith.constant 0 : i32
      %dma_start3A_104 = tpu.memref_slice %arg2[%dma_start3A_102, %dma_start3A_103] : memref<10000x32xf32, #tpu.memory_space<hbm>> -> memref<10000x32xf32, #tpu.memory_space<hbm>>
      tpu.enqueue_indirect_dma source(%dma_start3A_104 : memref<10000x32xf32, #tpu.memory_space<hbm>>) target(%arg8 : memref<128x32xf32, #tpu.memory_space<vmem>>) offsets(%dma_start3A_101 : memref<128xi32, #tpu.memory_space<vmem>>) semaphore(%arg12 : memref<!tpu.dma_semaphore, #tpu.memory_space<semaphore_mem>>)
      %dma_wait3A_105 = arith.constant 0 : i32
      %dma_wait3A_106 = tpu.memref_slice %arg9[%mul3A_96, %dma_wait3A_105] : memref<40x128xi32, #tpu.memory_space<vmem>> -> memref<1x128xi32, #tpu.memory_space<vmem>>
      %dma_wait3A_107 = tpu.memref_squeeze %dma_wait3A_106 : memref<1x128xi32, #tpu.memory_space<vmem>> -> memref<128xi32, #tpu.memory_space<vmem>>
      %dma_wait3A_108 = arith.constant 0 : i32
      %dma_wait3A_109 = arith.constant 0 : i32
      %dma_wait3A_110 = tpu.memref_slice %arg2[%dma_wait3A_108, %dma_wait3A_109] : memref<10000x32xf32, #tpu.memory_space<hbm>> -> memref<10000x32xf32, #tpu.memory_space<hbm>>
      tpu.wait_indirect_dma semaphore(%arg11 : memref<!tpu.dma_semaphore, #tpu.memory_space<semaphore_mem>>) src(%dma_wait3A_110 : memref<10000x32xf32, #tpu.memory_space<hbm>>) dst(%arg7 : memref<128x32xf32, #tpu.memory_space<vmem>>)
      "tpu.region"() ({
        %run_scoped3A = tpu.sem_alloc : memref<!tpu.dma_semaphore, #tpu.memory_space<semaphore_mem>>
        %dma_start3A_124 = arith.constant 0 : i32
        %dma_start3A_125 = tpu.memref_slice %arg10[%mul3A_96, %dma_start3A_124] : memref<40x128xi32, #tpu.memory_space<vmem>> -> memref<1x128xi32, #tpu.memory_space<vmem>>
        %dma_start3A_126 = tpu.memref_squeeze %dma_start3A_125 : memref<1x128xi32, #tpu.memory_space<vmem>> -> memref<128xi32, #tpu.memory_space<vmem>>
        %dma_start3A_127 = arith.constant 0 : i32
        %dma_start3A_128 = arith.constant 0 : i32
        %dma_start3A_129 = tpu.memref_slice %arg6[%dma_start3A_127, %dma_start3A_128] : memref<10080x32xf32, #tpu.memory_space<vmem_shared>> -> memref<10080x32xf32, #tpu.memory_space<vmem_shared>>
        tpu.enqueue_indirect_dma source(%arg7 : memref<128x32xf32, #tpu.memory_space<vmem>>) target(%dma_start3A_129 : memref<10080x32xf32, #tpu.memory_space<vmem_shared>>) offsets(%dma_start3A_126 : memref<128xi32, #tpu.memory_space<vmem>>) semaphore(%run_scoped3A : memref<!tpu.dma_semaphore, #tpu.memory_space<semaphore_mem>>) {add = true}
        %dma_wait3A_130 = arith.constant 0 : i32
        %dma_wait3A_131 = tpu.memref_slice %arg10[%mul3A_96, %dma_wait3A_130] : memref<40x128xi32, #tpu.memory_space<vmem>> -> memref<1x128xi32, #tpu.memory_space<vmem>>
        %dma_wait3A_132 = tpu.memref_squeeze %dma_wait3A_131 : memref<1x128xi32, #tpu.memory_space<vmem>> -> memref<128xi32, #tpu.memory_space<vmem>>
        %dma_wait3A_133 = arith.constant 0 : i32
        %dma_wait3A_134 = arith.constant 0 : i32
        %dma_wait3A_135 = tpu.memref_slice %arg6[%dma_wait3A_133, %dma_wait3A_134] : memref<10080x32xf32, #tpu.memory_space<vmem_shared>> -> memref<10080x32xf32, #tpu.memory_space<vmem_shared>>
        tpu.wait_indirect_dma semaphore(%run_scoped3A : memref<!tpu.dma_semaphore, #tpu.memory_space<semaphore_mem>>) src(%arg7 : memref<128x32xf32, #tpu.memory_space<vmem>>) dst(%dma_wait3A_135 : memref<10080x32xf32, #tpu.memory_space<vmem_shared>>)
        tpu.yield
      }) : () -> ()
      %add3A_111 = arith.constant 2 : i32
      %add3A_112 = arith.addi %mul3A_96, %add3A_111 : i32
      %lt3A = arith.constant 40 : i32
      %lt3A_113 = arith.cmpi slt, %add3A_112, %lt3A : i32
      %convert_element_type3A = arith.extui %lt3A_113 : i1 to i32
      %cond3A = arith.constant 0 : i32
      %cond3A_114 = arith.cmpi ne, %convert_element_type3A, %cond3A : i32
      scf.if %cond3A_114 {
        %add3A_124 = arith.constant 2 : i32
        %add3A_125 = arith.addi %mul3A_96, %add3A_124 : i32
        %dma_start3A_126 = arith.constant 0 : i32
        %dma_start3A_127 = tpu.memref_slice %arg9[%add3A_125, %dma_start3A_126] : memref<40x128xi32, #tpu.memory_space<vmem>> -> memref<1x128xi32, #tpu.memory_space<vmem>>
        %dma_start3A_128 = tpu.memref_squeeze %dma_start3A_127 : memref<1x128xi32, #tpu.memory_space<vmem>> -> memref<128xi32, #tpu.memory_space<vmem>>
        %dma_start3A_129 = arith.constant 0 : i32
        %dma_start3A_130 = arith.constant 0 : i32
        %dma_start3A_131 = tpu.memref_slice %arg2[%dma_start3A_129, %dma_start3A_130] : memref<10000x32xf32, #tpu.memory_space<hbm>> -> memref<10000x32xf32, #tpu.memory_space<hbm>>
        tpu.enqueue_indirect_dma source(%dma_start3A_131 : memref<10000x32xf32, #tpu.memory_space<hbm>>) target(%arg7 : memref<128x32xf32, #tpu.memory_space<vmem>>) offsets(%dma_start3A_128 : memref<128xi32, #tpu.memory_space<vmem>>) semaphore(%arg11 : memref<!tpu.dma_semaphore, #tpu.memory_space<semaphore_mem>>)
      } else {
      }
      %add3A_115 = arith.constant 1 : i32
      %add3A_116 = arith.addi %mul3A_96, %add3A_115 : i32
      %dma_wait3A_117 = arith.constant 0 : i32
      %dma_wait3A_118 = tpu.memref_slice %arg9[%add3A_116, %dma_wait3A_117] : memref<40x128xi32, #tpu.memory_space<vmem>> -> memref<1x128xi32, #tpu.memory_space<vmem>>
      %dma_wait3A_119 = tpu.memref_squeeze %dma_wait3A_118 : memref<1x128xi32, #tpu.memory_space<vmem>> -> memref<128xi32, #tpu.memory_space<vmem>>
      %dma_wait3A_120 = arith.constant 0 : i32
      %dma_wait3A_121 = arith.constant 0 : i32
      %dma_wait3A_122 = tpu.memref_slice %arg2[%dma_wait3A_120, %dma_wait3A_121] : memref<10000x32xf32, #tpu.memory_space<hbm>> -> memref<10000x32xf32, #tpu.memory_space<hbm>>
      tpu.wait_indirect_dma semaphore(%arg12 : memref<!tpu.dma_semaphore, #tpu.memory_space<semaphore_mem>>) src(%dma_wait3A_122 : memref<10000x32xf32, #tpu.memory_space<hbm>>) dst(%arg8 : memref<128x32xf32, #tpu.memory_space<vmem>>)
      "tpu.region"() ({
        %run_scoped3A = tpu.sem_alloc : memref<!tpu.dma_semaphore, #tpu.memory_space<semaphore_mem>>
        %dma_start3A_124 = arith.constant 0 : i32
        %dma_start3A_125 = tpu.memref_slice %arg10[%add3A_116, %dma_start3A_124] : memref<40x128xi32, #tpu.memory_space<vmem>> -> memref<1x128xi32, #tpu.memory_space<vmem>>
        %dma_start3A_126 = tpu.memref_squeeze %dma_start3A_125 : memref<1x128xi32, #tpu.memory_space<vmem>> -> memref<128xi32, #tpu.memory_space<vmem>>
        %dma_start3A_127 = arith.constant 0 : i32
        %dma_start3A_128 = arith.constant 0 : i32
        %dma_start3A_129 = tpu.memref_slice %arg6[%dma_start3A_127, %dma_start3A_128] : memref<10080x32xf32, #tpu.memory_space<vmem_shared>> -> memref<10080x32xf32, #tpu.memory_space<vmem_shared>>
        tpu.enqueue_indirect_dma source(%arg8 : memref<128x32xf32, #tpu.memory_space<vmem>>) target(%dma_start3A_129 : memref<10080x32xf32, #tpu.memory_space<vmem_shared>>) offsets(%dma_start3A_126 : memref<128xi32, #tpu.memory_space<vmem>>) semaphore(%run_scoped3A : memref<!tpu.dma_semaphore, #tpu.memory_space<semaphore_mem>>) {add = true}
        %dma_wait3A_130 = arith.constant 0 : i32
        %dma_wait3A_131 = tpu.memref_slice %arg10[%add3A_116, %dma_wait3A_130] : memref<40x128xi32, #tpu.memory_space<vmem>> -> memref<1x128xi32, #tpu.memory_space<vmem>>
        %dma_wait3A_132 = tpu.memref_squeeze %dma_wait3A_131 : memref<1x128xi32, #tpu.memory_space<vmem>> -> memref<128xi32, #tpu.memory_space<vmem>>
        %dma_wait3A_133 = arith.constant 0 : i32
        %dma_wait3A_134 = arith.constant 0 : i32
        %dma_wait3A_135 = tpu.memref_slice %arg6[%dma_wait3A_133, %dma_wait3A_134] : memref<10080x32xf32, #tpu.memory_space<vmem_shared>> -> memref<10080x32xf32, #tpu.memory_space<vmem_shared>>
        tpu.wait_indirect_dma semaphore(%run_scoped3A : memref<!tpu.dma_semaphore, #tpu.memory_space<semaphore_mem>>) src(%arg8 : memref<128x32xf32, #tpu.memory_space<vmem>>) dst(%dma_wait3A_135 : memref<10080x32xf32, #tpu.memory_space<vmem_shared>>)
        tpu.yield
      }) : () -> ()
      %scan3A_123 = arith.constant 0 : i32
      scf.yield %scan3A_123 : i32
    }
    %scan3A_61 = arith.constant 20 : i32
    %mul3A_62 = arith.constant 80 : i32
    %mul3A_63 = arith.muli %add3A, %mul3A_62 : i32
    %add3A_64 = arith.constant 40 : i32
    %add3A_65 = arith.addi %mul3A_63, %add3A_64 : i32
    "tpu.region"() ({
      %run_scoped3A = tpu.sem_alloc : memref<!tpu.dma_semaphore, #tpu.memory_space<semaphore_mem>>
      %dma_start3A_93 = arith.constant 0 : i32
      %dma_start3A_94 = tpu.memref_slice %arg3[%add3A_65, %dma_start3A_93] : memref<2560x128xi32, #tpu.memory_space<hbm>> -> memref<40x128xi32, #tpu.memory_space<hbm>>
      %dma_start3A_95 = arith.constant 0 : i32
      %dma_start3A_96 = tpu.memref_slice %arg3[%add3A_65, %dma_start3A_95] : memref<2560x128xi32, #tpu.memory_space<hbm>> -> memref<40x128xi32, #tpu.memory_space<hbm>>
      tpu.enqueue_dma source(%dma_start3A_96 : memref<40x128xi32, #tpu.memory_space<hbm>>) target(%arg9 : memref<40x128xi32, #tpu.memory_space<vmem>>) target_semaphore(%run_scoped3A : memref<!tpu.dma_semaphore, #tpu.memory_space<semaphore_mem>>)
      %dma_wait3A_97 = arith.constant 0 : i32
      %dma_wait3A_98 = tpu.memref_slice %arg3[%add3A_65, %dma_wait3A_97] : memref<2560x128xi32, #tpu.memory_space<hbm>> -> memref<40x128xi32, #tpu.memory_space<hbm>>
      %dma_wait3A_99 = arith.constant 0 : i32
      %dma_wait3A_100 = tpu.memref_slice %arg3[%add3A_65, %dma_wait3A_99] : memref<2560x128xi32, #tpu.memory_space<hbm>> -> memref<40x128xi32, #tpu.memory_space<hbm>>
      tpu.wait_dma2 semaphore(%run_scoped3A : memref<!tpu.dma_semaphore, #tpu.memory_space<semaphore_mem>>) src(%dma_wait3A_100 : memref<40x128xi32, #tpu.memory_space<hbm>>) dst(%arg9 : memref<40x128xi32, #tpu.memory_space<vmem>>)
      tpu.yield
    }) : () -> ()
    "tpu.region"() ({
      %run_scoped3A = tpu.sem_alloc : memref<!tpu.dma_semaphore, #tpu.memory_space<semaphore_mem>>
      %dma_start3A_93 = arith.constant 0 : i32
      %dma_start3A_94 = tpu.memref_slice %arg4[%add3A_65, %dma_start3A_93] : memref<2560x128xi32, #tpu.memory_space<hbm>> -> memref<40x128xi32, #tpu.memory_space<hbm>>
      %dma_start3A_95 = arith.constant 0 : i32
      %dma_start3A_96 = tpu.memref_slice %arg4[%add3A_65, %dma_start3A_95] : memref<2560x128xi32, #tpu.memory_space<hbm>> -> memref<40x128xi32, #tpu.memory_space<hbm>>
      tpu.enqueue_dma source(%dma_start3A_96 : memref<40x128xi32, #tpu.memory_space<hbm>>) target(%arg10 : memref<40x128xi32, #tpu.memory_space<vmem>>) target_semaphore(%run_scoped3A : memref<!tpu.dma_semaphore, #tpu.memory_space<semaphore_mem>>)
      %dma_wait3A_97 = arith.constant 0 : i32
      %dma_wait3A_98 = tpu.memref_slice %arg4[%add3A_65, %dma_wait3A_97] : memref<2560x128xi32, #tpu.memory_space<hbm>> -> memref<40x128xi32, #tpu.memory_space<hbm>>
      %dma_wait3A_99 = arith.constant 0 : i32
      %dma_wait3A_100 = tpu.memref_slice %arg4[%add3A_65, %dma_wait3A_99] : memref<2560x128xi32, #tpu.memory_space<hbm>> -> memref<40x128xi32, #tpu.memory_space<hbm>>
      tpu.wait_dma2 semaphore(%run_scoped3A : memref<!tpu.dma_semaphore, #tpu.memory_space<semaphore_mem>>) src(%dma_wait3A_100 : memref<40x128xi32, #tpu.memory_space<hbm>>) dst(%arg10 : memref<40x128xi32, #tpu.memory_space<vmem>>)
      tpu.yield
    }) : () -> ()
    %dma_start3A_66 = arith.constant 0 : i32
    %dma_start3A_67 = arith.constant 0 : i32
    %dma_start3A_68 = tpu.memref_slice %arg9[%dma_start3A_66, %dma_start3A_67] : memref<40x128xi32, #tpu.memory_space<vmem>> -> memref<1x128xi32, #tpu.memory_space<vmem>>
    %dma_start3A_69 = tpu.memref_squeeze %dma_start3A_68 : memref<1x128xi32, #tpu.memory_space<vmem>> -> memref<128xi32, #tpu.memory_space<vmem>>
    %dma_start3A_70 = arith.constant 0 : i32
    %dma_start3A_71 = arith.constant 0 : i32
    %dma_start3A_72 = tpu.memref_slice %arg2[%dma_start3A_70, %dma_start3A_71] : memref<10000x32xf32, #tpu.memory_space<hbm>> -> memref<10000x32xf32, #tpu.memory_space<hbm>>
    tpu.enqueue_indirect_dma source(%dma_start3A_72 : memref<10000x32xf32, #tpu.memory_space<hbm>>) target(%arg7 : memref<128x32xf32, #tpu.memory_space<vmem>>) offsets(%dma_start3A_69 : memref<128xi32, #tpu.memory_space<vmem>>) semaphore(%arg11 : memref<!tpu.dma_semaphore, #tpu.memory_space<semaphore_mem>>)
    %scan3A_73 = arith.constant 0 : i32
    %scan3A_74 = arith.constant 0 : i32
    %scan3A_75 = arith.constant 20 : i32
    %scan3A_76 = arith.addi %scan3A_74, %scan3A_75 : i32
    %scan3A_77 = arith.constant 1 : i32
    %scan3A_78 = scf.for %scan3A_93 = %scan3A_74 to %scan3A_76 step %scan3A_77 iter_args(%scan3A_94 = %scan3A_73) -> (i32)  : i32 {
      %mul3A_95 = arith.constant 2 : i32
      %mul3A_96 = arith.muli %mul3A_95, %scan3A_93 : i32
      %add3A_97 = arith.constant 1 : i32
      %add3A_98 = arith.addi %mul3A_96, %add3A_97 : i32
      %dma_start3A_99 = arith.constant 0 : i32
      %dma_start3A_100 = tpu.memref_slice %arg9[%add3A_98, %dma_start3A_99] : memref<40x128xi32, #tpu.memory_space<vmem>> -> memref<1x128xi32, #tpu.memory_space<vmem>>
      %dma_start3A_101 = tpu.memref_squeeze %dma_start3A_100 : memref<1x128xi32, #tpu.memory_space<vmem>> -> memref<128xi32, #tpu.memory_space<vmem>>
      %dma_start3A_102 = arith.constant 0 : i32
      %dma_start3A_103 = arith.constant 0 : i32
      %dma_start3A_104 = tpu.memref_slice %arg2[%dma_start3A_102, %dma_start3A_103] : memref<10000x32xf32, #tpu.memory_space<hbm>> -> memref<10000x32xf32, #tpu.memory_space<hbm>>
      tpu.enqueue_indirect_dma source(%dma_start3A_104 : memref<10000x32xf32, #tpu.memory_space<hbm>>) target(%arg8 : memref<128x32xf32, #tpu.memory_space<vmem>>) offsets(%dma_start3A_101 : memref<128xi32, #tpu.memory_space<vmem>>) semaphore(%arg12 : memref<!tpu.dma_semaphore, #tpu.memory_space<semaphore_mem>>)
      %dma_wait3A_105 = arith.constant 0 : i32
      %dma_wait3A_106 = tpu.memref_slice %arg9[%mul3A_96, %dma_wait3A_105] : memref<40x128xi32, #tpu.memory_space<vmem>> -> memref<1x128xi32, #tpu.memory_space<vmem>>
      %dma_wait3A_107 = tpu.memref_squeeze %dma_wait3A_106 : memref<1x128xi32, #tpu.memory_space<vmem>> -> memref<128xi32, #tpu.memory_space<vmem>>
      %dma_wait3A_108 = arith.constant 0 : i32
      %dma_wait3A_109 = arith.constant 0 : i32
      %dma_wait3A_110 = tpu.memref_slice %arg2[%dma_wait3A_108, %dma_wait3A_109] : memref<10000x32xf32, #tpu.memory_space<hbm>> -> memref<10000x32xf32, #tpu.memory_space<hbm>>
      tpu.wait_indirect_dma semaphore(%arg11 : memref<!tpu.dma_semaphore, #tpu.memory_space<semaphore_mem>>) src(%dma_wait3A_110 : memref<10000x32xf32, #tpu.memory_space<hbm>>) dst(%arg7 : memref<128x32xf32, #tpu.memory_space<vmem>>)
      "tpu.region"() ({
        %run_scoped3A = tpu.sem_alloc : memref<!tpu.dma_semaphore, #tpu.memory_space<semaphore_mem>>
        %dma_start3A_124 = arith.constant 0 : i32
        %dma_start3A_125 = tpu.memref_slice %arg10[%mul3A_96, %dma_start3A_124] : memref<40x128xi32, #tpu.memory_space<vmem>> -> memref<1x128xi32, #tpu.memory_space<vmem>>
        %dma_start3A_126 = tpu.memref_squeeze %dma_start3A_125 : memref<1x128xi32, #tpu.memory_space<vmem>> -> memref<128xi32, #tpu.memory_space<vmem>>
        %dma_start3A_127 = arith.constant 0 : i32
        %dma_start3A_128 = arith.constant 0 : i32
        %dma_start3A_129 = tpu.memref_slice %arg6[%dma_start3A_127, %dma_start3A_128] : memref<10080x32xf32, #tpu.memory_space<vmem_shared>> -> memref<10080x32xf32, #tpu.memory_space<vmem_shared>>
        tpu.enqueue_indirect_dma source(%arg7 : memref<128x32xf32, #tpu.memory_space<vmem>>) target(%dma_start3A_129 : memref<10080x32xf32, #tpu.memory_space<vmem_shared>>) offsets(%dma_start3A_126 : memref<128xi32, #tpu.memory_space<vmem>>) semaphore(%run_scoped3A : memref<!tpu.dma_semaphore, #tpu.memory_space<semaphore_mem>>) {add = true}
        %dma_wait3A_130 = arith.constant 0 : i32
        %dma_wait3A_131 = tpu.memref_slice %arg10[%mul3A_96, %dma_wait3A_130] : memref<40x128xi32, #tpu.memory_space<vmem>> -> memref<1x128xi32, #tpu.memory_space<vmem>>
        %dma_wait3A_132 = tpu.memref_squeeze %dma_wait3A_131 : memref<1x128xi32, #tpu.memory_space<vmem>> -> memref<128xi32, #tpu.memory_space<vmem>>
        %dma_wait3A_133 = arith.constant 0 : i32
        %dma_wait3A_134 = arith.constant 0 : i32
        %dma_wait3A_135 = tpu.memref_slice %arg6[%dma_wait3A_133, %dma_wait3A_134] : memref<10080x32xf32, #tpu.memory_space<vmem_shared>> -> memref<10080x32xf32, #tpu.memory_space<vmem_shared>>
        tpu.wait_indirect_dma semaphore(%run_scoped3A : memref<!tpu.dma_semaphore, #tpu.memory_space<semaphore_mem>>) src(%arg7 : memref<128x32xf32, #tpu.memory_space<vmem>>) dst(%dma_wait3A_135 : memref<10080x32xf32, #tpu.memory_space<vmem_shared>>)
        tpu.yield
      }) : () -> ()
      %add3A_111 = arith.constant 2 : i32
      %add3A_112 = arith.addi %mul3A_96, %add3A_111 : i32
      %lt3A = arith.constant 40 : i32
      %lt3A_113 = arith.cmpi slt, %add3A_112, %lt3A : i32
      %convert_element_type3A = arith.extui %lt3A_113 : i1 to i32
      %cond3A = arith.constant 0 : i32
      %cond3A_114 = arith.cmpi ne, %convert_element_type3A, %cond3A : i32
      scf.if %cond3A_114 {
        %add3A_124 = arith.constant 2 : i32
        %add3A_125 = arith.addi %mul3A_96, %add3A_124 : i32
        %dma_start3A_126 = arith.constant 0 : i32
        %dma_start3A_127 = tpu.memref_slice %arg9[%add3A_125, %dma_start3A_126] : memref<40x128xi32, #tpu.memory_space<vmem>> -> memref<1x128xi32, #tpu.memory_space<vmem>>
        %dma_start3A_128 = tpu.memref_squeeze %dma_start3A_127 : memref<1x128xi32, #tpu.memory_space<vmem>> -> memref<128xi32, #tpu.memory_space<vmem>>
        %dma_start3A_129 = arith.constant 0 : i32
        %dma_start3A_130 = arith.constant 0 : i32
        %dma_start3A_131 = tpu.memref_slice %arg2[%dma_start3A_129, %dma_start3A_130] : memref<10000x32xf32, #tpu.memory_space<hbm>> -> memref<10000x32xf32, #tpu.memory_space<hbm>>
        tpu.enqueue_indirect_dma source(%dma_start3A_131 : memref<10000x32xf32, #tpu.memory_space<hbm>>) target(%arg7 : memref<128x32xf32, #tpu.memory_space<vmem>>) offsets(%dma_start3A_128 : memref<128xi32, #tpu.memory_space<vmem>>) semaphore(%arg11 : memref<!tpu.dma_semaphore, #tpu.memory_space<semaphore_mem>>)
      } else {
      }
      %add3A_115 = arith.constant 1 : i32
      %add3A_116 = arith.addi %mul3A_96, %add3A_115 : i32
      %dma_wait3A_117 = arith.constant 0 : i32
      %dma_wait3A_118 = tpu.memref_slice %arg9[%add3A_116, %dma_wait3A_117] : memref<40x128xi32, #tpu.memory_space<vmem>> -> memref<1x128xi32, #tpu.memory_space<vmem>>
      %dma_wait3A_119 = tpu.memref_squeeze %dma_wait3A_118 : memref<1x128xi32, #tpu.memory_space<vmem>> -> memref<128xi32, #tpu.memory_space<vmem>>
      %dma_wait3A_120 = arith.constant 0 : i32
      %dma_wait3A_121 = arith.constant 0 : i32
      %dma_wait3A_122 = tpu.memref_slice %arg2[%dma_wait3A_120, %dma_wait3A_121] : memref<10000x32xf32, #tpu.memory_space<hbm>> -> memref<10000x32xf32, #tpu.memory_space<hbm>>
      tpu.wait_indirect_dma semaphore(%arg12 : memref<!tpu.dma_semaphore, #tpu.memory_space<semaphore_mem>>) src(%dma_wait3A_122 : memref<10000x32xf32, #tpu.memory_space<hbm>>) dst(%arg8 : memref<128x32xf32, #tpu.memory_space<vmem>>)
      "tpu.region"() ({
        %run_scoped3A = tpu.sem_alloc : memref<!tpu.dma_semaphore, #tpu.memory_space<semaphore_mem>>
        %dma_start3A_124 = arith.constant 0 : i32
        %dma_start3A_125 = tpu.memref_slice %arg10[%add3A_116, %dma_start3A_124] : memref<40x128xi32, #tpu.memory_space<vmem>> -> memref<1x128xi32, #tpu.memory_space<vmem>>
        %dma_start3A_126 = tpu.memref_squeeze %dma_start3A_125 : memref<1x128xi32, #tpu.memory_space<vmem>> -> memref<128xi32, #tpu.memory_space<vmem>>
        %dma_start3A_127 = arith.constant 0 : i32
        %dma_start3A_128 = arith.constant 0 : i32
        %dma_start3A_129 = tpu.memref_slice %arg6[%dma_start3A_127, %dma_start3A_128] : memref<10080x32xf32, #tpu.memory_space<vmem_shared>> -> memref<10080x32xf32, #tpu.memory_space<vmem_shared>>
        tpu.enqueue_indirect_dma source(%arg8 : memref<128x32xf32, #tpu.memory_space<vmem>>) target(%dma_start3A_129 : memref<10080x32xf32, #tpu.memory_space<vmem_shared>>) offsets(%dma_start3A_126 : memref<128xi32, #tpu.memory_space<vmem>>) semaphore(%run_scoped3A : memref<!tpu.dma_semaphore, #tpu.memory_space<semaphore_mem>>) {add = true}
        %dma_wait3A_130 = arith.constant 0 : i32
        %dma_wait3A_131 = tpu.memref_slice %arg10[%add3A_116, %dma_wait3A_130] : memref<40x128xi32, #tpu.memory_space<vmem>> -> memref<1x128xi32, #tpu.memory_space<vmem>>
        %dma_wait3A_132 = tpu.memref_squeeze %dma_wait3A_131 : memref<1x128xi32, #tpu.memory_space<vmem>> -> memref<128xi32, #tpu.memory_space<vmem>>
        %dma_wait3A_133 = arith.constant 0 : i32
        %dma_wait3A_134 = arith.constant 0 : i32
        %dma_wait3A_135 = tpu.memref_slice %arg6[%dma_wait3A_133, %dma_wait3A_134] : memref<10080x32xf32, #tpu.memory_space<vmem_shared>> -> memref<10080x32xf32, #tpu.memory_space<vmem_shared>>
        tpu.wait_indirect_dma semaphore(%run_scoped3A : memref<!tpu.dma_semaphore, #tpu.memory_space<semaphore_mem>>) src(%arg8 : memref<128x32xf32, #tpu.memory_space<vmem>>) dst(%dma_wait3A_135 : memref<10080x32xf32, #tpu.memory_space<vmem_shared>>)
        tpu.yield
      }) : () -> ()
      %scan3A_123 = arith.constant 0 : i32
      scf.yield %scan3A_123 : i32
    }
    %scan3A_79 = arith.constant 20 : i32
    %barrier3A_80 = arith.constant 0 : index
    tpu.barrier barrier_id(%barrier3A_80)
    %while3A_81 = arith.constant 0 : i32
    %while3A_82 = arith.constant 0 : i32
    %while3A_83 = arith.subi %select_n3A, %while3A_81 : i32
    %while3A_84 = arith.addi %while3A_81, %while3A_83 : i32
    %while3A_85 = arith.constant 1 : i32
    %while3A_86 = arith.divsi %while3A_83, %while3A_85 : i32
    %while3A_87 = arith.muli %while3A_86, %while3A_85 : i32
    %while3A_88 = arith.addi %while3A_81, %while3A_87 : i32
    %while3A_89 = arith.constant 1 : i32
    %while3A_90 = scf.for %while3A_93 = %while3A_81 to %while3A_88 step %while3A_89 iter_args(%while3A_94 = %while3A_82) -> (i32)  : i32 {
      %mul3A_95 = arith.constant 640 : i32
      %mul3A_96 = arith.muli %arg1, %mul3A_95 : i32
      %mul3A_97 = arith.constant 80 : i32
      %mul3A_98 = arith.muli %while3A_93, %mul3A_97 : i32
      %add3A_99 = arith.addi %mul3A_96, %mul3A_98 : i32
      "tpu.region"() ({
        %run_scoped3A = tpu.sem_alloc : memref<!tpu.dma_semaphore, #tpu.memory_space<semaphore_mem>>
        %dma_start3A_101 = arith.constant 0 : i32
        %dma_start3A_102 = arith.constant 0 : i32
        %dma_start3A_103 = tpu.memref_slice %arg7[%dma_start3A_101, %dma_start3A_102] : memref<128x32xf32, #tpu.memory_space<vmem>> -> memref<80x32xf32, #tpu.memory_space<vmem>>
        %dma_start3A_104 = arith.constant 0 : i32
        %dma_start3A_105 = tpu.memref_slice %arg6[%add3A_99, %dma_start3A_104] : memref<10080x32xf32, #tpu.memory_space<vmem_shared>> -> memref<80x32xf32, #tpu.memory_space<vmem_shared>>
        %dma_start3A_106 = arith.constant 0 : i32
        %dma_start3A_107 = arith.constant 0 : i32
        %dma_start3A_108 = tpu.memref_slice %arg7[%dma_start3A_106, %dma_start3A_107] : memref<128x32xf32, #tpu.memory_space<vmem>> -> memref<80x32xf32, #tpu.memory_space<vmem>>
        %dma_start3A_109 = arith.constant 0 : i32
        %dma_start3A_110 = tpu.memref_slice %arg6[%add3A_99, %dma_start3A_109] : memref<10080x32xf32, #tpu.memory_space<vmem_shared>> -> memref<80x32xf32, #tpu.memory_space<vmem_shared>>
        tpu.enqueue_dma source(%dma_start3A_110 : memref<80x32xf32, #tpu.memory_space<vmem_shared>>) target(%dma_start3A_108 : memref<80x32xf32, #tpu.memory_space<vmem>>) target_semaphore(%run_scoped3A : memref<!tpu.dma_semaphore, #tpu.memory_space<semaphore_mem>>)
        %dma_wait3A_111 = arith.constant 0 : i32
        %dma_wait3A_112 = arith.constant 0 : i32
        %dma_wait3A_113 = tpu.memref_slice %arg7[%dma_wait3A_111, %dma_wait3A_112] : memref<128x32xf32, #tpu.memory_space<vmem>> -> memref<80x32xf32, #tpu.memory_space<vmem>>
        %dma_wait3A_114 = arith.constant 0 : i32
        %dma_wait3A_115 = tpu.memref_slice %arg6[%add3A_99, %dma_wait3A_114] : memref<10080x32xf32, #tpu.memory_space<vmem_shared>> -> memref<80x32xf32, #tpu.memory_space<vmem_shared>>
        %dma_wait3A_116 = arith.constant 0 : i32
        %dma_wait3A_117 = arith.constant 0 : i32
        %dma_wait3A_118 = tpu.memref_slice %arg7[%dma_wait3A_116, %dma_wait3A_117] : memref<128x32xf32, #tpu.memory_space<vmem>> -> memref<80x32xf32, #tpu.memory_space<vmem>>
        %dma_wait3A_119 = arith.constant 0 : i32
        %dma_wait3A_120 = tpu.memref_slice %arg6[%add3A_99, %dma_wait3A_119] : memref<10080x32xf32, #tpu.memory_space<vmem_shared>> -> memref<80x32xf32, #tpu.memory_space<vmem_shared>>
        tpu.wait_dma2 semaphore(%run_scoped3A : memref<!tpu.dma_semaphore, #tpu.memory_space<semaphore_mem>>) src(%dma_wait3A_120 : memref<80x32xf32, #tpu.memory_space<vmem_shared>>) dst(%dma_wait3A_118 : memref<80x32xf32, #tpu.memory_space<vmem>>)
        tpu.yield
      }) : () -> ()
      "tpu.region"() ({
        %run_scoped3A = tpu.sem_alloc : memref<!tpu.dma_semaphore, #tpu.memory_space<semaphore_mem>>
        %dma_start3A_101 = arith.constant 0 : i32
        %dma_start3A_102 = arith.constant 0 : i32
        %dma_start3A_103 = tpu.memref_slice %arg7[%dma_start3A_101, %dma_start3A_102] : memref<128x32xf32, #tpu.memory_space<vmem>> -> memref<80x32xf32, #tpu.memory_space<vmem>>
        %dma_start3A_104 = arith.constant 0 : i32
        %dma_start3A_105 = tpu.memref_slice %arg5[%arg0, %add3A_99, %dma_start3A_104] : memref<2x10000x32xf32, #tpu.memory_space<hbm>> -> memref<1x80x32xf32, #tpu.memory_space<hbm>>
        %dma_start3A_106 = tpu.memref_squeeze %dma_start3A_105 : memref<1x80x32xf32, #tpu.memory_space<hbm>> -> memref<80x32xf32, #tpu.memory_space<hbm>>
        %dma_start3A_107 = arith.constant 0 : i32
        %dma_start3A_108 = tpu.memref_slice %arg5[%arg0, %add3A_99, %dma_start3A_107] : memref<2x10000x32xf32, #tpu.memory_space<hbm>> -> memref<1x80x32xf32, #tpu.memory_space<hbm>>
        %dma_start3A_109 = tpu.memref_squeeze %dma_start3A_108 : memref<1x80x32xf32, #tpu.memory_space<hbm>> -> memref<80x32xf32, #tpu.memory_space<hbm>>
        %dma_start3A_110 = arith.constant 0 : i32
        %dma_start3A_111 = arith.constant 0 : i32
        %dma_start3A_112 = tpu.memref_slice %arg7[%dma_start3A_110, %dma_start3A_111] : memref<128x32xf32, #tpu.memory_space<vmem>> -> memref<80x32xf32, #tpu.memory_space<vmem>>
        tpu.enqueue_dma source(%dma_start3A_112 : memref<80x32xf32, #tpu.memory_space<vmem>>) target(%dma_start3A_109 : memref<80x32xf32, #tpu.memory_space<hbm>>) target_semaphore(%run_scoped3A : memref<!tpu.dma_semaphore, #tpu.memory_space<semaphore_mem>>)
        %dma_wait3A_113 = arith.constant 0 : i32
        %dma_wait3A_114 = arith.constant 0 : i32
        %dma_wait3A_115 = tpu.memref_slice %arg7[%dma_wait3A_113, %dma_wait3A_114] : memref<128x32xf32, #tpu.memory_space<vmem>> -> memref<80x32xf32, #tpu.memory_space<vmem>>
        %dma_wait3A_116 = arith.constant 0 : i32
        %dma_wait3A_117 = tpu.memref_slice %arg5[%arg0, %add3A_99, %dma_wait3A_116] : memref<2x10000x32xf32, #tpu.memory_space<hbm>> -> memref<1x80x32xf32, #tpu.memory_space<hbm>>
        %dma_wait3A_118 = tpu.memref_squeeze %dma_wait3A_117 : memref<1x80x32xf32, #tpu.memory_space<hbm>> -> memref<80x32xf32, #tpu.memory_space<hbm>>
        %dma_wait3A_119 = arith.constant 0 : i32
        %dma_wait3A_120 = tpu.memref_slice %arg5[%arg0, %add3A_99, %dma_wait3A_119] : memref<2x10000x32xf32, #tpu.memory_space<hbm>> -> memref<1x80x32xf32, #tpu.memory_space<hbm>>
        %dma_wait3A_121 = tpu.memref_squeeze %dma_wait3A_120 : memref<1x80x32xf32, #tpu.memory_space<hbm>> -> memref<80x32xf32, #tpu.memory_space<hbm>>
        %dma_wait3A_122 = arith.constant 0 : i32
        %dma_wait3A_123 = arith.constant 0 : i32
        %dma_wait3A_124 = tpu.memref_slice %arg7[%dma_wait3A_122, %dma_wait3A_123] : memref<128x32xf32, #tpu.memory_space<vmem>> -> memref<80x32xf32, #tpu.memory_space<vmem>>
        tpu.wait_dma2 semaphore(%run_scoped3A : memref<!tpu.dma_semaphore, #tpu.memory_space<semaphore_mem>>) src(%dma_wait3A_124 : memref<80x32xf32, #tpu.memory_space<vmem>>) dst(%dma_wait3A_121 : memref<80x32xf32, #tpu.memory_space<hbm>>)
        tpu.yield
      }) : () -> ()
      %while3A_100 = arith.constant 0 : i32
      scf.yield %while3A_100 : i32
    }
    %while3A_91 = arith.constant 1 : i32
    %while3A_92 = scf.for %while3A_93 = %while3A_88 to %while3A_84 step %while3A_91 iter_args(%while3A_94 = %while3A_90) -> (i32)  : i32 {
      %mul3A_95 = arith.constant 640 : i32
      %mul3A_96 = arith.muli %arg1, %mul3A_95 : i32
      %mul3A_97 = arith.constant 80 : i32
      %mul3A_98 = arith.muli %while3A_93, %mul3A_97 : i32
      %add3A_99 = arith.addi %mul3A_96, %mul3A_98 : i32
      "tpu.region"() ({
        %run_scoped3A = tpu.sem_alloc : memref<!tpu.dma_semaphore, #tpu.memory_space<semaphore_mem>>
        %dma_start3A_101 = arith.constant 0 : i32
        %dma_start3A_102 = arith.constant 0 : i32
        %dma_start3A_103 = tpu.memref_slice %arg7[%dma_start3A_101, %dma_start3A_102] : memref<128x32xf32, #tpu.memory_space<vmem>> -> memref<80x32xf32, #tpu.memory_space<vmem>>
        %dma_start3A_104 = arith.constant 0 : i32
        %dma_start3A_105 = tpu.memref_slice %arg6[%add3A_99, %dma_start3A_104] : memref<10080x32xf32, #tpu.memory_space<vmem_shared>> -> memref<80x32xf32, #tpu.memory_space<vmem_shared>>
        %dma_start3A_106 = arith.constant 0 : i32
        %dma_start3A_107 = arith.constant 0 : i32
        %dma_start3A_108 = tpu.memref_slice %arg7[%dma_start3A_106, %dma_start3A_107] : memref<128x32xf32, #tpu.memory_space<vmem>> -> memref<80x32xf32, #tpu.memory_space<vmem>>
        %dma_start3A_109 = arith.constant 0 : i32
        %dma_start3A_110 = tpu.memref_slice %arg6[%add3A_99, %dma_start3A_109] : memref<10080x32xf32, #tpu.memory_space<vmem_shared>> -> memref<80x32xf32, #tpu.memory_space<vmem_shared>>
        tpu.enqueue_dma source(%dma_start3A_110 : memref<80x32xf32, #tpu.memory_space<vmem_shared>>) target(%dma_start3A_108 : memref<80x32xf32, #tpu.memory_space<vmem>>) target_semaphore(%run_scoped3A : memref<!tpu.dma_semaphore, #tpu.memory_space<semaphore_mem>>)
        %dma_wait3A_111 = arith.constant 0 : i32
        %dma_wait3A_112 = arith.constant 0 : i32
        %dma_wait3A_113 = tpu.memref_slice %arg7[%dma_wait3A_111, %dma_wait3A_112] : memref<128x32xf32, #tpu.memory_space<vmem>> -> memref<80x32xf32, #tpu.memory_space<vmem>>
        %dma_wait3A_114 = arith.constant 0 : i32
        %dma_wait3A_115 = tpu.memref_slice %arg6[%add3A_99, %dma_wait3A_114] : memref<10080x32xf32, #tpu.memory_space<vmem_shared>> -> memref<80x32xf32, #tpu.memory_space<vmem_shared>>
        %dma_wait3A_116 = arith.constant 0 : i32
        %dma_wait3A_117 = arith.constant 0 : i32
        %dma_wait3A_118 = tpu.memref_slice %arg7[%dma_wait3A_116, %dma_wait3A_117] : memref<128x32xf32, #tpu.memory_space<vmem>> -> memref<80x32xf32, #tpu.memory_space<vmem>>
        %dma_wait3A_119 = arith.constant 0 : i32
        %dma_wait3A_120 = tpu.memref_slice %arg6[%add3A_99, %dma_wait3A_119] : memref<10080x32xf32, #tpu.memory_space<vmem_shared>> -> memref<80x32xf32, #tpu.memory_space<vmem_shared>>
        tpu.wait_dma2 semaphore(%run_scoped3A : memref<!tpu.dma_semaphore, #tpu.memory_space<semaphore_mem>>) src(%dma_wait3A_120 : memref<80x32xf32, #tpu.memory_space<vmem_shared>>) dst(%dma_wait3A_118 : memref<80x32xf32, #tpu.memory_space<vmem>>)
        tpu.yield
      }) : () -> ()
      "tpu.region"() ({
        %run_scoped3A = tpu.sem_alloc : memref<!tpu.dma_semaphore, #tpu.memory_space<semaphore_mem>>
        %dma_start3A_101 = arith.constant 0 : i32
        %dma_start3A_102 = arith.constant 0 : i32
        %dma_start3A_103 = tpu.memref_slice %arg7[%dma_start3A_101, %dma_start3A_102] : memref<128x32xf32, #tpu.memory_space<vmem>> -> memref<80x32xf32, #tpu.memory_space<vmem>>
        %dma_start3A_104 = arith.constant 0 : i32
        %dma_start3A_105 = tpu.memref_slice %arg5[%arg0, %add3A_99, %dma_start3A_104] : memref<2x10000x32xf32, #tpu.memory_space<hbm>> -> memref<1x80x32xf32, #tpu.memory_space<hbm>>
        %dma_start3A_106 = tpu.memref_squeeze %dma_start3A_105 : memref<1x80x32xf32, #tpu.memory_space<hbm>> -> memref<80x32xf32, #tpu.memory_space<hbm>>
        %dma_start3A_107 = arith.constant 0 : i32
        %dma_start3A_108 = tpu.memref_slice %arg5[%arg0, %add3A_99, %dma_start3A_107] : memref<2x10000x32xf32, #tpu.memory_space<hbm>> -> memref<1x80x32xf32, #tpu.memory_space<hbm>>
        %dma_start3A_109 = tpu.memref_squeeze %dma_start3A_108 : memref<1x80x32xf32, #tpu.memory_space<hbm>> -> memref<80x32xf32, #tpu.memory_space<hbm>>
        %dma_start3A_110 = arith.constant 0 : i32
        %dma_start3A_111 = arith.constant 0 : i32
        %dma_start3A_112 = tpu.memref_slice %arg7[%dma_start3A_110, %dma_start3A_111] : memref<128x32xf32, #tpu.memory_space<vmem>> -> memref<80x32xf32, #tpu.memory_space<vmem>>
        tpu.enqueue_dma source(%dma_start3A_112 : memref<80x32xf32, #tpu.memory_space<vmem>>) target(%dma_start3A_109 : memref<80x32xf32, #tpu.memory_space<hbm>>) target_semaphore(%run_scoped3A : memref<!tpu.dma_semaphore, #tpu.memory_space<semaphore_mem>>)
        %dma_wait3A_113 = arith.constant 0 : i32
        %dma_wait3A_114 = arith.constant 0 : i32
        %dma_wait3A_115 = tpu.memref_slice %arg7[%dma_wait3A_113, %dma_wait3A_114] : memref<128x32xf32, #tpu.memory_space<vmem>> -> memref<80x32xf32, #tpu.memory_space<vmem>>
        %dma_wait3A_116 = arith.constant 0 : i32
        %dma_wait3A_117 = tpu.memref_slice %arg5[%arg0, %add3A_99, %dma_wait3A_116] : memref<2x10000x32xf32, #tpu.memory_space<hbm>> -> memref<1x80x32xf32, #tpu.memory_space<hbm>>
        %dma_wait3A_118 = tpu.memref_squeeze %dma_wait3A_117 : memref<1x80x32xf32, #tpu.memory_space<hbm>> -> memref<80x32xf32, #tpu.memory_space<hbm>>
        %dma_wait3A_119 = arith.constant 0 : i32
        %dma_wait3A_120 = tpu.memref_slice %arg5[%arg0, %add3A_99, %dma_wait3A_119] : memref<2x10000x32xf32, #tpu.memory_space<hbm>> -> memref<1x80x32xf32, #tpu.memory_space<hbm>>
        %dma_wait3A_121 = tpu.memref_squeeze %dma_wait3A_120 : memref<1x80x32xf32, #tpu.memory_space<hbm>> -> memref<80x32xf32, #tpu.memory_space<hbm>>
        %dma_wait3A_122 = arith.constant 0 : i32
        %dma_wait3A_123 = arith.constant 0 : i32
        %dma_wait3A_124 = tpu.memref_slice %arg7[%dma_wait3A_122, %dma_wait3A_123] : memref<128x32xf32, #tpu.memory_space<vmem>> -> memref<80x32xf32, #tpu.memory_space<vmem>>
        tpu.wait_dma2 semaphore(%run_scoped3A : memref<!tpu.dma_semaphore, #tpu.memory_space<semaphore_mem>>) src(%dma_wait3A_124 : memref<80x32xf32, #tpu.memory_space<vmem>>) dst(%dma_wait3A_121 : memref<80x32xf32, #tpu.memory_space<hbm>>)
        tpu.yield
      }) : () -> ()
      %while3A_100 = arith.constant 0 : i32
      scf.yield %while3A_100 : i32
    }
    return
  }
}

#map = affine_map<(d0, d1) -> (0, 0)>
#map1 = affine_map<(d0, d1) -> (0)>
module attributes {stable_mosaic.version = 14 : i64} {
  func.func @body(%arg0: i32, %arg1: i32, %arg2: memref<2560x128xi32, #tpu.memory_space<hbm>>, %arg3: memref<20000xf32, #tpu.memory_space<hbm>>, %arg4: memref<10240xf32, #tpu.memory_space<vmem_shared>>, %arg5: memref<640xf32, #tpu.memory_space<vmem>>, %arg6: memref<128xf32, #tpu.memory_space<vmem>>, %arg7: memref<80x128xi32, #tpu.memory_space<vmem>>) attributes {dimension_semantics = [#tpu.dimension_semantics<core_parallel>, #tpu.dimension_semantics<subcore_parallel>], iteration_bounds = array<i64: 2, 16>, scalar_prefetch = 0 : i64, scratch_operands = 4 : i64, tpu.core_type = #tpu.core_type<sc_vector_subcore>, window_params = [{transform_indices = #map}, {transform_indices = #map1}]} {
    %mul3A = arith.constant 16 : i32
    %mul3A_0 = arith.muli %arg0, %mul3A : i32
    %add3A = arith.addi %mul3A_0, %arg1 : i32
    %broadcast_in_dim3A = arith.constant 0.000000e+00 : f32
    %broadcast_in_dim3A_1 = vector.broadcast %broadcast_in_dim3A : f32 to vector<16xf32>
    %broadcast_in_dim3A_2 = arith.constant 1.000000e+00 : f32
    %broadcast_in_dim3A_3 = vector.broadcast %broadcast_in_dim3A_2 : f32 to vector<16xf32>
    %scan3A = arith.constant 0 : i32
    %scan3A_4 = arith.constant 0 : i32
    %scan3A_5 = arith.constant 40 : i32
    %scan3A_6 = arith.addi %scan3A_4, %scan3A_5 : i32
    %scan3A_7 = arith.constant 1 : i32
    %scan3A_8 = scf.for %scan3A_61 = %scan3A_4 to %scan3A_6 step %scan3A_7 iter_args(%scan3A_62 = %scan3A) -> (i32)  : i32 {
      %mul3A_63 = arith.constant 16 : i32
      %mul3A_64 = arith.muli %scan3A_61, %mul3A_63 : i32
      %swap3A_65 = arith.index_cast %mul3A_64 : i32 to index
      %swap3A_66 = tpu.vector_load %arg5[%swap3A_65] {strides = array<i32>} : memref<640xf32, #tpu.memory_space<vmem>>, vector<16xf32>,
      %swap3A_67 = vector.shape_cast %swap3A_66 : vector<16xf32> to vector<16xf32>
      %swap3A_68 = vector.shape_cast %broadcast_in_dim3A_1 : vector<16xf32> to vector<16xf32>
      tpu.vector_store %arg5[%swap3A_65], %swap3A_68 {strides = array<i32>} : memref<640xf32, #tpu.memory_space<vmem>>, vector<16xf32>,
      %scan3A_69 = arith.constant 0 : i32
      scf.yield %scan3A_69 : i32
    }
    %scan3A_9 = arith.constant 40 : i32
    %swap3A = arith.constant 0 : index
    %swap3A_10 = tpu.vector_load %arg6[%swap3A] {strides = array<i32>} : memref<128xf32, #tpu.memory_space<vmem>>, vector<16xf32>,
    %swap3A_11 = vector.shape_cast %swap3A_10 : vector<16xf32> to vector<16xf32>
    %swap3A_12 = vector.shape_cast %broadcast_in_dim3A_3 : vector<16xf32> to vector<16xf32>
    tpu.vector_store %arg6[%swap3A], %swap3A_12 {strides = array<i32>} : memref<128xf32, #tpu.memory_space<vmem>>, vector<16xf32>,
    %swap3A_13 = arith.constant 16 : index
    %swap3A_14 = tpu.vector_load %arg6[%swap3A_13] {strides = array<i32>} : memref<128xf32, #tpu.memory_space<vmem>>, vector<16xf32>,
    %swap3A_15 = vector.shape_cast %swap3A_14 : vector<16xf32> to vector<16xf32>
    %swap3A_16 = vector.shape_cast %broadcast_in_dim3A_3 : vector<16xf32> to vector<16xf32>
    tpu.vector_store %arg6[%swap3A_13], %swap3A_16 {strides = array<i32>} : memref<128xf32, #tpu.memory_space<vmem>>, vector<16xf32>,
    %swap3A_17 = arith.constant 32 : index
    %swap3A_18 = tpu.vector_load %arg6[%swap3A_17] {strides = array<i32>} : memref<128xf32, #tpu.memory_space<vmem>>, vector<16xf32>,
    %swap3A_19 = vector.shape_cast %swap3A_18 : vector<16xf32> to vector<16xf32>
    %swap3A_20 = vector.shape_cast %broadcast_in_dim3A_3 : vector<16xf32> to vector<16xf32>
    tpu.vector_store %arg6[%swap3A_17], %swap3A_20 {strides = array<i32>} : memref<128xf32, #tpu.memory_space<vmem>>, vector<16xf32>,
    %swap3A_21 = arith.constant 48 : index
    %swap3A_22 = tpu.vector_load %arg6[%swap3A_21] {strides = array<i32>} : memref<128xf32, #tpu.memory_space<vmem>>, vector<16xf32>,
    %swap3A_23 = vector.shape_cast %swap3A_22 : vector<16xf32> to vector<16xf32>
    %swap3A_24 = vector.shape_cast %broadcast_in_dim3A_3 : vector<16xf32> to vector<16xf32>
    tpu.vector_store %arg6[%swap3A_21], %swap3A_24 {strides = array<i32>} : memref<128xf32, #tpu.memory_space<vmem>>, vector<16xf32>,
    %swap3A_25 = arith.constant 64 : index
    %swap3A_26 = tpu.vector_load %arg6[%swap3A_25] {strides = array<i32>} : memref<128xf32, #tpu.memory_space<vmem>>, vector<16xf32>,
    %swap3A_27 = vector.shape_cast %swap3A_26 : vector<16xf32> to vector<16xf32>
    %swap3A_28 = vector.shape_cast %broadcast_in_dim3A_3 : vector<16xf32> to vector<16xf32>
    tpu.vector_store %arg6[%swap3A_25], %swap3A_28 {strides = array<i32>} : memref<128xf32, #tpu.memory_space<vmem>>, vector<16xf32>,
    %swap3A_29 = arith.constant 80 : index
    %swap3A_30 = tpu.vector_load %arg6[%swap3A_29] {strides = array<i32>} : memref<128xf32, #tpu.memory_space<vmem>>, vector<16xf32>,
    %swap3A_31 = vector.shape_cast %swap3A_30 : vector<16xf32> to vector<16xf32>
    %swap3A_32 = vector.shape_cast %broadcast_in_dim3A_3 : vector<16xf32> to vector<16xf32>
    tpu.vector_store %arg6[%swap3A_29], %swap3A_32 {strides = array<i32>} : memref<128xf32, #tpu.memory_space<vmem>>, vector<16xf32>,
    %swap3A_33 = arith.constant 96 : index
    %swap3A_34 = tpu.vector_load %arg6[%swap3A_33] {strides = array<i32>} : memref<128xf32, #tpu.memory_space<vmem>>, vector<16xf32>,
    %swap3A_35 = vector.shape_cast %swap3A_34 : vector<16xf32> to vector<16xf32>
    %swap3A_36 = vector.shape_cast %broadcast_in_dim3A_3 : vector<16xf32> to vector<16xf32>
    tpu.vector_store %arg6[%swap3A_33], %swap3A_36 {strides = array<i32>} : memref<128xf32, #tpu.memory_space<vmem>>, vector<16xf32>,
    %swap3A_37 = arith.constant 112 : index
    %swap3A_38 = tpu.vector_load %arg6[%swap3A_37] {strides = array<i32>} : memref<128xf32, #tpu.memory_space<vmem>>, vector<16xf32>,
    %swap3A_39 = vector.shape_cast %swap3A_38 : vector<16xf32> to vector<16xf32>
    %swap3A_40 = vector.shape_cast %broadcast_in_dim3A_3 : vector<16xf32> to vector<16xf32>
    tpu.vector_store %arg6[%swap3A_37], %swap3A_40 {strides = array<i32>} : memref<128xf32, #tpu.memory_space<vmem>>, vector<16xf32>,
    %mul3A_41 = arith.constant 80 : i32
    %mul3A_42 = arith.muli %add3A, %mul3A_41 : i32
    "tpu.region"() ({
      %run_scoped3A = tpu.sem_alloc : memref<!tpu.dma_semaphore, #tpu.memory_space<semaphore_mem>>
      %dma_start3A = arith.constant 0 : i32
      %dma_start3A_61 = tpu.memref_slice %arg2[%mul3A_42, %dma_start3A] : memref<2560x128xi32, #tpu.memory_space<hbm>> -> memref<80x128xi32, #tpu.memory_space<hbm>>
      %dma_start3A_62 = arith.constant 0 : i32
      %dma_start3A_63 = tpu.memref_slice %arg2[%mul3A_42, %dma_start3A_62] : memref<2560x128xi32, #tpu.memory_space<hbm>> -> memref<80x128xi32, #tpu.memory_space<hbm>>
      tpu.enqueue_dma source(%dma_start3A_63 : memref<80x128xi32, #tpu.memory_space<hbm>>) target(%arg7 : memref<80x128xi32, #tpu.memory_space<vmem>>) target_semaphore(%run_scoped3A : memref<!tpu.dma_semaphore, #tpu.memory_space<semaphore_mem>>)
      %dma_wait3A = arith.constant 0 : i32
      %dma_wait3A_64 = tpu.memref_slice %arg2[%mul3A_42, %dma_wait3A] : memref<2560x128xi32, #tpu.memory_space<hbm>> -> memref<80x128xi32, #tpu.memory_space<hbm>>
      %dma_wait3A_65 = arith.constant 0 : i32
      %dma_wait3A_66 = tpu.memref_slice %arg2[%mul3A_42, %dma_wait3A_65] : memref<2560x128xi32, #tpu.memory_space<hbm>> -> memref<80x128xi32, #tpu.memory_space<hbm>>
      tpu.wait_dma2 semaphore(%run_scoped3A : memref<!tpu.dma_semaphore, #tpu.memory_space<semaphore_mem>>) src(%dma_wait3A_66 : memref<80x128xi32, #tpu.memory_space<hbm>>) dst(%arg7 : memref<80x128xi32, #tpu.memory_space<vmem>>)
      tpu.yield
    }) : () -> ()
    %mul3A_43 = arith.constant 640 : i32
    %mul3A_44 = arith.muli %arg1, %mul3A_43 : i32
    "tpu.region"() ({
      %run_scoped3A = tpu.sem_alloc : memref<!tpu.dma_semaphore, #tpu.memory_space<semaphore_mem>>
      %dma_start3A = tpu.memref_slice %arg4[%mul3A_44] : memref<10240xf32, #tpu.memory_space<vmem_shared>> -> memref<640xf32, #tpu.memory_space<vmem_shared>>
      %dma_start3A_61 = tpu.memref_slice %arg4[%mul3A_44] : memref<10240xf32, #tpu.memory_space<vmem_shared>> -> memref<640xf32, #tpu.memory_space<vmem_shared>>
      tpu.enqueue_dma source(%arg5 : memref<640xf32, #tpu.memory_space<vmem>>) target(%dma_start3A_61 : memref<640xf32, #tpu.memory_space<vmem_shared>>) target_semaphore(%run_scoped3A : memref<!tpu.dma_semaphore, #tpu.memory_space<semaphore_mem>>)
      %dma_wait3A = tpu.memref_slice %arg4[%mul3A_44] : memref<10240xf32, #tpu.memory_space<vmem_shared>> -> memref<640xf32, #tpu.memory_space<vmem_shared>>
      %dma_wait3A_62 = tpu.memref_slice %arg4[%mul3A_44] : memref<10240xf32, #tpu.memory_space<vmem_shared>> -> memref<640xf32, #tpu.memory_space<vmem_shared>>
      tpu.wait_dma2 semaphore(%run_scoped3A : memref<!tpu.dma_semaphore, #tpu.memory_space<semaphore_mem>>) src(%arg5 : memref<640xf32, #tpu.memory_space<vmem>>) dst(%dma_wait3A_62 : memref<640xf32, #tpu.memory_space<vmem_shared>>)
      tpu.yield
    }) : () -> ()
    %barrier3A = arith.constant 0 : index
    tpu.barrier barrier_id(%barrier3A)
    %scan3A_45 = arith.constant 0 : i32
    %scan3A_46 = arith.constant 0 : i32
    %scan3A_47 = arith.constant 80 : i32
    %scan3A_48 = arith.addi %scan3A_46, %scan3A_47 : i32
    %scan3A_49 = arith.constant 1 : i32
    %scan3A_50 = scf.for %scan3A_61 = %scan3A_46 to %scan3A_48 step %scan3A_49 iter_args(%scan3A_62 = %scan3A_45) -> (i32)  : i32 {
      "tpu.region"() ({
        %run_scoped3A = tpu.sem_alloc : memref<!tpu.dma_semaphore, #tpu.memory_space<semaphore_mem>>
        %dma_start3A = arith.constant 0 : i32
        %dma_start3A_64 = tpu.memref_slice %arg7[%scan3A_61, %dma_start3A] : memref<80x128xi32, #tpu.memory_space<vmem>> -> memref<1x128xi32, #tpu.memory_space<vmem>>
        %dma_start3A_65 = tpu.memref_squeeze %dma_start3A_64 : memref<1x128xi32, #tpu.memory_space<vmem>> -> memref<128xi32, #tpu.memory_space<vmem>>
        %dma_start3A_66 = arith.constant 0 : i32
        %dma_start3A_67 = tpu.memref_slice %arg4[%dma_start3A_66] : memref<10240xf32, #tpu.memory_space<vmem_shared>> -> memref<10240xf32, #tpu.memory_space<vmem_shared>>
        tpu.enqueue_indirect_dma source(%arg6 : memref<128xf32, #tpu.memory_space<vmem>>) target(%dma_start3A_67 : memref<10240xf32, #tpu.memory_space<vmem_shared>>) offsets(%dma_start3A_65 : memref<128xi32, #tpu.memory_space<vmem>>) semaphore(%run_scoped3A : memref<!tpu.dma_semaphore, #tpu.memory_space<semaphore_mem>>) {add = true}
        %dma_wait3A = arith.constant 0 : i32
        %dma_wait3A_68 = tpu.memref_slice %arg7[%scan3A_61, %dma_wait3A] : memref<80x128xi32, #tpu.memory_space<vmem>> -> memref<1x128xi32, #tpu.memory_space<vmem>>
        %dma_wait3A_69 = tpu.memref_squeeze %dma_wait3A_68 : memref<1x128xi32, #tpu.memory_space<vmem>> -> memref<128xi32, #tpu.memory_space<vmem>>
        %dma_wait3A_70 = arith.constant 0 : i32
        %dma_wait3A_71 = tpu.memref_slice %arg4[%dma_wait3A_70] : memref<10240xf32, #tpu.memory_space<vmem_shared>> -> memref<10240xf32, #tpu.memory_space<vmem_shared>>
        tpu.wait_indirect_dma semaphore(%run_scoped3A : memref<!tpu.dma_semaphore, #tpu.memory_space<semaphore_mem>>) src(%arg6 : memref<128xf32, #tpu.memory_space<vmem>>) dst(%dma_wait3A_71 : memref<10240xf32, #tpu.memory_space<vmem_shared>>)
        tpu.yield
      }) : () -> ()
      %scan3A_63 = arith.constant 0 : i32
      scf.yield %scan3A_63 : i32
    }
    %scan3A_51 = arith.constant 80 : i32
    %barrier3A_52 = arith.constant 0 : index
    tpu.barrier barrier_id(%barrier3A_52)
    %mul3A_53 = arith.constant 640 : i32
    %mul3A_54 = arith.muli %arg1, %mul3A_53 : i32
    %lt3A = arith.constant 15 : i32
    %lt3A_55 = arith.cmpi slt, %arg1, %lt3A : i32
    %convert_element_type3A = arith.extui %lt3A_55 : i1 to i32
    %cond3A = arith.constant 0 : i32
    %cond3A_56 = arith.cmpi ne, %convert_element_type3A, %cond3A : i32
    scf.if %cond3A_56 {
      "tpu.region"() ({
        %run_scoped3A = tpu.sem_alloc : memref<!tpu.dma_semaphore, #tpu.memory_space<semaphore_mem>>
        %dma_start3A = tpu.memref_slice %arg4[%mul3A_54] : memref<10240xf32, #tpu.memory_space<vmem_shared>> -> memref<640xf32, #tpu.memory_space<vmem_shared>>
        %dma_start3A_64 = tpu.memref_slice %arg4[%mul3A_54] : memref<10240xf32, #tpu.memory_space<vmem_shared>> -> memref<640xf32, #tpu.memory_space<vmem_shared>>
        tpu.enqueue_dma source(%dma_start3A_64 : memref<640xf32, #tpu.memory_space<vmem_shared>>) target(%arg5 : memref<640xf32, #tpu.memory_space<vmem>>) target_semaphore(%run_scoped3A : memref<!tpu.dma_semaphore, #tpu.memory_space<semaphore_mem>>)
        %dma_wait3A = tpu.memref_slice %arg4[%mul3A_54] : memref<10240xf32, #tpu.memory_space<vmem_shared>> -> memref<640xf32, #tpu.memory_space<vmem_shared>>
        %dma_wait3A_65 = tpu.memref_slice %arg4[%mul3A_54] : memref<10240xf32, #tpu.memory_space<vmem_shared>> -> memref<640xf32, #tpu.memory_space<vmem_shared>>
        tpu.wait_dma2 semaphore(%run_scoped3A : memref<!tpu.dma_semaphore, #tpu.memory_space<semaphore_mem>>) src(%dma_wait3A_65 : memref<640xf32, #tpu.memory_space<vmem_shared>>) dst(%arg5 : memref<640xf32, #tpu.memory_space<vmem>>)
        tpu.yield
      }) : () -> ()
      %mul3A_61 = arith.constant 10000 : i32
      %mul3A_62 = arith.muli %arg0, %mul3A_61 : i32
      %add3A_63 = arith.addi %mul3A_62, %mul3A_54 : i32
      "tpu.region"() ({
        %run_scoped3A = tpu.sem_alloc : memref<!tpu.dma_semaphore, #tpu.memory_space<semaphore_mem>>
        %dma_start3A = tpu.memref_slice %arg3[%add3A_63] : memref<20000xf32, #tpu.memory_space<hbm>> -> memref<640xf32, #tpu.memory_space<hbm>>
        %dma_start3A_64 = tpu.memref_slice %arg3[%add3A_63] : memref<20000xf32, #tpu.memory_space<hbm>> -> memref<640xf32, #tpu.memory_space<hbm>>
        tpu.enqueue_dma source(%arg5 : memref<640xf32, #tpu.memory_space<vmem>>) target(%dma_start3A_64 : memref<640xf32, #tpu.memory_space<hbm>>) target_semaphore(%run_scoped3A : memref<!tpu.dma_semaphore, #tpu.memory_space<semaphore_mem>>)
        %dma_wait3A = tpu.memref_slice %arg3[%add3A_63] : memref<20000xf32, #tpu.memory_space<hbm>> -> memref<640xf32, #tpu.memory_space<hbm>>
        %dma_wait3A_65 = tpu.memref_slice %arg3[%add3A_63] : memref<20000xf32, #tpu.memory_space<hbm>> -> memref<640xf32, #tpu.memory_space<hbm>>
        tpu.wait_dma2 semaphore(%run_scoped3A : memref<!tpu.dma_semaphore, #tpu.memory_space<semaphore_mem>>) src(%arg5 : memref<640xf32, #tpu.memory_space<vmem>>) dst(%dma_wait3A_65 : memref<640xf32, #tpu.memory_space<hbm>>)
        tpu.yield
      }) : () -> ()
    } else {
    }
    %eq3A = arith.constant 15 : i32
    %eq3A_57 = arith.cmpi eq, %arg1, %eq3A : i32
    %convert_element_type3A_58 = arith.extui %eq3A_57 : i1 to i32
    %cond3A_59 = arith.constant 0 : i32
    %cond3A_60 = arith.cmpi ne, %convert_element_type3A_58, %cond3A_59 : i32
    scf.if %cond3A_60 {
      "tpu.region"() ({
        %run_scoped3A = tpu.sem_alloc : memref<!tpu.dma_semaphore, #tpu.memory_space<semaphore_mem>>
        %dma_start3A = arith.constant 0 : i32
        %dma_start3A_64 = tpu.memref_slice %arg5[%dma_start3A] : memref<640xf32, #tpu.memory_space<vmem>> -> memref<400xf32, #tpu.memory_space<vmem>>
        %dma_start3A_65 = tpu.memref_slice %arg4[%mul3A_54] : memref<10240xf32, #tpu.memory_space<vmem_shared>> -> memref<400xf32, #tpu.memory_space<vmem_shared>>
        %dma_start3A_66 = arith.constant 0 : i32
        %dma_start3A_67 = tpu.memref_slice %arg5[%dma_start3A_66] : memref<640xf32, #tpu.memory_space<vmem>> -> memref<400xf32, #tpu.memory_space<vmem>>
        %dma_start3A_68 = tpu.memref_slice %arg4[%mul3A_54] : memref<10240xf32, #tpu.memory_space<vmem_shared>> -> memref<400xf32, #tpu.memory_space<vmem_shared>>
        tpu.enqueue_dma source(%dma_start3A_68 : memref<400xf32, #tpu.memory_space<vmem_shared>>) target(%dma_start3A_67 : memref<400xf32, #tpu.memory_space<vmem>>) target_semaphore(%run_scoped3A : memref<!tpu.dma_semaphore, #tpu.memory_space<semaphore_mem>>)
        %dma_wait3A = arith.constant 0 : i32
        %dma_wait3A_69 = tpu.memref_slice %arg5[%dma_wait3A] : memref<640xf32, #tpu.memory_space<vmem>> -> memref<400xf32, #tpu.memory_space<vmem>>
        %dma_wait3A_70 = tpu.memref_slice %arg4[%mul3A_54] : memref<10240xf32, #tpu.memory_space<vmem_shared>> -> memref<400xf32, #tpu.memory_space<vmem_shared>>
        %dma_wait3A_71 = arith.constant 0 : i32
        %dma_wait3A_72 = tpu.memref_slice %arg5[%dma_wait3A_71] : memref<640xf32, #tpu.memory_space<vmem>> -> memref<400xf32, #tpu.memory_space<vmem>>
        %dma_wait3A_73 = tpu.memref_slice %arg4[%mul3A_54] : memref<10240xf32, #tpu.memory_space<vmem_shared>> -> memref<400xf32, #tpu.memory_space<vmem_shared>>
        tpu.wait_dma2 semaphore(%run_scoped3A : memref<!tpu.dma_semaphore, #tpu.memory_space<semaphore_mem>>) src(%dma_wait3A_73 : memref<400xf32, #tpu.memory_space<vmem_shared>>) dst(%dma_wait3A_72 : memref<400xf32, #tpu.memory_space<vmem>>)
        tpu.yield
      }) : () -> ()
      %mul3A_61 = arith.constant 10000 : i32
      %mul3A_62 = arith.muli %arg0, %mul3A_61 : i32
      %add3A_63 = arith.addi %mul3A_62, %mul3A_54 : i32
      "tpu.region"() ({
        %run_scoped3A = tpu.sem_alloc : memref<!tpu.dma_semaphore, #tpu.memory_space<semaphore_mem>>
        %dma_start3A = arith.constant 0 : i32
        %dma_start3A_64 = tpu.memref_slice %arg5[%dma_start3A] : memref<640xf32, #tpu.memory_space<vmem>> -> memref<400xf32, #tpu.memory_space<vmem>>
        %dma_start3A_65 = tpu.memref_slice %arg3[%add3A_63] : memref<20000xf32, #tpu.memory_space<hbm>> -> memref<400xf32, #tpu.memory_space<hbm>>
        %dma_start3A_66 = tpu.memref_slice %arg3[%add3A_63] : memref<20000xf32, #tpu.memory_space<hbm>> -> memref<400xf32, #tpu.memory_space<hbm>>
        %dma_start3A_67 = arith.constant 0 : i32
        %dma_start3A_68 = tpu.memref_slice %arg5[%dma_start3A_67] : memref<640xf32, #tpu.memory_space<vmem>> -> memref<400xf32, #tpu.memory_space<vmem>>
        tpu.enqueue_dma source(%dma_start3A_68 : memref<400xf32, #tpu.memory_space<vmem>>) target(%dma_start3A_66 : memref<400xf32, #tpu.memory_space<hbm>>) target_semaphore(%run_scoped3A : memref<!tpu.dma_semaphore, #tpu.memory_space<semaphore_mem>>)
        %dma_wait3A = arith.constant 0 : i32
        %dma_wait3A_69 = tpu.memref_slice %arg5[%dma_wait3A] : memref<640xf32, #tpu.memory_space<vmem>> -> memref<400xf32, #tpu.memory_space<vmem>>
        %dma_wait3A_70 = tpu.memref_slice %arg3[%add3A_63] : memref<20000xf32, #tpu.memory_space<hbm>> -> memref<400xf32, #tpu.memory_space<hbm>>
        %dma_wait3A_71 = tpu.memref_slice %arg3[%add3A_63] : memref<20000xf32, #tpu.memory_space<hbm>> -> memref<400xf32, #tpu.memory_space<hbm>>
        %dma_wait3A_72 = arith.constant 0 : i32
        %dma_wait3A_73 = tpu.memref_slice %arg5[%dma_wait3A_72] : memref<640xf32, #tpu.memory_space<vmem>> -> memref<400xf32, #tpu.memory_space<vmem>>
        tpu.wait_dma2 semaphore(%run_scoped3A : memref<!tpu.dma_semaphore, #tpu.memory_space<semaphore_mem>>) src(%dma_wait3A_73 : memref<400xf32, #tpu.memory_space<vmem>>) dst(%dma_wait3A_71 : memref<400xf32, #tpu.memory_space<hbm>>)
        tpu.yield
      }) : () -> ()
    } else {
    }
    return
  }
}

#map = affine_map<(d0, d1) -> (0, 0)>
#map1 = affine_map<(d0, d1) -> (0, 0, 0)>
module attributes {stable_mosaic.version = 14 : i64} {
  func.func @body(%arg0: i32, %arg1: i32, %arg2: memref<10000x128xf32, #tpu.memory_space<hbm>>, %arg3: memref<2560x128xi32, #tpu.memory_space<hbm>>, %arg4: memref<2560x128xi32, #tpu.memory_space<hbm>>, %arg5: memref<2x10000x128xf32, #tpu.memory_space<hbm>>, %arg6: memref<10080x128xf32, #tpu.memory_space<vmem_shared>>, %arg7: memref<128x128xf32, #tpu.memory_space<vmem>>, %arg8: memref<128x128xf32, #tpu.memory_space<vmem>>, %arg9: memref<40x128xi32, #tpu.memory_space<vmem>>, %arg10: memref<40x128xi32, #tpu.memory_space<vmem>>, %arg11: memref<!tpu.dma_semaphore, #tpu.memory_space<semaphore_mem>>, %arg12: memref<!tpu.dma_semaphore, #tpu.memory_space<semaphore_mem>>) attributes {dimension_semantics = [#tpu.dimension_semantics<core_parallel>, #tpu.dimension_semantics<subcore_parallel>], iteration_bounds = array<i64: 2, 16>, scalar_prefetch = 0 : i64, scratch_operands = 7 : i64, tpu.core_type = #tpu.core_type<sc_vector_subcore>, window_params = [{transform_indices = #map}, {transform_indices = #map}, {transform_indices = #map}, {transform_indices = #map1}]} {
    %mul3A = arith.constant 16 : i32
    %mul3A_0 = arith.muli %arg0, %mul3A : i32
    %add3A = arith.addi %mul3A_0, %arg1 : i32
    %eq3A = arith.constant 15 : i32
    %eq3A_1 = arith.cmpi eq, %arg1, %eq3A : i32
    %jit3A = arith.constant 5 : i32
    %jit3A_2 = arith.constant 8 : i32
    %select_n3A = arith.select %eq3A_1, %jit3A, %jit3A_2 : i32
    %eq3A_3 = arith.constant 15 : i32
    %eq3A_4 = arith.cmpi eq, %arg1, %eq3A_3 : i32
    %jit3A_5 = arith.constant 6 : i32
    %jit3A_6 = arith.constant 8 : i32
    %select_n3A_7 = arith.select %eq3A_4, %jit3A_5, %jit3A_6 : i32
    %mul3A_8 = arith.constant 80 : i32
    %mul3A_9 = arith.muli %add3A, %mul3A_8 : i32
    %dma_start3A = arith.constant 0 : i32
    %dma_start3A_10 = tpu.memref_slice %arg3[%mul3A_9, %dma_start3A] : memref<2560x128xi32, #tpu.memory_space<hbm>> -> memref<40x128xi32, #tpu.memory_space<hbm>>
    %dma_start3A_11 = arith.constant 0 : i32
    %dma_start3A_12 = tpu.memref_slice %arg3[%mul3A_9, %dma_start3A_11] : memref<2560x128xi32, #tpu.memory_space<hbm>> -> memref<40x128xi32, #tpu.memory_space<hbm>>
    tpu.enqueue_dma source(%dma_start3A_12 : memref<40x128xi32, #tpu.memory_space<hbm>>) target(%arg9 : memref<40x128xi32, #tpu.memory_space<vmem>>) target_semaphore(%arg11 : memref<!tpu.dma_semaphore, #tpu.memory_space<semaphore_mem>>)
    %mul3A_13 = arith.constant 80 : i32
    %mul3A_14 = arith.muli %add3A, %mul3A_13 : i32
    %dma_start3A_15 = arith.constant 0 : i32
    %dma_start3A_16 = tpu.memref_slice %arg4[%mul3A_14, %dma_start3A_15] : memref<2560x128xi32, #tpu.memory_space<hbm>> -> memref<40x128xi32, #tpu.memory_space<hbm>>
    %dma_start3A_17 = arith.constant 0 : i32
    %dma_start3A_18 = tpu.memref_slice %arg4[%mul3A_14, %dma_start3A_17] : memref<2560x128xi32, #tpu.memory_space<hbm>> -> memref<40x128xi32, #tpu.memory_space<hbm>>
    tpu.enqueue_dma source(%dma_start3A_18 : memref<40x128xi32, #tpu.memory_space<hbm>>) target(%arg10 : memref<40x128xi32, #tpu.memory_space<vmem>>) target_semaphore(%arg12 : memref<!tpu.dma_semaphore, #tpu.memory_space<semaphore_mem>>)
    %broadcast_in_dim3A = arith.constant 0.000000e+00 : f32
    %broadcast_in_dim3A_19 = vector.broadcast %broadcast_in_dim3A : f32 to vector<16xf32>
    %scan3A = arith.constant 0 : i32
    %scan3A_20 = arith.constant 0 : i32
    %scan3A_21 = arith.constant 80 : i32
    %scan3A_22 = arith.addi %scan3A_20, %scan3A_21 : i32
    %scan3A_23 = arith.constant 1 : i32
    %scan3A_24 = scf.for %scan3A_93 = %scan3A_20 to %scan3A_22 step %scan3A_23 iter_args(%scan3A_94 = %scan3A) -> (i32)  : i32 {
      %swap3A = arith.index_cast %scan3A_93 : i32 to index
      %swap3A_95 = arith.constant 0 : index
      %swap3A_96 = tpu.vector_load %arg7[%swap3A, %swap3A_95] {strides = array<i32>} : memref<128x128xf32, #tpu.memory_space<vmem>>, vector<1x16xf32>,
      %swap3A_97 = vector.shape_cast %swap3A_96 : vector<1x16xf32> to vector<16xf32>
      %swap3A_98 = vector.shape_cast %broadcast_in_dim3A_19 : vector<16xf32> to vector<1x16xf32>
      tpu.vector_store %arg7[%swap3A, %swap3A_95], %swap3A_98 {strides = array<i32>} : memref<128x128xf32, #tpu.memory_space<vmem>>, vector<1x16xf32>,
      %swap3A_99 = arith.index_cast %scan3A_93 : i32 to index
      %swap3A_100 = arith.constant 16 : index
      %swap3A_101 = tpu.vector_load %arg7[%swap3A_99, %swap3A_100] {strides = array<i32>} : memref<128x128xf32, #tpu.memory_space<vmem>>, vector<1x16xf32>,
      %swap3A_102 = vector.shape_cast %swap3A_101 : vector<1x16xf32> to vector<16xf32>
      %swap3A_103 = vector.shape_cast %broadcast_in_dim3A_19 : vector<16xf32> to vector<1x16xf32>
      tpu.vector_store %arg7[%swap3A_99, %swap3A_100], %swap3A_103 {strides = array<i32>} : memref<128x128xf32, #tpu.memory_space<vmem>>, vector<1x16xf32>,
      %swap3A_104 = arith.index_cast %scan3A_93 : i32 to index
      %swap3A_105 = arith.constant 32 : index
      %swap3A_106 = tpu.vector_load %arg7[%swap3A_104, %swap3A_105] {strides = array<i32>} : memref<128x128xf32, #tpu.memory_space<vmem>>, vector<1x16xf32>,
      %swap3A_107 = vector.shape_cast %swap3A_106 : vector<1x16xf32> to vector<16xf32>
      %swap3A_108 = vector.shape_cast %broadcast_in_dim3A_19 : vector<16xf32> to vector<1x16xf32>
      tpu.vector_store %arg7[%swap3A_104, %swap3A_105], %swap3A_108 {strides = array<i32>} : memref<128x128xf32, #tpu.memory_space<vmem>>, vector<1x16xf32>,
      %swap3A_109 = arith.index_cast %scan3A_93 : i32 to index
      %swap3A_110 = arith.constant 48 : index
      %swap3A_111 = tpu.vector_load %arg7[%swap3A_109, %swap3A_110] {strides = array<i32>} : memref<128x128xf32, #tpu.memory_space<vmem>>, vector<1x16xf32>,
      %swap3A_112 = vector.shape_cast %swap3A_111 : vector<1x16xf32> to vector<16xf32>
      %swap3A_113 = vector.shape_cast %broadcast_in_dim3A_19 : vector<16xf32> to vector<1x16xf32>
      tpu.vector_store %arg7[%swap3A_109, %swap3A_110], %swap3A_113 {strides = array<i32>} : memref<128x128xf32, #tpu.memory_space<vmem>>, vector<1x16xf32>,
      %swap3A_114 = arith.index_cast %scan3A_93 : i32 to index
      %swap3A_115 = arith.constant 64 : index
      %swap3A_116 = tpu.vector_load %arg7[%swap3A_114, %swap3A_115] {strides = array<i32>} : memref<128x128xf32, #tpu.memory_space<vmem>>, vector<1x16xf32>,
      %swap3A_117 = vector.shape_cast %swap3A_116 : vector<1x16xf32> to vector<16xf32>
      %swap3A_118 = vector.shape_cast %broadcast_in_dim3A_19 : vector<16xf32> to vector<1x16xf32>
      tpu.vector_store %arg7[%swap3A_114, %swap3A_115], %swap3A_118 {strides = array<i32>} : memref<128x128xf32, #tpu.memory_space<vmem>>, vector<1x16xf32>,
      %swap3A_119 = arith.index_cast %scan3A_93 : i32 to index
      %swap3A_120 = arith.constant 80 : index
      %swap3A_121 = tpu.vector_load %arg7[%swap3A_119, %swap3A_120] {strides = array<i32>} : memref<128x128xf32, #tpu.memory_space<vmem>>, vector<1x16xf32>,
      %swap3A_122 = vector.shape_cast %swap3A_121 : vector<1x16xf32> to vector<16xf32>
      %swap3A_123 = vector.shape_cast %broadcast_in_dim3A_19 : vector<16xf32> to vector<1x16xf32>
      tpu.vector_store %arg7[%swap3A_119, %swap3A_120], %swap3A_123 {strides = array<i32>} : memref<128x128xf32, #tpu.memory_space<vmem>>, vector<1x16xf32>,
      %swap3A_124 = arith.index_cast %scan3A_93 : i32 to index
      %swap3A_125 = arith.constant 96 : index
      %swap3A_126 = tpu.vector_load %arg7[%swap3A_124, %swap3A_125] {strides = array<i32>} : memref<128x128xf32, #tpu.memory_space<vmem>>, vector<1x16xf32>,
      %swap3A_127 = vector.shape_cast %swap3A_126 : vector<1x16xf32> to vector<16xf32>
      %swap3A_128 = vector.shape_cast %broadcast_in_dim3A_19 : vector<16xf32> to vector<1x16xf32>
      tpu.vector_store %arg7[%swap3A_124, %swap3A_125], %swap3A_128 {strides = array<i32>} : memref<128x128xf32, #tpu.memory_space<vmem>>, vector<1x16xf32>,
      %swap3A_129 = arith.index_cast %scan3A_93 : i32 to index
      %swap3A_130 = arith.constant 112 : index
      %swap3A_131 = tpu.vector_load %arg7[%swap3A_129, %swap3A_130] {strides = array<i32>} : memref<128x128xf32, #tpu.memory_space<vmem>>, vector<1x16xf32>,
      %swap3A_132 = vector.shape_cast %swap3A_131 : vector<1x16xf32> to vector<16xf32>
      %swap3A_133 = vector.shape_cast %broadcast_in_dim3A_19 : vector<16xf32> to vector<1x16xf32>
      tpu.vector_store %arg7[%swap3A_129, %swap3A_130], %swap3A_133 {strides = array<i32>} : memref<128x128xf32, #tpu.memory_space<vmem>>, vector<1x16xf32>,
      %scan3A_134 = arith.constant 0 : i32
      scf.yield %scan3A_134 : i32
    }
    %scan3A_25 = arith.constant 80 : i32
    %while3A = arith.constant 0 : i32
    %while3A_26 = arith.constant 0 : i32
    %while3A_27 = arith.subi %select_n3A_7, %while3A : i32
    %while3A_28 = arith.addi %while3A, %while3A_27 : i32
    %while3A_29 = arith.constant 1 : i32
    %while3A_30 = arith.divsi %while3A_27, %while3A_29 : i32
    %while3A_31 = arith.muli %while3A_30, %while3A_29 : i32
    %while3A_32 = arith.addi %while3A, %while3A_31 : i32
    %while3A_33 = arith.constant 1 : i32
    %while3A_34 = scf.for %while3A_93 = %while3A to %while3A_32 step %while3A_33 iter_args(%while3A_94 = %while3A_26) -> (i32)  : i32 {
      %mul3A_95 = arith.constant 640 : i32
      %mul3A_96 = arith.muli %arg1, %mul3A_95 : i32
      %mul3A_97 = arith.constant 80 : i32
      %mul3A_98 = arith.muli %while3A_93, %mul3A_97 : i32
      %add3A_99 = arith.addi %mul3A_96, %mul3A_98 : i32
      "tpu.region"() ({
        %run_scoped3A = tpu.sem_alloc : memref<!tpu.dma_semaphore, #tpu.memory_space<semaphore_mem>>
        %dma_start3A_101 = arith.constant 0 : i32
        %dma_start3A_102 = arith.constant 0 : i32
        %dma_start3A_103 = tpu.memref_slice %arg7[%dma_start3A_101, %dma_start3A_102] : memref<128x128xf32, #tpu.memory_space<vmem>> -> memref<80x128xf32, #tpu.memory_space<vmem>>
        %dma_start3A_104 = arith.constant 0 : i32
        %dma_start3A_105 = tpu.memref_slice %arg6[%add3A_99, %dma_start3A_104] : memref<10080x128xf32, #tpu.memory_space<vmem_shared>> -> memref<80x128xf32, #tpu.memory_space<vmem_shared>>
        %dma_start3A_106 = arith.constant 0 : i32
        %dma_start3A_107 = tpu.memref_slice %arg6[%add3A_99, %dma_start3A_106] : memref<10080x128xf32, #tpu.memory_space<vmem_shared>> -> memref<80x128xf32, #tpu.memory_space<vmem_shared>>
        %dma_start3A_108 = arith.constant 0 : i32
        %dma_start3A_109 = arith.constant 0 : i32
        %dma_start3A_110 = tpu.memref_slice %arg7[%dma_start3A_108, %dma_start3A_109] : memref<128x128xf32, #tpu.memory_space<vmem>> -> memref<80x128xf32, #tpu.memory_space<vmem>>
        tpu.enqueue_dma source(%dma_start3A_110 : memref<80x128xf32, #tpu.memory_space<vmem>>) target(%dma_start3A_107 : memref<80x128xf32, #tpu.memory_space<vmem_shared>>) target_semaphore(%run_scoped3A : memref<!tpu.dma_semaphore, #tpu.memory_space<semaphore_mem>>)
        %dma_wait3A_111 = arith.constant 0 : i32
        %dma_wait3A_112 = arith.constant 0 : i32
        %dma_wait3A_113 = tpu.memref_slice %arg7[%dma_wait3A_111, %dma_wait3A_112] : memref<128x128xf32, #tpu.memory_space<vmem>> -> memref<80x128xf32, #tpu.memory_space<vmem>>
        %dma_wait3A_114 = arith.constant 0 : i32
        %dma_wait3A_115 = tpu.memref_slice %arg6[%add3A_99, %dma_wait3A_114] : memref<10080x128xf32, #tpu.memory_space<vmem_shared>> -> memref<80x128xf32, #tpu.memory_space<vmem_shared>>
        %dma_wait3A_116 = arith.constant 0 : i32
        %dma_wait3A_117 = tpu.memref_slice %arg6[%add3A_99, %dma_wait3A_116] : memref<10080x128xf32, #tpu.memory_space<vmem_shared>> -> memref<80x128xf32, #tpu.memory_space<vmem_shared>>
        %dma_wait3A_118 = arith.constant 0 : i32
        %dma_wait3A_119 = arith.constant 0 : i32
        %dma_wait3A_120 = tpu.memref_slice %arg7[%dma_wait3A_118, %dma_wait3A_119] : memref<128x128xf32, #tpu.memory_space<vmem>> -> memref<80x128xf32, #tpu.memory_space<vmem>>
        tpu.wait_dma2 semaphore(%run_scoped3A : memref<!tpu.dma_semaphore, #tpu.memory_space<semaphore_mem>>) src(%dma_wait3A_120 : memref<80x128xf32, #tpu.memory_space<vmem>>) dst(%dma_wait3A_117 : memref<80x128xf32, #tpu.memory_space<vmem_shared>>)
        tpu.yield
      }) : () -> ()
      %while3A_100 = arith.constant 0 : i32
      scf.yield %while3A_100 : i32
    }
    %while3A_35 = arith.constant 1 : i32
    %while3A_36 = scf.for %while3A_93 = %while3A_32 to %while3A_28 step %while3A_35 iter_args(%while3A_94 = %while3A_34) -> (i32)  : i32 {
      %mul3A_95 = arith.constant 640 : i32
      %mul3A_96 = arith.muli %arg1, %mul3A_95 : i32
      %mul3A_97 = arith.constant 80 : i32
      %mul3A_98 = arith.muli %while3A_93, %mul3A_97 : i32
      %add3A_99 = arith.addi %mul3A_96, %mul3A_98 : i32
      "tpu.region"() ({
        %run_scoped3A = tpu.sem_alloc : memref<!tpu.dma_semaphore, #tpu.memory_space<semaphore_mem>>
        %dma_start3A_101 = arith.constant 0 : i32
        %dma_start3A_102 = arith.constant 0 : i32
        %dma_start3A_103 = tpu.memref_slice %arg7[%dma_start3A_101, %dma_start3A_102] : memref<128x128xf32, #tpu.memory_space<vmem>> -> memref<80x128xf32, #tpu.memory_space<vmem>>
        %dma_start3A_104 = arith.constant 0 : i32
        %dma_start3A_105 = tpu.memref_slice %arg6[%add3A_99, %dma_start3A_104] : memref<10080x128xf32, #tpu.memory_space<vmem_shared>> -> memref<80x128xf32, #tpu.memory_space<vmem_shared>>
        %dma_start3A_106 = arith.constant 0 : i32
        %dma_start3A_107 = tpu.memref_slice %arg6[%add3A_99, %dma_start3A_106] : memref<10080x128xf32, #tpu.memory_space<vmem_shared>> -> memref<80x128xf32, #tpu.memory_space<vmem_shared>>
        %dma_start3A_108 = arith.constant 0 : i32
        %dma_start3A_109 = arith.constant 0 : i32
        %dma_start3A_110 = tpu.memref_slice %arg7[%dma_start3A_108, %dma_start3A_109] : memref<128x128xf32, #tpu.memory_space<vmem>> -> memref<80x128xf32, #tpu.memory_space<vmem>>
        tpu.enqueue_dma source(%dma_start3A_110 : memref<80x128xf32, #tpu.memory_space<vmem>>) target(%dma_start3A_107 : memref<80x128xf32, #tpu.memory_space<vmem_shared>>) target_semaphore(%run_scoped3A : memref<!tpu.dma_semaphore, #tpu.memory_space<semaphore_mem>>)
        %dma_wait3A_111 = arith.constant 0 : i32
        %dma_wait3A_112 = arith.constant 0 : i32
        %dma_wait3A_113 = tpu.memref_slice %arg7[%dma_wait3A_111, %dma_wait3A_112] : memref<128x128xf32, #tpu.memory_space<vmem>> -> memref<80x128xf32, #tpu.memory_space<vmem>>
        %dma_wait3A_114 = arith.constant 0 : i32
        %dma_wait3A_115 = tpu.memref_slice %arg6[%add3A_99, %dma_wait3A_114] : memref<10080x128xf32, #tpu.memory_space<vmem_shared>> -> memref<80x128xf32, #tpu.memory_space<vmem_shared>>
        %dma_wait3A_116 = arith.constant 0 : i32
        %dma_wait3A_117 = tpu.memref_slice %arg6[%add3A_99, %dma_wait3A_116] : memref<10080x128xf32, #tpu.memory_space<vmem_shared>> -> memref<80x128xf32, #tpu.memory_space<vmem_shared>>
        %dma_wait3A_118 = arith.constant 0 : i32
        %dma_wait3A_119 = arith.constant 0 : i32
        %dma_wait3A_120 = tpu.memref_slice %arg7[%dma_wait3A_118, %dma_wait3A_119] : memref<128x128xf32, #tpu.memory_space<vmem>> -> memref<80x128xf32, #tpu.memory_space<vmem>>
        tpu.wait_dma2 semaphore(%run_scoped3A : memref<!tpu.dma_semaphore, #tpu.memory_space<semaphore_mem>>) src(%dma_wait3A_120 : memref<80x128xf32, #tpu.memory_space<vmem>>) dst(%dma_wait3A_117 : memref<80x128xf32, #tpu.memory_space<vmem_shared>>)
        tpu.yield
      }) : () -> ()
      %while3A_100 = arith.constant 0 : i32
      scf.yield %while3A_100 : i32
    }
    %barrier3A = arith.constant 0 : index
    tpu.barrier barrier_id(%barrier3A)
    %mul3A_37 = arith.constant 80 : i32
    %mul3A_38 = arith.muli %add3A, %mul3A_37 : i32
    %add3A_39 = arith.constant 0 : i32
    %add3A_40 = arith.addi %mul3A_38, %add3A_39 : i32
    %dma_wait3A = arith.constant 0 : i32
    %dma_wait3A_41 = tpu.memref_slice %arg3[%add3A_40, %dma_wait3A] : memref<2560x128xi32, #tpu.memory_space<hbm>> -> memref<40x128xi32, #tpu.memory_space<hbm>>
    %dma_wait3A_42 = arith.constant 0 : i32
    %dma_wait3A_43 = tpu.memref_slice %arg3[%add3A_40, %dma_wait3A_42] : memref<2560x128xi32, #tpu.memory_space<hbm>> -> memref<40x128xi32, #tpu.memory_space<hbm>>
    tpu.wait_dma2 semaphore(%arg11 : memref<!tpu.dma_semaphore, #tpu.memory_space<semaphore_mem>>) src(%dma_wait3A_43 : memref<40x128xi32, #tpu.memory_space<hbm>>) dst(%arg9 : memref<40x128xi32, #tpu.memory_space<vmem>>)
    %dma_wait3A_44 = arith.constant 0 : i32
    %dma_wait3A_45 = tpu.memref_slice %arg4[%add3A_40, %dma_wait3A_44] : memref<2560x128xi32, #tpu.memory_space<hbm>> -> memref<40x128xi32, #tpu.memory_space<hbm>>
    %dma_wait3A_46 = arith.constant 0 : i32
    %dma_wait3A_47 = tpu.memref_slice %arg4[%add3A_40, %dma_wait3A_46] : memref<2560x128xi32, #tpu.memory_space<hbm>> -> memref<40x128xi32, #tpu.memory_space<hbm>>
    tpu.wait_dma2 semaphore(%arg12 : memref<!tpu.dma_semaphore, #tpu.memory_space<semaphore_mem>>) src(%dma_wait3A_47 : memref<40x128xi32, #tpu.memory_space<hbm>>) dst(%arg10 : memref<40x128xi32, #tpu.memory_space<vmem>>)
    %dma_start3A_48 = arith.constant 0 : i32
    %dma_start3A_49 = arith.constant 0 : i32
    %dma_start3A_50 = tpu.memref_slice %arg9[%dma_start3A_48, %dma_start3A_49] : memref<40x128xi32, #tpu.memory_space<vmem>> -> memref<1x128xi32, #tpu.memory_space<vmem>>
    %dma_start3A_51 = tpu.memref_squeeze %dma_start3A_50 : memref<1x128xi32, #tpu.memory_space<vmem>> -> memref<128xi32, #tpu.memory_space<vmem>>
    %dma_start3A_52 = arith.constant 0 : i32
    %dma_start3A_53 = arith.constant 0 : i32
    %dma_start3A_54 = tpu.memref_slice %arg2[%dma_start3A_52, %dma_start3A_53] : memref<10000x128xf32, #tpu.memory_space<hbm>> -> memref<10000x128xf32, #tpu.memory_space<hbm>>
    tpu.enqueue_indirect_dma source(%dma_start3A_54 : memref<10000x128xf32, #tpu.memory_space<hbm>>) target(%arg7 : memref<128x128xf32, #tpu.memory_space<vmem>>) offsets(%dma_start3A_51 : memref<128xi32, #tpu.memory_space<vmem>>) semaphore(%arg11 : memref<!tpu.dma_semaphore, #tpu.memory_space<semaphore_mem>>)
    %scan3A_55 = arith.constant 0 : i32
    %scan3A_56 = arith.constant 0 : i32
    %scan3A_57 = arith.constant 20 : i32
    %scan3A_58 = arith.addi %scan3A_56, %scan3A_57 : i32
    %scan3A_59 = arith.constant 1 : i32
    %scan3A_60 = scf.for %scan3A_93 = %scan3A_56 to %scan3A_58 step %scan3A_59 iter_args(%scan3A_94 = %scan3A_55) -> (i32)  : i32 {
      %mul3A_95 = arith.constant 2 : i32
      %mul3A_96 = arith.muli %mul3A_95, %scan3A_93 : i32
      %add3A_97 = arith.constant 1 : i32
      %add3A_98 = arith.addi %mul3A_96, %add3A_97 : i32
      %dma_start3A_99 = arith.constant 0 : i32
      %dma_start3A_100 = tpu.memref_slice %arg9[%add3A_98, %dma_start3A_99] : memref<40x128xi32, #tpu.memory_space<vmem>> -> memref<1x128xi32, #tpu.memory_space<vmem>>
      %dma_start3A_101 = tpu.memref_squeeze %dma_start3A_100 : memref<1x128xi32, #tpu.memory_space<vmem>> -> memref<128xi32, #tpu.memory_space<vmem>>
      %dma_start3A_102 = arith.constant 0 : i32
      %dma_start3A_103 = arith.constant 0 : i32
      %dma_start3A_104 = tpu.memref_slice %arg2[%dma_start3A_102, %dma_start3A_103] : memref<10000x128xf32, #tpu.memory_space<hbm>> -> memref<10000x128xf32, #tpu.memory_space<hbm>>
      tpu.enqueue_indirect_dma source(%dma_start3A_104 : memref<10000x128xf32, #tpu.memory_space<hbm>>) target(%arg8 : memref<128x128xf32, #tpu.memory_space<vmem>>) offsets(%dma_start3A_101 : memref<128xi32, #tpu.memory_space<vmem>>) semaphore(%arg12 : memref<!tpu.dma_semaphore, #tpu.memory_space<semaphore_mem>>)
      %dma_wait3A_105 = arith.constant 0 : i32
      %dma_wait3A_106 = tpu.memref_slice %arg9[%mul3A_96, %dma_wait3A_105] : memref<40x128xi32, #tpu.memory_space<vmem>> -> memref<1x128xi32, #tpu.memory_space<vmem>>
      %dma_wait3A_107 = tpu.memref_squeeze %dma_wait3A_106 : memref<1x128xi32, #tpu.memory_space<vmem>> -> memref<128xi32, #tpu.memory_space<vmem>>
      %dma_wait3A_108 = arith.constant 0 : i32
      %dma_wait3A_109 = arith.constant 0 : i32
      %dma_wait3A_110 = tpu.memref_slice %arg2[%dma_wait3A_108, %dma_wait3A_109] : memref<10000x128xf32, #tpu.memory_space<hbm>> -> memref<10000x128xf32, #tpu.memory_space<hbm>>
      tpu.wait_indirect_dma semaphore(%arg11 : memref<!tpu.dma_semaphore, #tpu.memory_space<semaphore_mem>>) src(%dma_wait3A_110 : memref<10000x128xf32, #tpu.memory_space<hbm>>) dst(%arg7 : memref<128x128xf32, #tpu.memory_space<vmem>>)
      "tpu.region"() ({
        %run_scoped3A = tpu.sem_alloc : memref<!tpu.dma_semaphore, #tpu.memory_space<semaphore_mem>>
        %dma_start3A_124 = arith.constant 0 : i32
        %dma_start3A_125 = tpu.memref_slice %arg10[%mul3A_96, %dma_start3A_124] : memref<40x128xi32, #tpu.memory_space<vmem>> -> memref<1x128xi32, #tpu.memory_space<vmem>>
        %dma_start3A_126 = tpu.memref_squeeze %dma_start3A_125 : memref<1x128xi32, #tpu.memory_space<vmem>> -> memref<128xi32, #tpu.memory_space<vmem>>
        %dma_start3A_127 = arith.constant 0 : i32
        %dma_start3A_128 = arith.constant 0 : i32
        %dma_start3A_129 = tpu.memref_slice %arg6[%dma_start3A_127, %dma_start3A_128] : memref<10080x128xf32, #tpu.memory_space<vmem_shared>> -> memref<10080x128xf32, #tpu.memory_space<vmem_shared>>
        tpu.enqueue_indirect_dma source(%arg7 : memref<128x128xf32, #tpu.memory_space<vmem>>) target(%dma_start3A_129 : memref<10080x128xf32, #tpu.memory_space<vmem_shared>>) offsets(%dma_start3A_126 : memref<128xi32, #tpu.memory_space<vmem>>) semaphore(%run_scoped3A : memref<!tpu.dma_semaphore, #tpu.memory_space<semaphore_mem>>) {add = true}
        %dma_wait3A_130 = arith.constant 0 : i32
        %dma_wait3A_131 = tpu.memref_slice %arg10[%mul3A_96, %dma_wait3A_130] : memref<40x128xi32, #tpu.memory_space<vmem>> -> memref<1x128xi32, #tpu.memory_space<vmem>>
        %dma_wait3A_132 = tpu.memref_squeeze %dma_wait3A_131 : memref<1x128xi32, #tpu.memory_space<vmem>> -> memref<128xi32, #tpu.memory_space<vmem>>
        %dma_wait3A_133 = arith.constant 0 : i32
        %dma_wait3A_134 = arith.constant 0 : i32
        %dma_wait3A_135 = tpu.memref_slice %arg6[%dma_wait3A_133, %dma_wait3A_134] : memref<10080x128xf32, #tpu.memory_space<vmem_shared>> -> memref<10080x128xf32, #tpu.memory_space<vmem_shared>>
        tpu.wait_indirect_dma semaphore(%run_scoped3A : memref<!tpu.dma_semaphore, #tpu.memory_space<semaphore_mem>>) src(%arg7 : memref<128x128xf32, #tpu.memory_space<vmem>>) dst(%dma_wait3A_135 : memref<10080x128xf32, #tpu.memory_space<vmem_shared>>)
        tpu.yield
      }) : () -> ()
      %add3A_111 = arith.constant 2 : i32
      %add3A_112 = arith.addi %mul3A_96, %add3A_111 : i32
      %lt3A = arith.constant 40 : i32
      %lt3A_113 = arith.cmpi slt, %add3A_112, %lt3A : i32
      %convert_element_type3A = arith.extui %lt3A_113 : i1 to i32
      %cond3A = arith.constant 0 : i32
      %cond3A_114 = arith.cmpi ne, %convert_element_type3A, %cond3A : i32
      scf.if %cond3A_114 {
        %add3A_124 = arith.constant 2 : i32
        %add3A_125 = arith.addi %mul3A_96, %add3A_124 : i32
        %dma_start3A_126 = arith.constant 0 : i32
        %dma_start3A_127 = tpu.memref_slice %arg9[%add3A_125, %dma_start3A_126] : memref<40x128xi32, #tpu.memory_space<vmem>> -> memref<1x128xi32, #tpu.memory_space<vmem>>
        %dma_start3A_128 = tpu.memref_squeeze %dma_start3A_127 : memref<1x128xi32, #tpu.memory_space<vmem>> -> memref<128xi32, #tpu.memory_space<vmem>>
        %dma_start3A_129 = arith.constant 0 : i32
        %dma_start3A_130 = arith.constant 0 : i32
        %dma_start3A_131 = tpu.memref_slice %arg2[%dma_start3A_129, %dma_start3A_130] : memref<10000x128xf32, #tpu.memory_space<hbm>> -> memref<10000x128xf32, #tpu.memory_space<hbm>>
        tpu.enqueue_indirect_dma source(%dma_start3A_131 : memref<10000x128xf32, #tpu.memory_space<hbm>>) target(%arg7 : memref<128x128xf32, #tpu.memory_space<vmem>>) offsets(%dma_start3A_128 : memref<128xi32, #tpu.memory_space<vmem>>) semaphore(%arg11 : memref<!tpu.dma_semaphore, #tpu.memory_space<semaphore_mem>>)
      } else {
      }
      %add3A_115 = arith.constant 1 : i32
      %add3A_116 = arith.addi %mul3A_96, %add3A_115 : i32
      %dma_wait3A_117 = arith.constant 0 : i32
      %dma_wait3A_118 = tpu.memref_slice %arg9[%add3A_116, %dma_wait3A_117] : memref<40x128xi32, #tpu.memory_space<vmem>> -> memref<1x128xi32, #tpu.memory_space<vmem>>
      %dma_wait3A_119 = tpu.memref_squeeze %dma_wait3A_118 : memref<1x128xi32, #tpu.memory_space<vmem>> -> memref<128xi32, #tpu.memory_space<vmem>>
      %dma_wait3A_120 = arith.constant 0 : i32
      %dma_wait3A_121 = arith.constant 0 : i32
      %dma_wait3A_122 = tpu.memref_slice %arg2[%dma_wait3A_120, %dma_wait3A_121] : memref<10000x128xf32, #tpu.memory_space<hbm>> -> memref<10000x128xf32, #tpu.memory_space<hbm>>
      tpu.wait_indirect_dma semaphore(%arg12 : memref<!tpu.dma_semaphore, #tpu.memory_space<semaphore_mem>>) src(%dma_wait3A_122 : memref<10000x128xf32, #tpu.memory_space<hbm>>) dst(%arg8 : memref<128x128xf32, #tpu.memory_space<vmem>>)
      "tpu.region"() ({
        %run_scoped3A = tpu.sem_alloc : memref<!tpu.dma_semaphore, #tpu.memory_space<semaphore_mem>>
        %dma_start3A_124 = arith.constant 0 : i32
        %dma_start3A_125 = tpu.memref_slice %arg10[%add3A_116, %dma_start3A_124] : memref<40x128xi32, #tpu.memory_space<vmem>> -> memref<1x128xi32, #tpu.memory_space<vmem>>
        %dma_start3A_126 = tpu.memref_squeeze %dma_start3A_125 : memref<1x128xi32, #tpu.memory_space<vmem>> -> memref<128xi32, #tpu.memory_space<vmem>>
        %dma_start3A_127 = arith.constant 0 : i32
        %dma_start3A_128 = arith.constant 0 : i32
        %dma_start3A_129 = tpu.memref_slice %arg6[%dma_start3A_127, %dma_start3A_128] : memref<10080x128xf32, #tpu.memory_space<vmem_shared>> -> memref<10080x128xf32, #tpu.memory_space<vmem_shared>>
        tpu.enqueue_indirect_dma source(%arg8 : memref<128x128xf32, #tpu.memory_space<vmem>>) target(%dma_start3A_129 : memref<10080x128xf32, #tpu.memory_space<vmem_shared>>) offsets(%dma_start3A_126 : memref<128xi32, #tpu.memory_space<vmem>>) semaphore(%run_scoped3A : memref<!tpu.dma_semaphore, #tpu.memory_space<semaphore_mem>>) {add = true}
        %dma_wait3A_130 = arith.constant 0 : i32
        %dma_wait3A_131 = tpu.memref_slice %arg10[%add3A_116, %dma_wait3A_130] : memref<40x128xi32, #tpu.memory_space<vmem>> -> memref<1x128xi32, #tpu.memory_space<vmem>>
        %dma_wait3A_132 = tpu.memref_squeeze %dma_wait3A_131 : memref<1x128xi32, #tpu.memory_space<vmem>> -> memref<128xi32, #tpu.memory_space<vmem>>
        %dma_wait3A_133 = arith.constant 0 : i32
        %dma_wait3A_134 = arith.constant 0 : i32
        %dma_wait3A_135 = tpu.memref_slice %arg6[%dma_wait3A_133, %dma_wait3A_134] : memref<10080x128xf32, #tpu.memory_space<vmem_shared>> -> memref<10080x128xf32, #tpu.memory_space<vmem_shared>>
        tpu.wait_indirect_dma semaphore(%run_scoped3A : memref<!tpu.dma_semaphore, #tpu.memory_space<semaphore_mem>>) src(%arg8 : memref<128x128xf32, #tpu.memory_space<vmem>>) dst(%dma_wait3A_135 : memref<10080x128xf32, #tpu.memory_space<vmem_shared>>)
        tpu.yield
      }) : () -> ()
      %scan3A_123 = arith.constant 0 : i32
      scf.yield %scan3A_123 : i32
    }
    %scan3A_61 = arith.constant 20 : i32
    %mul3A_62 = arith.constant 80 : i32
    %mul3A_63 = arith.muli %add3A, %mul3A_62 : i32
    %add3A_64 = arith.constant 40 : i32
    %add3A_65 = arith.addi %mul3A_63, %add3A_64 : i32
    "tpu.region"() ({
      %run_scoped3A = tpu.sem_alloc : memref<!tpu.dma_semaphore, #tpu.memory_space<semaphore_mem>>
      %dma_start3A_93 = arith.constant 0 : i32
      %dma_start3A_94 = tpu.memref_slice %arg3[%add3A_65, %dma_start3A_93] : memref<2560x128xi32, #tpu.memory_space<hbm>> -> memref<40x128xi32, #tpu.memory_space<hbm>>
      %dma_start3A_95 = arith.constant 0 : i32
      %dma_start3A_96 = tpu.memref_slice %arg3[%add3A_65, %dma_start3A_95] : memref<2560x128xi32, #tpu.memory_space<hbm>> -> memref<40x128xi32, #tpu.memory_space<hbm>>
      tpu.enqueue_dma source(%dma_start3A_96 : memref<40x128xi32, #tpu.memory_space<hbm>>) target(%arg9 : memref<40x128xi32, #tpu.memory_space<vmem>>) target_semaphore(%run_scoped3A : memref<!tpu.dma_semaphore, #tpu.memory_space<semaphore_mem>>)
      %dma_wait3A_97 = arith.constant 0 : i32
      %dma_wait3A_98 = tpu.memref_slice %arg3[%add3A_65, %dma_wait3A_97] : memref<2560x128xi32, #tpu.memory_space<hbm>> -> memref<40x128xi32, #tpu.memory_space<hbm>>
      %dma_wait3A_99 = arith.constant 0 : i32
      %dma_wait3A_100 = tpu.memref_slice %arg3[%add3A_65, %dma_wait3A_99] : memref<2560x128xi32, #tpu.memory_space<hbm>> -> memref<40x128xi32, #tpu.memory_space<hbm>>
      tpu.wait_dma2 semaphore(%run_scoped3A : memref<!tpu.dma_semaphore, #tpu.memory_space<semaphore_mem>>) src(%dma_wait3A_100 : memref<40x128xi32, #tpu.memory_space<hbm>>) dst(%arg9 : memref<40x128xi32, #tpu.memory_space<vmem>>)
      tpu.yield
    }) : () -> ()
    "tpu.region"() ({
      %run_scoped3A = tpu.sem_alloc : memref<!tpu.dma_semaphore, #tpu.memory_space<semaphore_mem>>
      %dma_start3A_93 = arith.constant 0 : i32
      %dma_start3A_94 = tpu.memref_slice %arg4[%add3A_65, %dma_start3A_93] : memref<2560x128xi32, #tpu.memory_space<hbm>> -> memref<40x128xi32, #tpu.memory_space<hbm>>
      %dma_start3A_95 = arith.constant 0 : i32
      %dma_start3A_96 = tpu.memref_slice %arg4[%add3A_65, %dma_start3A_95] : memref<2560x128xi32, #tpu.memory_space<hbm>> -> memref<40x128xi32, #tpu.memory_space<hbm>>
      tpu.enqueue_dma source(%dma_start3A_96 : memref<40x128xi32, #tpu.memory_space<hbm>>) target(%arg10 : memref<40x128xi32, #tpu.memory_space<vmem>>) target_semaphore(%run_scoped3A : memref<!tpu.dma_semaphore, #tpu.memory_space<semaphore_mem>>)
      %dma_wait3A_97 = arith.constant 0 : i32
      %dma_wait3A_98 = tpu.memref_slice %arg4[%add3A_65, %dma_wait3A_97] : memref<2560x128xi32, #tpu.memory_space<hbm>> -> memref<40x128xi32, #tpu.memory_space<hbm>>
      %dma_wait3A_99 = arith.constant 0 : i32
      %dma_wait3A_100 = tpu.memref_slice %arg4[%add3A_65, %dma_wait3A_99] : memref<2560x128xi32, #tpu.memory_space<hbm>> -> memref<40x128xi32, #tpu.memory_space<hbm>>
      tpu.wait_dma2 semaphore(%run_scoped3A : memref<!tpu.dma_semaphore, #tpu.memory_space<semaphore_mem>>) src(%dma_wait3A_100 : memref<40x128xi32, #tpu.memory_space<hbm>>) dst(%arg10 : memref<40x128xi32, #tpu.memory_space<vmem>>)
      tpu.yield
    }) : () -> ()
    %dma_start3A_66 = arith.constant 0 : i32
    %dma_start3A_67 = arith.constant 0 : i32
    %dma_start3A_68 = tpu.memref_slice %arg9[%dma_start3A_66, %dma_start3A_67] : memref<40x128xi32, #tpu.memory_space<vmem>> -> memref<1x128xi32, #tpu.memory_space<vmem>>
    %dma_start3A_69 = tpu.memref_squeeze %dma_start3A_68 : memref<1x128xi32, #tpu.memory_space<vmem>> -> memref<128xi32, #tpu.memory_space<vmem>>
    %dma_start3A_70 = arith.constant 0 : i32
    %dma_start3A_71 = arith.constant 0 : i32
    %dma_start3A_72 = tpu.memref_slice %arg2[%dma_start3A_70, %dma_start3A_71] : memref<10000x128xf32, #tpu.memory_space<hbm>> -> memref<10000x128xf32, #tpu.memory_space<hbm>>
    tpu.enqueue_indirect_dma source(%dma_start3A_72 : memref<10000x128xf32, #tpu.memory_space<hbm>>) target(%arg7 : memref<128x128xf32, #tpu.memory_space<vmem>>) offsets(%dma_start3A_69 : memref<128xi32, #tpu.memory_space<vmem>>) semaphore(%arg11 : memref<!tpu.dma_semaphore, #tpu.memory_space<semaphore_mem>>)
    %scan3A_73 = arith.constant 0 : i32
    %scan3A_74 = arith.constant 0 : i32
    %scan3A_75 = arith.constant 20 : i32
    %scan3A_76 = arith.addi %scan3A_74, %scan3A_75 : i32
    %scan3A_77 = arith.constant 1 : i32
    %scan3A_78 = scf.for %scan3A_93 = %scan3A_74 to %scan3A_76 step %scan3A_77 iter_args(%scan3A_94 = %scan3A_73) -> (i32)  : i32 {
      %mul3A_95 = arith.constant 2 : i32
      %mul3A_96 = arith.muli %mul3A_95, %scan3A_93 : i32
      %add3A_97 = arith.constant 1 : i32
      %add3A_98 = arith.addi %mul3A_96, %add3A_97 : i32
      %dma_start3A_99 = arith.constant 0 : i32
      %dma_start3A_100 = tpu.memref_slice %arg9[%add3A_98, %dma_start3A_99] : memref<40x128xi32, #tpu.memory_space<vmem>> -> memref<1x128xi32, #tpu.memory_space<vmem>>
      %dma_start3A_101 = tpu.memref_squeeze %dma_start3A_100 : memref<1x128xi32, #tpu.memory_space<vmem>> -> memref<128xi32, #tpu.memory_space<vmem>>
      %dma_start3A_102 = arith.constant 0 : i32
      %dma_start3A_103 = arith.constant 0 : i32
      %dma_start3A_104 = tpu.memref_slice %arg2[%dma_start3A_102, %dma_start3A_103] : memref<10000x128xf32, #tpu.memory_space<hbm>> -> memref<10000x128xf32, #tpu.memory_space<hbm>>
      tpu.enqueue_indirect_dma source(%dma_start3A_104 : memref<10000x128xf32, #tpu.memory_space<hbm>>) target(%arg8 : memref<128x128xf32, #tpu.memory_space<vmem>>) offsets(%dma_start3A_101 : memref<128xi32, #tpu.memory_space<vmem>>) semaphore(%arg12 : memref<!tpu.dma_semaphore, #tpu.memory_space<semaphore_mem>>)
      %dma_wait3A_105 = arith.constant 0 : i32
      %dma_wait3A_106 = tpu.memref_slice %arg9[%mul3A_96, %dma_wait3A_105] : memref<40x128xi32, #tpu.memory_space<vmem>> -> memref<1x128xi32, #tpu.memory_space<vmem>>
      %dma_wait3A_107 = tpu.memref_squeeze %dma_wait3A_106 : memref<1x128xi32, #tpu.memory_space<vmem>> -> memref<128xi32, #tpu.memory_space<vmem>>
      %dma_wait3A_108 = arith.constant 0 : i32
      %dma_wait3A_109 = arith.constant 0 : i32
      %dma_wait3A_110 = tpu.memref_slice %arg2[%dma_wait3A_108, %dma_wait3A_109] : memref<10000x128xf32, #tpu.memory_space<hbm>> -> memref<10000x128xf32, #tpu.memory_space<hbm>>
      tpu.wait_indirect_dma semaphore(%arg11 : memref<!tpu.dma_semaphore, #tpu.memory_space<semaphore_mem>>) src(%dma_wait3A_110 : memref<10000x128xf32, #tpu.memory_space<hbm>>) dst(%arg7 : memref<128x128xf32, #tpu.memory_space<vmem>>)
      "tpu.region"() ({
        %run_scoped3A = tpu.sem_alloc : memref<!tpu.dma_semaphore, #tpu.memory_space<semaphore_mem>>
        %dma_start3A_124 = arith.constant 0 : i32
        %dma_start3A_125 = tpu.memref_slice %arg10[%mul3A_96, %dma_start3A_124] : memref<40x128xi32, #tpu.memory_space<vmem>> -> memref<1x128xi32, #tpu.memory_space<vmem>>
        %dma_start3A_126 = tpu.memref_squeeze %dma_start3A_125 : memref<1x128xi32, #tpu.memory_space<vmem>> -> memref<128xi32, #tpu.memory_space<vmem>>
        %dma_start3A_127 = arith.constant 0 : i32
        %dma_start3A_128 = arith.constant 0 : i32
        %dma_start3A_129 = tpu.memref_slice %arg6[%dma_start3A_127, %dma_start3A_128] : memref<10080x128xf32, #tpu.memory_space<vmem_shared>> -> memref<10080x128xf32, #tpu.memory_space<vmem_shared>>
        tpu.enqueue_indirect_dma source(%arg7 : memref<128x128xf32, #tpu.memory_space<vmem>>) target(%dma_start3A_129 : memref<10080x128xf32, #tpu.memory_space<vmem_shared>>) offsets(%dma_start3A_126 : memref<128xi32, #tpu.memory_space<vmem>>) semaphore(%run_scoped3A : memref<!tpu.dma_semaphore, #tpu.memory_space<semaphore_mem>>) {add = true}
        %dma_wait3A_130 = arith.constant 0 : i32
        %dma_wait3A_131 = tpu.memref_slice %arg10[%mul3A_96, %dma_wait3A_130] : memref<40x128xi32, #tpu.memory_space<vmem>> -> memref<1x128xi32, #tpu.memory_space<vmem>>
        %dma_wait3A_132 = tpu.memref_squeeze %dma_wait3A_131 : memref<1x128xi32, #tpu.memory_space<vmem>> -> memref<128xi32, #tpu.memory_space<vmem>>
        %dma_wait3A_133 = arith.constant 0 : i32
        %dma_wait3A_134 = arith.constant 0 : i32
        %dma_wait3A_135 = tpu.memref_slice %arg6[%dma_wait3A_133, %dma_wait3A_134] : memref<10080x128xf32, #tpu.memory_space<vmem_shared>> -> memref<10080x128xf32, #tpu.memory_space<vmem_shared>>
        tpu.wait_indirect_dma semaphore(%run_scoped3A : memref<!tpu.dma_semaphore, #tpu.memory_space<semaphore_mem>>) src(%arg7 : memref<128x128xf32, #tpu.memory_space<vmem>>) dst(%dma_wait3A_135 : memref<10080x128xf32, #tpu.memory_space<vmem_shared>>)
        tpu.yield
      }) : () -> ()
      %add3A_111 = arith.constant 2 : i32
      %add3A_112 = arith.addi %mul3A_96, %add3A_111 : i32
      %lt3A = arith.constant 40 : i32
      %lt3A_113 = arith.cmpi slt, %add3A_112, %lt3A : i32
      %convert_element_type3A = arith.extui %lt3A_113 : i1 to i32
      %cond3A = arith.constant 0 : i32
      %cond3A_114 = arith.cmpi ne, %convert_element_type3A, %cond3A : i32
      scf.if %cond3A_114 {
        %add3A_124 = arith.constant 2 : i32
        %add3A_125 = arith.addi %mul3A_96, %add3A_124 : i32
        %dma_start3A_126 = arith.constant 0 : i32
        %dma_start3A_127 = tpu.memref_slice %arg9[%add3A_125, %dma_start3A_126] : memref<40x128xi32, #tpu.memory_space<vmem>> -> memref<1x128xi32, #tpu.memory_space<vmem>>
        %dma_start3A_128 = tpu.memref_squeeze %dma_start3A_127 : memref<1x128xi32, #tpu.memory_space<vmem>> -> memref<128xi32, #tpu.memory_space<vmem>>
        %dma_start3A_129 = arith.constant 0 : i32
        %dma_start3A_130 = arith.constant 0 : i32
        %dma_start3A_131 = tpu.memref_slice %arg2[%dma_start3A_129, %dma_start3A_130] : memref<10000x128xf32, #tpu.memory_space<hbm>> -> memref<10000x128xf32, #tpu.memory_space<hbm>>
        tpu.enqueue_indirect_dma source(%dma_start3A_131 : memref<10000x128xf32, #tpu.memory_space<hbm>>) target(%arg7 : memref<128x128xf32, #tpu.memory_space<vmem>>) offsets(%dma_start3A_128 : memref<128xi32, #tpu.memory_space<vmem>>) semaphore(%arg11 : memref<!tpu.dma_semaphore, #tpu.memory_space<semaphore_mem>>)
      } else {
      }
      %add3A_115 = arith.constant 1 : i32
      %add3A_116 = arith.addi %mul3A_96, %add3A_115 : i32
      %dma_wait3A_117 = arith.constant 0 : i32
      %dma_wait3A_118 = tpu.memref_slice %arg9[%add3A_116, %dma_wait3A_117] : memref<40x128xi32, #tpu.memory_space<vmem>> -> memref<1x128xi32, #tpu.memory_space<vmem>>
      %dma_wait3A_119 = tpu.memref_squeeze %dma_wait3A_118 : memref<1x128xi32, #tpu.memory_space<vmem>> -> memref<128xi32, #tpu.memory_space<vmem>>
      %dma_wait3A_120 = arith.constant 0 : i32
      %dma_wait3A_121 = arith.constant 0 : i32
      %dma_wait3A_122 = tpu.memref_slice %arg2[%dma_wait3A_120, %dma_wait3A_121] : memref<10000x128xf32, #tpu.memory_space<hbm>> -> memref<10000x128xf32, #tpu.memory_space<hbm>>
      tpu.wait_indirect_dma semaphore(%arg12 : memref<!tpu.dma_semaphore, #tpu.memory_space<semaphore_mem>>) src(%dma_wait3A_122 : memref<10000x128xf32, #tpu.memory_space<hbm>>) dst(%arg8 : memref<128x128xf32, #tpu.memory_space<vmem>>)
      "tpu.region"() ({
        %run_scoped3A = tpu.sem_alloc : memref<!tpu.dma_semaphore, #tpu.memory_space<semaphore_mem>>
        %dma_start3A_124 = arith.constant 0 : i32
        %dma_start3A_125 = tpu.memref_slice %arg10[%add3A_116, %dma_start3A_124] : memref<40x128xi32, #tpu.memory_space<vmem>> -> memref<1x128xi32, #tpu.memory_space<vmem>>
        %dma_start3A_126 = tpu.memref_squeeze %dma_start3A_125 : memref<1x128xi32, #tpu.memory_space<vmem>> -> memref<128xi32, #tpu.memory_space<vmem>>
        %dma_start3A_127 = arith.constant 0 : i32
        %dma_start3A_128 = arith.constant 0 : i32
        %dma_start3A_129 = tpu.memref_slice %arg6[%dma_start3A_127, %dma_start3A_128] : memref<10080x128xf32, #tpu.memory_space<vmem_shared>> -> memref<10080x128xf32, #tpu.memory_space<vmem_shared>>
        tpu.enqueue_indirect_dma source(%arg8 : memref<128x128xf32, #tpu.memory_space<vmem>>) target(%dma_start3A_129 : memref<10080x128xf32, #tpu.memory_space<vmem_shared>>) offsets(%dma_start3A_126 : memref<128xi32, #tpu.memory_space<vmem>>) semaphore(%run_scoped3A : memref<!tpu.dma_semaphore, #tpu.memory_space<semaphore_mem>>) {add = true}
        %dma_wait3A_130 = arith.constant 0 : i32
        %dma_wait3A_131 = tpu.memref_slice %arg10[%add3A_116, %dma_wait3A_130] : memref<40x128xi32, #tpu.memory_space<vmem>> -> memref<1x128xi32, #tpu.memory_space<vmem>>
        %dma_wait3A_132 = tpu.memref_squeeze %dma_wait3A_131 : memref<1x128xi32, #tpu.memory_space<vmem>> -> memref<128xi32, #tpu.memory_space<vmem>>
        %dma_wait3A_133 = arith.constant 0 : i32
        %dma_wait3A_134 = arith.constant 0 : i32
        %dma_wait3A_135 = tpu.memref_slice %arg6[%dma_wait3A_133, %dma_wait3A_134] : memref<10080x128xf32, #tpu.memory_space<vmem_shared>> -> memref<10080x128xf32, #tpu.memory_space<vmem_shared>>
        tpu.wait_indirect_dma semaphore(%run_scoped3A : memref<!tpu.dma_semaphore, #tpu.memory_space<semaphore_mem>>) src(%arg8 : memref<128x128xf32, #tpu.memory_space<vmem>>) dst(%dma_wait3A_135 : memref<10080x128xf32, #tpu.memory_space<vmem_shared>>)
        tpu.yield
      }) : () -> ()
      %scan3A_123 = arith.constant 0 : i32
      scf.yield %scan3A_123 : i32
    }
    %scan3A_79 = arith.constant 20 : i32
    %barrier3A_80 = arith.constant 0 : index
    tpu.barrier barrier_id(%barrier3A_80)
    %while3A_81 = arith.constant 0 : i32
    %while3A_82 = arith.constant 0 : i32
    %while3A_83 = arith.subi %select_n3A, %while3A_81 : i32
    %while3A_84 = arith.addi %while3A_81, %while3A_83 : i32
    %while3A_85 = arith.constant 1 : i32
    %while3A_86 = arith.divsi %while3A_83, %while3A_85 : i32
    %while3A_87 = arith.muli %while3A_86, %while3A_85 : i32
    %while3A_88 = arith.addi %while3A_81, %while3A_87 : i32
    %while3A_89 = arith.constant 1 : i32
    %while3A_90 = scf.for %while3A_93 = %while3A_81 to %while3A_88 step %while3A_89 iter_args(%while3A_94 = %while3A_82) -> (i32)  : i32 {
      %mul3A_95 = arith.constant 640 : i32
      %mul3A_96 = arith.muli %arg1, %mul3A_95 : i32
      %mul3A_97 = arith.constant 80 : i32
      %mul3A_98 = arith.muli %while3A_93, %mul3A_97 : i32
      %add3A_99 = arith.addi %mul3A_96, %mul3A_98 : i32
      "tpu.region"() ({
        %run_scoped3A = tpu.sem_alloc : memref<!tpu.dma_semaphore, #tpu.memory_space<semaphore_mem>>
        %dma_start3A_101 = arith.constant 0 : i32
        %dma_start3A_102 = arith.constant 0 : i32
        %dma_start3A_103 = tpu.memref_slice %arg7[%dma_start3A_101, %dma_start3A_102] : memref<128x128xf32, #tpu.memory_space<vmem>> -> memref<80x128xf32, #tpu.memory_space<vmem>>
        %dma_start3A_104 = arith.constant 0 : i32
        %dma_start3A_105 = tpu.memref_slice %arg6[%add3A_99, %dma_start3A_104] : memref<10080x128xf32, #tpu.memory_space<vmem_shared>> -> memref<80x128xf32, #tpu.memory_space<vmem_shared>>
        %dma_start3A_106 = arith.constant 0 : i32
        %dma_start3A_107 = arith.constant 0 : i32
        %dma_start3A_108 = tpu.memref_slice %arg7[%dma_start3A_106, %dma_start3A_107] : memref<128x128xf32, #tpu.memory_space<vmem>> -> memref<80x128xf32, #tpu.memory_space<vmem>>
        %dma_start3A_109 = arith.constant 0 : i32
        %dma_start3A_110 = tpu.memref_slice %arg6[%add3A_99, %dma_start3A_109] : memref<10080x128xf32, #tpu.memory_space<vmem_shared>> -> memref<80x128xf32, #tpu.memory_space<vmem_shared>>
        tpu.enqueue_dma source(%dma_start3A_110 : memref<80x128xf32, #tpu.memory_space<vmem_shared>>) target(%dma_start3A_108 : memref<80x128xf32, #tpu.memory_space<vmem>>) target_semaphore(%run_scoped3A : memref<!tpu.dma_semaphore, #tpu.memory_space<semaphore_mem>>)
        %dma_wait3A_111 = arith.constant 0 : i32
        %dma_wait3A_112 = arith.constant 0 : i32
        %dma_wait3A_113 = tpu.memref_slice %arg7[%dma_wait3A_111, %dma_wait3A_112] : memref<128x128xf32, #tpu.memory_space<vmem>> -> memref<80x128xf32, #tpu.memory_space<vmem>>
        %dma_wait3A_114 = arith.constant 0 : i32
        %dma_wait3A_115 = tpu.memref_slice %arg6[%add3A_99, %dma_wait3A_114] : memref<10080x128xf32, #tpu.memory_space<vmem_shared>> -> memref<80x128xf32, #tpu.memory_space<vmem_shared>>
        %dma_wait3A_116 = arith.constant 0 : i32
        %dma_wait3A_117 = arith.constant 0 : i32
        %dma_wait3A_118 = tpu.memref_slice %arg7[%dma_wait3A_116, %dma_wait3A_117] : memref<128x128xf32, #tpu.memory_space<vmem>> -> memref<80x128xf32, #tpu.memory_space<vmem>>
        %dma_wait3A_119 = arith.constant 0 : i32
        %dma_wait3A_120 = tpu.memref_slice %arg6[%add3A_99, %dma_wait3A_119] : memref<10080x128xf32, #tpu.memory_space<vmem_shared>> -> memref<80x128xf32, #tpu.memory_space<vmem_shared>>
        tpu.wait_dma2 semaphore(%run_scoped3A : memref<!tpu.dma_semaphore, #tpu.memory_space<semaphore_mem>>) src(%dma_wait3A_120 : memref<80x128xf32, #tpu.memory_space<vmem_shared>>) dst(%dma_wait3A_118 : memref<80x128xf32, #tpu.memory_space<vmem>>)
        tpu.yield
      }) : () -> ()
      "tpu.region"() ({
        %run_scoped3A = tpu.sem_alloc : memref<!tpu.dma_semaphore, #tpu.memory_space<semaphore_mem>>
        %dma_start3A_101 = arith.constant 0 : i32
        %dma_start3A_102 = arith.constant 0 : i32
        %dma_start3A_103 = tpu.memref_slice %arg7[%dma_start3A_101, %dma_start3A_102] : memref<128x128xf32, #tpu.memory_space<vmem>> -> memref<80x128xf32, #tpu.memory_space<vmem>>
        %dma_start3A_104 = arith.constant 0 : i32
        %dma_start3A_105 = tpu.memref_slice %arg5[%arg0, %add3A_99, %dma_start3A_104] : memref<2x10000x128xf32, #tpu.memory_space<hbm>> -> memref<1x80x128xf32, #tpu.memory_space<hbm>>
        %dma_start3A_106 = tpu.memref_squeeze %dma_start3A_105 : memref<1x80x128xf32, #tpu.memory_space<hbm>> -> memref<80x128xf32, #tpu.memory_space<hbm>>
        %dma_start3A_107 = arith.constant 0 : i32
        %dma_start3A_108 = tpu.memref_slice %arg5[%arg0, %add3A_99, %dma_start3A_107] : memref<2x10000x128xf32, #tpu.memory_space<hbm>> -> memref<1x80x128xf32, #tpu.memory_space<hbm>>
        %dma_start3A_109 = tpu.memref_squeeze %dma_start3A_108 : memref<1x80x128xf32, #tpu.memory_space<hbm>> -> memref<80x128xf32, #tpu.memory_space<hbm>>
        %dma_start3A_110 = arith.constant 0 : i32
        %dma_start3A_111 = arith.constant 0 : i32
        %dma_start3A_112 = tpu.memref_slice %arg7[%dma_start3A_110, %dma_start3A_111] : memref<128x128xf32, #tpu.memory_space<vmem>> -> memref<80x128xf32, #tpu.memory_space<vmem>>
        tpu.enqueue_dma source(%dma_start3A_112 : memref<80x128xf32, #tpu.memory_space<vmem>>) target(%dma_start3A_109 : memref<80x128xf32, #tpu.memory_space<hbm>>) target_semaphore(%run_scoped3A : memref<!tpu.dma_semaphore, #tpu.memory_space<semaphore_mem>>)
        %dma_wait3A_113 = arith.constant 0 : i32
        %dma_wait3A_114 = arith.constant 0 : i32
        %dma_wait3A_115 = tpu.memref_slice %arg7[%dma_wait3A_113, %dma_wait3A_114] : memref<128x128xf32, #tpu.memory_space<vmem>> -> memref<80x128xf32, #tpu.memory_space<vmem>>
        %dma_wait3A_116 = arith.constant 0 : i32
        %dma_wait3A_117 = tpu.memref_slice %arg5[%arg0, %add3A_99, %dma_wait3A_116] : memref<2x10000x128xf32, #tpu.memory_space<hbm>> -> memref<1x80x128xf32, #tpu.memory_space<hbm>>
        %dma_wait3A_118 = tpu.memref_squeeze %dma_wait3A_117 : memref<1x80x128xf32, #tpu.memory_space<hbm>> -> memref<80x128xf32, #tpu.memory_space<hbm>>
        %dma_wait3A_119 = arith.constant 0 : i32
        %dma_wait3A_120 = tpu.memref_slice %arg5[%arg0, %add3A_99, %dma_wait3A_119] : memref<2x10000x128xf32, #tpu.memory_space<hbm>> -> memref<1x80x128xf32, #tpu.memory_space<hbm>>
        %dma_wait3A_121 = tpu.memref_squeeze %dma_wait3A_120 : memref<1x80x128xf32, #tpu.memory_space<hbm>> -> memref<80x128xf32, #tpu.memory_space<hbm>>
        %dma_wait3A_122 = arith.constant 0 : i32
        %dma_wait3A_123 = arith.constant 0 : i32
        %dma_wait3A_124 = tpu.memref_slice %arg7[%dma_wait3A_122, %dma_wait3A_123] : memref<128x128xf32, #tpu.memory_space<vmem>> -> memref<80x128xf32, #tpu.memory_space<vmem>>
        tpu.wait_dma2 semaphore(%run_scoped3A : memref<!tpu.dma_semaphore, #tpu.memory_space<semaphore_mem>>) src(%dma_wait3A_124 : memref<80x128xf32, #tpu.memory_space<vmem>>) dst(%dma_wait3A_121 : memref<80x128xf32, #tpu.memory_space<hbm>>)
        tpu.yield
      }) : () -> ()
      %while3A_100 = arith.constant 0 : i32
      scf.yield %while3A_100 : i32
    }
    %while3A_91 = arith.constant 1 : i32
    %while3A_92 = scf.for %while3A_93 = %while3A_88 to %while3A_84 step %while3A_91 iter_args(%while3A_94 = %while3A_90) -> (i32)  : i32 {
      %mul3A_95 = arith.constant 640 : i32
      %mul3A_96 = arith.muli %arg1, %mul3A_95 : i32
      %mul3A_97 = arith.constant 80 : i32
      %mul3A_98 = arith.muli %while3A_93, %mul3A_97 : i32
      %add3A_99 = arith.addi %mul3A_96, %mul3A_98 : i32
      "tpu.region"() ({
        %run_scoped3A = tpu.sem_alloc : memref<!tpu.dma_semaphore, #tpu.memory_space<semaphore_mem>>
        %dma_start3A_101 = arith.constant 0 : i32
        %dma_start3A_102 = arith.constant 0 : i32
        %dma_start3A_103 = tpu.memref_slice %arg7[%dma_start3A_101, %dma_start3A_102] : memref<128x128xf32, #tpu.memory_space<vmem>> -> memref<80x128xf32, #tpu.memory_space<vmem>>
        %dma_start3A_104 = arith.constant 0 : i32
        %dma_start3A_105 = tpu.memref_slice %arg6[%add3A_99, %dma_start3A_104] : memref<10080x128xf32, #tpu.memory_space<vmem_shared>> -> memref<80x128xf32, #tpu.memory_space<vmem_shared>>
        %dma_start3A_106 = arith.constant 0 : i32
        %dma_start3A_107 = arith.constant 0 : i32
        %dma_start3A_108 = tpu.memref_slice %arg7[%dma_start3A_106, %dma_start3A_107] : memref<128x128xf32, #tpu.memory_space<vmem>> -> memref<80x128xf32, #tpu.memory_space<vmem>>
        %dma_start3A_109 = arith.constant 0 : i32
        %dma_start3A_110 = tpu.memref_slice %arg6[%add3A_99, %dma_start3A_109] : memref<10080x128xf32, #tpu.memory_space<vmem_shared>> -> memref<80x128xf32, #tpu.memory_space<vmem_shared>>
        tpu.enqueue_dma source(%dma_start3A_110 : memref<80x128xf32, #tpu.memory_space<vmem_shared>>) target(%dma_start3A_108 : memref<80x128xf32, #tpu.memory_space<vmem>>) target_semaphore(%run_scoped3A : memref<!tpu.dma_semaphore, #tpu.memory_space<semaphore_mem>>)
        %dma_wait3A_111 = arith.constant 0 : i32
        %dma_wait3A_112 = arith.constant 0 : i32
        %dma_wait3A_113 = tpu.memref_slice %arg7[%dma_wait3A_111, %dma_wait3A_112] : memref<128x128xf32, #tpu.memory_space<vmem>> -> memref<80x128xf32, #tpu.memory_space<vmem>>
        %dma_wait3A_114 = arith.constant 0 : i32
        %dma_wait3A_115 = tpu.memref_slice %arg6[%add3A_99, %dma_wait3A_114] : memref<10080x128xf32, #tpu.memory_space<vmem_shared>> -> memref<80x128xf32, #tpu.memory_space<vmem_shared>>
        %dma_wait3A_116 = arith.constant 0 : i32
        %dma_wait3A_117 = arith.constant 0 : i32
        %dma_wait3A_118 = tpu.memref_slice %arg7[%dma_wait3A_116, %dma_wait3A_117] : memref<128x128xf32, #tpu.memory_space<vmem>> -> memref<80x128xf32, #tpu.memory_space<vmem>>
        %dma_wait3A_119 = arith.constant 0 : i32
        %dma_wait3A_120 = tpu.memref_slice %arg6[%add3A_99, %dma_wait3A_119] : memref<10080x128xf32, #tpu.memory_space<vmem_shared>> -> memref<80x128xf32, #tpu.memory_space<vmem_shared>>
        tpu.wait_dma2 semaphore(%run_scoped3A : memref<!tpu.dma_semaphore, #tpu.memory_space<semaphore_mem>>) src(%dma_wait3A_120 : memref<80x128xf32, #tpu.memory_space<vmem_shared>>) dst(%dma_wait3A_118 : memref<80x128xf32, #tpu.memory_space<vmem>>)
        tpu.yield
      }) : () -> ()
      "tpu.region"() ({
        %run_scoped3A = tpu.sem_alloc : memref<!tpu.dma_semaphore, #tpu.memory_space<semaphore_mem>>
        %dma_start3A_101 = arith.constant 0 : i32
        %dma_start3A_102 = arith.constant 0 : i32
        %dma_start3A_103 = tpu.memref_slice %arg7[%dma_start3A_101, %dma_start3A_102] : memref<128x128xf32, #tpu.memory_space<vmem>> -> memref<80x128xf32, #tpu.memory_space<vmem>>
        %dma_start3A_104 = arith.constant 0 : i32
        %dma_start3A_105 = tpu.memref_slice %arg5[%arg0, %add3A_99, %dma_start3A_104] : memref<2x10000x128xf32, #tpu.memory_space<hbm>> -> memref<1x80x128xf32, #tpu.memory_space<hbm>>
        %dma_start3A_106 = tpu.memref_squeeze %dma_start3A_105 : memref<1x80x128xf32, #tpu.memory_space<hbm>> -> memref<80x128xf32, #tpu.memory_space<hbm>>
        %dma_start3A_107 = arith.constant 0 : i32
        %dma_start3A_108 = tpu.memref_slice %arg5[%arg0, %add3A_99, %dma_start3A_107] : memref<2x10000x128xf32, #tpu.memory_space<hbm>> -> memref<1x80x128xf32, #tpu.memory_space<hbm>>
        %dma_start3A_109 = tpu.memref_squeeze %dma_start3A_108 : memref<1x80x128xf32, #tpu.memory_space<hbm>> -> memref<80x128xf32, #tpu.memory_space<hbm>>
        %dma_start3A_110 = arith.constant 0 : i32
        %dma_start3A_111 = arith.constant 0 : i32
        %dma_start3A_112 = tpu.memref_slice %arg7[%dma_start3A_110, %dma_start3A_111] : memref<128x128xf32, #tpu.memory_space<vmem>> -> memref<80x128xf32, #tpu.memory_space<vmem>>
        tpu.enqueue_dma source(%dma_start3A_112 : memref<80x128xf32, #tpu.memory_space<vmem>>) target(%dma_start3A_109 : memref<80x128xf32, #tpu.memory_space<hbm>>) target_semaphore(%run_scoped3A : memref<!tpu.dma_semaphore, #tpu.memory_space<semaphore_mem>>)
        %dma_wait3A_113 = arith.constant 0 : i32
        %dma_wait3A_114 = arith.constant 0 : i32
        %dma_wait3A_115 = tpu.memref_slice %arg7[%dma_wait3A_113, %dma_wait3A_114] : memref<128x128xf32, #tpu.memory_space<vmem>> -> memref<80x128xf32, #tpu.memory_space<vmem>>
        %dma_wait3A_116 = arith.constant 0 : i32
        %dma_wait3A_117 = tpu.memref_slice %arg5[%arg0, %add3A_99, %dma_wait3A_116] : memref<2x10000x128xf32, #tpu.memory_space<hbm>> -> memref<1x80x128xf32, #tpu.memory_space<hbm>>
        %dma_wait3A_118 = tpu.memref_squeeze %dma_wait3A_117 : memref<1x80x128xf32, #tpu.memory_space<hbm>> -> memref<80x128xf32, #tpu.memory_space<hbm>>
        %dma_wait3A_119 = arith.constant 0 : i32
        %dma_wait3A_120 = tpu.memref_slice %arg5[%arg0, %add3A_99, %dma_wait3A_119] : memref<2x10000x128xf32, #tpu.memory_space<hbm>> -> memref<1x80x128xf32, #tpu.memory_space<hbm>>
        %dma_wait3A_121 = tpu.memref_squeeze %dma_wait3A_120 : memref<1x80x128xf32, #tpu.memory_space<hbm>> -> memref<80x128xf32, #tpu.memory_space<hbm>>
        %dma_wait3A_122 = arith.constant 0 : i32
        %dma_wait3A_123 = arith.constant 0 : i32
        %dma_wait3A_124 = tpu.memref_slice %arg7[%dma_wait3A_122, %dma_wait3A_123] : memref<128x128xf32, #tpu.memory_space<vmem>> -> memref<80x128xf32, #tpu.memory_space<vmem>>
        tpu.wait_dma2 semaphore(%run_scoped3A : memref<!tpu.dma_semaphore, #tpu.memory_space<semaphore_mem>>) src(%dma_wait3A_124 : memref<80x128xf32, #tpu.memory_space<vmem>>) dst(%dma_wait3A_121 : memref<80x128xf32, #tpu.memory_space<hbm>>)
        tpu.yield
      }) : () -> ()
      %while3A_100 = arith.constant 0 : i32
      scf.yield %while3A_100 : i32
    }
    return
  }
}

module attributes {stable_mosaic.version = 14 : i64} {
  func.func @_tc1_body(%arg0: i32, %arg1: memref<1000x128xf32, #tpu.memory_space<vmem>>, %arg2: memref<128x128xf32, #tpu.memory_space<vmem>>, %arg3: memref<1000x2xf32, #tpu.memory_space<vmem>>, %arg4: memref<1000x128xf32, #tpu.memory_space<vmem>>) attributes {dimension_semantics = [#tpu.dimension_semantics<arbitrary>], iteration_bounds = array<i64: 10>, scalar_prefetch = 0 : i64, scratch_operands = 0 : i64, tpu.core_type = #tpu.core_type<tc>, window_params = [{transform_indices = @transform_0, window_bounds = array<i64: 1000, 128>}, {pipeline_mode = #tpu.pipeline_mode<synchronous>, transform_indices = @transform_1, window_bounds = array<i64: 128, 128>}, {transform_indices = @transform_2, window_bounds = array<i64: 1000, 2>}, {transform_indices = @transform_3, window_bounds = array<i64: 1000, 128>}]} {
    %get3A = arith.constant 0 : index
    %get3A_0 = arith.constant 0 : index
    %get3A_1 = vector.load %arg3[%get3A, %get3A_0] : memref<1000x2xf32, #tpu.memory_space<vmem>>, vector<1000x2xf32>
    %slice3A = vector.extract_strided_slice %get3A_1 {offsets = [0, 0], sizes = [1000, 1], strides = [1, 1]} : vector<1000x2xf32> to vector<1000x1xf32>
    %squeeze3A = vector.shape_cast %slice3A : vector<1000x1xf32> to vector<1000xf32>
    %slice3A_2 = vector.extract_strided_slice %get3A_1 {offsets = [0, 1], sizes = [1000, 1], strides = [1, 1]} : vector<1000x2xf32> to vector<1000x1xf32>
    %squeeze3A_3 = vector.shape_cast %slice3A_2 : vector<1000x1xf32> to vector<1000xf32>
    %add3A = arith.addf %squeeze3A, %squeeze3A_3 : vector<1000xf32>
    %add3A_4 = arith.constant 1.000000e+00 : f32
    %add3A_5 = vector.broadcast %add3A_4 : f32 to vector<1000xf32>
    %add3A_6 = arith.addf %add3A, %add3A_5 : vector<1000xf32>
    %rsqrt3A = math.rsqrt %add3A_6 : vector<1000xf32>
    %get3A_7 = arith.constant 0 : index
    %get3A_8 = arith.constant 0 : index
    %get3A_9 = vector.load %arg1[%get3A_7, %get3A_8] : memref<1000x128xf32, #tpu.memory_space<vmem>>, vector<1000x128xf32>
    %get3A_10 = arith.constant 0 : index
    %get3A_11 = arith.constant 0 : index
    %get3A_12 = vector.load %arg2[%get3A_10, %get3A_11] : memref<128x128xf32, #tpu.memory_space<vmem>>, vector<128x128xf32>
    %dot_general3A = arith.constant dense<0.000000e+00> : vector<1000x128xf32>
    %dot_general3A_13 = tpu.matmul %get3A_9, %get3A_12, %dot_general3A {dimension_numbers = #tpu.dot_dimension_numbers<[1], [0], [0], [1], [0, 0, 1, 1], [], []>, transpose_lhs_hint = false} : vector<1000x128xf32>, vector<128x128xf32>, vector<1000x128xf32> -> vector<1000x128xf32>
    %broadcast_in_dim3A = vector.shape_cast %rsqrt3A : vector<1000xf32> to vector<1000x1xf32>
    %mul3A = vector.broadcast %broadcast_in_dim3A : vector<1000x1xf32> to vector<1000x128xf32>
    %mul3A_14 = arith.mulf %dot_general3A_13, %mul3A : vector<1000x128xf32>
    %swap3A = arith.constant 0 : index
    %swap3A_15 = arith.constant 0 : index
    %swap3A_16 = vector.load %arg4[%swap3A, %swap3A_15] : memref<1000x128xf32, #tpu.memory_space<vmem>>, vector<1000x128xf32>
    tpu.vector_store %arg4[%swap3A, %swap3A_15], %mul3A_14 {strides = array<i32>} : memref<1000x128xf32, #tpu.memory_space<vmem>>, vector<1000x128xf32>,
    return
  }
  func.func @transform_0(%arg0: i32) -> (i32, i32) {
    %c0_i32 = arith.constant 0 : i32
    %c0_i32_0 = arith.constant 0 : i32
    return %arg0, %c0_i32 : i32, i32
  }
  func.func @transform_1(%arg0: i32) -> (i32, i32) {
    %c0_i32 = arith.constant 0 : i32
    %c0_i32_0 = arith.constant 0 : i32
    %c0_i32_1 = arith.constant 0 : i32
    return %c0_i32, %c0_i32_0 : i32, i32
  }
  func.func @transform_2(%arg0: i32) -> (i32, i32) {
    %c0_i32 = arith.constant 0 : i32
    %c0_i32_0 = arith.constant 0 : i32
    return %arg0, %c0_i32 : i32, i32
  }
  func.func @transform_3(%arg0: i32) -> (i32, i32) {
    %c0_i32 = arith.constant 0 : i32
    %c0_i32_0 = arith.constant 0 : i32
    return %arg0, %c0_i32 : i32, i32
  }
}

module attributes {stable_mosaic.version = 14 : i64} {
  func.func @_tc2_body(%arg0: i32, %arg1: memref<2x1000x128xf32, #tpu.memory_space<vmem>>, %arg2: memref<1000x128xf32, #tpu.memory_space<vmem>>, %arg3: memref<1000x2xf32, #tpu.memory_space<vmem>>, %arg4: memref<1x128xf32, #tpu.memory_space<vmem>>, %arg5: memref<128x32xf32, #tpu.memory_space<vmem>>, %arg6: memref<1000x32xf32, #tpu.memory_space<vmem>>) attributes {dimension_semantics = [#tpu.dimension_semantics<arbitrary>], iteration_bounds = array<i64: 10>, scalar_prefetch = 0 : i64, scratch_operands = 0 : i64, tpu.core_type = #tpu.core_type<tc>, window_params = [{transform_indices = @transform_0, window_bounds = array<i64: 2, 1000, 128>}, {transform_indices = @transform_1, window_bounds = array<i64: 1000, 128>}, {transform_indices = @transform_2, window_bounds = array<i64: 1000, 2>}, {pipeline_mode = #tpu.pipeline_mode<synchronous>, transform_indices = @transform_3, window_bounds = array<i64: 1, 128>}, {pipeline_mode = #tpu.pipeline_mode<synchronous>, transform_indices = @transform_4, window_bounds = array<i64: 128, 32>}, {transform_indices = @transform_5, window_bounds = array<i64: 1000, 32>}]} {
    %get3A = arith.constant 0 : index
    %get3A_0 = arith.constant 0 : index
    %get3A_1 = vector.load %arg3[%get3A, %get3A_0] : memref<1000x2xf32, #tpu.memory_space<vmem>>, vector<1000x2xf32>
    %slice3A = vector.extract_strided_slice %get3A_1 {offsets = [0, 0], sizes = [1000, 1], strides = [1, 1]} : vector<1000x2xf32> to vector<1000x1xf32>
    %squeeze3A = vector.shape_cast %slice3A : vector<1000x1xf32> to vector<1000xf32>
    %slice3A_2 = vector.extract_strided_slice %get3A_1 {offsets = [0, 1], sizes = [1000, 1], strides = [1, 1]} : vector<1000x2xf32> to vector<1000x1xf32>
    %squeeze3A_3 = vector.shape_cast %slice3A_2 : vector<1000x1xf32> to vector<1000xf32>
    %add3A = arith.addf %squeeze3A, %squeeze3A_3 : vector<1000xf32>
    %add3A_4 = arith.constant 1.000000e+00 : f32
    %add3A_5 = vector.broadcast %add3A_4 : f32 to vector<1000xf32>
    %add3A_6 = arith.addf %add3A, %add3A_5 : vector<1000xf32>
    %rsqrt3A = math.rsqrt %add3A_6 : vector<1000xf32>
    %get3A_7 = arith.constant 0 : index
    %get3A_8 = arith.constant 0 : index
    %get3A_9 = arith.constant 0 : index
    %get3A_10 = vector.load %arg1[%get3A_7, %get3A_8, %get3A_9] : memref<2x1000x128xf32, #tpu.memory_space<vmem>>, vector<2x1000x128xf32>
    %slice3A_11 = vector.extract_strided_slice %get3A_10 {offsets = [0, 0, 0], sizes = [1, 1000, 128], strides = [1, 1, 1]} : vector<2x1000x128xf32> to vector<1x1000x128xf32>
    %squeeze3A_12 = vector.shape_cast %slice3A_11 : vector<1x1000x128xf32> to vector<1000x128xf32>
    %slice3A_13 = vector.extract_strided_slice %get3A_10 {offsets = [1, 0, 0], sizes = [1, 1000, 128], strides = [1, 1, 1]} : vector<2x1000x128xf32> to vector<1x1000x128xf32>
    %squeeze3A_14 = vector.shape_cast %slice3A_13 : vector<1x1000x128xf32> to vector<1000x128xf32>
    %add3A_15 = arith.addf %squeeze3A_12, %squeeze3A_14 : vector<1000x128xf32>
    %get3A_16 = arith.constant 0 : index
    %get3A_17 = arith.constant 0 : index
    %get3A_18 = vector.load %arg2[%get3A_16, %get3A_17] : memref<1000x128xf32, #tpu.memory_space<vmem>>, vector<1000x128xf32>
    %add3A_19 = arith.addf %add3A_15, %get3A_18 : vector<1000x128xf32>
    %broadcast_in_dim3A = vector.shape_cast %rsqrt3A : vector<1000xf32> to vector<1000x1xf32>
    %mul3A = vector.broadcast %broadcast_in_dim3A : vector<1000x1xf32> to vector<1000x128xf32>
    %mul3A_20 = arith.mulf %add3A_19, %mul3A : vector<1000x128xf32>
    %get3A_21 = arith.constant 0 : index
    %get3A_22 = arith.constant 0 : index
    %get3A_23 = vector.load %arg4[%get3A_21, %get3A_22] : memref<1x128xf32, #tpu.memory_space<vmem>>, vector<1x128xf32>
    %add3A_24 = vector.broadcast %get3A_23 : vector<1x128xf32> to vector<1000x128xf32>
    %add3A_25 = arith.addf %mul3A_20, %add3A_24 : vector<1000x128xf32>
    %max3A = arith.constant 0.000000e+00 : f32
    %max3A_26 = vector.broadcast %max3A : f32 to vector<1000x128xf32>
    %max3A_27 = arith.maximumf %add3A_25, %max3A_26 : vector<1000x128xf32>
    %get3A_28 = arith.constant 0 : index
    %get3A_29 = arith.constant 0 : index
    %get3A_30 = vector.load %arg5[%get3A_28, %get3A_29] : memref<128x32xf32, #tpu.memory_space<vmem>>, vector<128x32xf32>
    %dot_general3A = arith.constant dense<0.000000e+00> : vector<1000x32xf32>
    %dot_general3A_31 = tpu.matmul %max3A_27, %get3A_30, %dot_general3A {dimension_numbers = #tpu.dot_dimension_numbers<[1], [0], [0], [1], [0, 0, 1, 1], [], []>, transpose_lhs_hint = false} : vector<1000x128xf32>, vector<128x32xf32>, vector<1000x32xf32> -> vector<1000x32xf32>
    %broadcast_in_dim3A_32 = vector.shape_cast %rsqrt3A : vector<1000xf32> to vector<1000x1xf32>
    %mul3A_33 = vector.broadcast %broadcast_in_dim3A_32 : vector<1000x1xf32> to vector<1000x32xf32>
    %mul3A_34 = arith.mulf %dot_general3A_31, %mul3A_33 : vector<1000x32xf32>
    %swap3A = arith.constant 0 : index
    %swap3A_35 = arith.constant 0 : index
    %swap3A_36 = vector.load %arg6[%swap3A, %swap3A_35] : memref<1000x32xf32, #tpu.memory_space<vmem>>, vector<1000x32xf32>
    tpu.vector_store %arg6[%swap3A, %swap3A_35], %mul3A_34 {strides = array<i32>} : memref<1000x32xf32, #tpu.memory_space<vmem>>, vector<1000x32xf32>,
    return
  }
  func.func @transform_0(%arg0: i32) -> (i32, i32, i32) {
    %c0_i32 = arith.constant 0 : i32
    %c0_i32_0 = arith.constant 0 : i32
    %c0_i32_1 = arith.constant 0 : i32
    return %c0_i32, %arg0, %c0_i32_0 : i32, i32, i32
  }
  func.func @transform_1(%arg0: i32) -> (i32, i32) {
    %c0_i32 = arith.constant 0 : i32
    %c0_i32_0 = arith.constant 0 : i32
    return %arg0, %c0_i32 : i32, i32
  }
  func.func @transform_2(%arg0: i32) -> (i32, i32) {
    %c0_i32 = arith.constant 0 : i32
    %c0_i32_0 = arith.constant 0 : i32
    return %arg0, %c0_i32 : i32, i32
  }
  func.func @transform_3(%arg0: i32) -> (i32, i32) {
    %c0_i32 = arith.constant 0 : i32
    %c0_i32_0 = arith.constant 0 : i32
    %c0_i32_1 = arith.constant 0 : i32
    return %c0_i32, %c0_i32_0 : i32, i32
  }
  func.func @transform_4(%arg0: i32) -> (i32, i32) {
    %c0_i32 = arith.constant 0 : i32
    %c0_i32_0 = arith.constant 0 : i32
    %c0_i32_1 = arith.constant 0 : i32
    return %c0_i32, %c0_i32_0 : i32, i32
  }
  func.func @transform_5(%arg0: i32) -> (i32, i32) {
    %c0_i32 = arith.constant 0 : i32
    %c0_i32_0 = arith.constant 0 : i32
    return %arg0, %c0_i32 : i32, i32
  }
}

module attributes {stable_mosaic.version = 14 : i64} {
  func.func @_tc3_body(%arg0: i32, %arg1: memref<2x1000x32xf32, #tpu.memory_space<vmem>>, %arg2: memref<1000x32xf32, #tpu.memory_space<vmem>>, %arg3: memref<1000x2xf32, #tpu.memory_space<vmem>>, %arg4: memref<1x32xf32, #tpu.memory_space<vmem>>, %arg5: memref<1000x32xf32, #tpu.memory_space<vmem>>) attributes {dimension_semantics = [#tpu.dimension_semantics<arbitrary>], iteration_bounds = array<i64: 10>, scalar_prefetch = 0 : i64, scratch_operands = 0 : i64, tpu.core_type = #tpu.core_type<tc>, window_params = [{transform_indices = @transform_0, window_bounds = array<i64: 2, 1000, 32>}, {transform_indices = @transform_1, window_bounds = array<i64: 1000, 32>}, {transform_indices = @transform_2, window_bounds = array<i64: 1000, 2>}, {pipeline_mode = #tpu.pipeline_mode<synchronous>, transform_indices = @transform_3, window_bounds = array<i64: 1, 32>}, {transform_indices = @transform_4, window_bounds = array<i64: 1000, 32>}]} {
    %get3A = arith.constant 0 : index
    %get3A_0 = arith.constant 0 : index
    %get3A_1 = vector.load %arg3[%get3A, %get3A_0] : memref<1000x2xf32, #tpu.memory_space<vmem>>, vector<1000x2xf32>
    %slice3A = vector.extract_strided_slice %get3A_1 {offsets = [0, 0], sizes = [1000, 1], strides = [1, 1]} : vector<1000x2xf32> to vector<1000x1xf32>
    %squeeze3A = vector.shape_cast %slice3A : vector<1000x1xf32> to vector<1000xf32>
    %slice3A_2 = vector.extract_strided_slice %get3A_1 {offsets = [0, 1], sizes = [1000, 1], strides = [1, 1]} : vector<1000x2xf32> to vector<1000x1xf32>
    %squeeze3A_3 = vector.shape_cast %slice3A_2 : vector<1000x1xf32> to vector<1000xf32>
    %add3A = arith.addf %squeeze3A, %squeeze3A_3 : vector<1000xf32>
    %add3A_4 = arith.constant 1.000000e+00 : f32
    %add3A_5 = vector.broadcast %add3A_4 : f32 to vector<1000xf32>
    %add3A_6 = arith.addf %add3A, %add3A_5 : vector<1000xf32>
    %rsqrt3A = math.rsqrt %add3A_6 : vector<1000xf32>
    %get3A_7 = arith.constant 0 : index
    %get3A_8 = arith.constant 0 : index
    %get3A_9 = arith.constant 0 : index
    %get3A_10 = vector.load %arg1[%get3A_7, %get3A_8, %get3A_9] : memref<2x1000x32xf32, #tpu.memory_space<vmem>>, vector<2x1000x32xf32>
    %slice3A_11 = vector.extract_strided_slice %get3A_10 {offsets = [0, 0, 0], sizes = [1, 1000, 32], strides = [1, 1, 1]} : vector<2x1000x32xf32> to vector<1x1000x32xf32>
    %squeeze3A_12 = vector.shape_cast %slice3A_11 : vector<1x1000x32xf32> to vector<1000x32xf32>
    %slice3A_13 = vector.extract_strided_slice %get3A_10 {offsets = [1, 0, 0], sizes = [1, 1000, 32], strides = [1, 1, 1]} : vector<2x1000x32xf32> to vector<1x1000x32xf32>
    %squeeze3A_14 = vector.shape_cast %slice3A_13 : vector<1x1000x32xf32> to vector<1000x32xf32>
    %add3A_15 = arith.addf %squeeze3A_12, %squeeze3A_14 : vector<1000x32xf32>
    %get3A_16 = arith.constant 0 : index
    %get3A_17 = arith.constant 0 : index
    %get3A_18 = vector.load %arg2[%get3A_16, %get3A_17] : memref<1000x32xf32, #tpu.memory_space<vmem>>, vector<1000x32xf32>
    %add3A_19 = arith.addf %add3A_15, %get3A_18 : vector<1000x32xf32>
    %broadcast_in_dim3A = vector.shape_cast %rsqrt3A : vector<1000xf32> to vector<1000x1xf32>
    %mul3A = vector.broadcast %broadcast_in_dim3A : vector<1000x1xf32> to vector<1000x32xf32>
    %mul3A_20 = arith.mulf %add3A_19, %mul3A : vector<1000x32xf32>
    %get3A_21 = arith.constant 0 : index
    %get3A_22 = arith.constant 0 : index
    %get3A_23 = vector.load %arg4[%get3A_21, %get3A_22] : memref<1x32xf32, #tpu.memory_space<vmem>>, vector<1x32xf32>
    %add3A_24 = vector.broadcast %get3A_23 : vector<1x32xf32> to vector<1000x32xf32>
    %add3A_25 = arith.addf %mul3A_20, %add3A_24 : vector<1000x32xf32>
    %reduce_max3A = arith.constant dense<0xFF800000> : vector<1000xf32>
    %reduce_max3A_26 = vector.multi_reduction <maximumf>, %add3A_25, %reduce_max3A [1] : vector<1000x32xf32> to vector<1000xf32>
    %broadcast_in_dim3A_27 = vector.shape_cast %reduce_max3A_26 : vector<1000xf32> to vector<1000x1xf32>
    %sub3A = vector.broadcast %broadcast_in_dim3A_27 : vector<1000x1xf32> to vector<1000x32xf32>
    %sub3A_28 = arith.subf %add3A_25, %sub3A : vector<1000x32xf32>
    %exp3A = math.exp %sub3A_28 : vector<1000x32xf32>
    %reduce_sum3A = arith.constant dense<0.000000e+00> : vector<1000xf32>
    %reduce_sum3A_29 = vector.multi_reduction <add>, %exp3A, %reduce_sum3A [1] : vector<1000x32xf32> to vector<1000xf32>
    %broadcast_in_dim3A_30 = vector.shape_cast %reduce_sum3A_29 : vector<1000xf32> to vector<1000x1xf32>
    %log3A = math.log %broadcast_in_dim3A_30 : vector<1000x1xf32>
    %sub3A_31 = vector.broadcast %log3A : vector<1000x1xf32> to vector<1000x32xf32>
    %sub3A_32 = arith.subf %sub3A_28, %sub3A_31 : vector<1000x32xf32>
    %swap3A = arith.constant 0 : index
    %swap3A_33 = arith.constant 0 : index
    %swap3A_34 = vector.load %arg5[%swap3A, %swap3A_33] : memref<1000x32xf32, #tpu.memory_space<vmem>>, vector<1000x32xf32>
    tpu.vector_store %arg5[%swap3A, %swap3A_33], %sub3A_32 {strides = array<i32>} : memref<1000x32xf32, #tpu.memory_space<vmem>>, vector<1000x32xf32>,
    return
  }
  func.func @transform_0(%arg0: i32) -> (i32, i32, i32) {
    %c0_i32 = arith.constant 0 : i32
    %c0_i32_0 = arith.constant 0 : i32
    %c0_i32_1 = arith.constant 0 : i32
    return %c0_i32, %arg0, %c0_i32_0 : i32, i32, i32
  }
  func.func @transform_1(%arg0: i32) -> (i32, i32) {
    %c0_i32 = arith.constant 0 : i32
    %c0_i32_0 = arith.constant 0 : i32
    return %arg0, %c0_i32 : i32, i32
  }
  func.func @transform_2(%arg0: i32) -> (i32, i32) {
    %c0_i32 = arith.constant 0 : i32
    %c0_i32_0 = arith.constant 0 : i32
    return %arg0, %c0_i32 : i32, i32
  }
  func.func @transform_3(%arg0: i32) -> (i32, i32) {
    %c0_i32 = arith.constant 0 : i32
    %c0_i32_0 = arith.constant 0 : i32
    %c0_i32_1 = arith.constant 0 : i32
    return %c0_i32, %c0_i32_0 : i32, i32
  }
  func.func @transform_4(%arg0: i32) -> (i32, i32) {
    %c0_i32 = arith.constant 0 : i32
    %c0_i32_0 = arith.constant 0 : i32
    return %arg0, %c0_i32 : i32, i32
  }
}

</mosaic_0001>

<sc_bundles>
// kernel: kernel.11.cloned.1.call-start
scs
__scs_entry_jumppad:
0x0: {  	(pc) =	sbr.rel $0x88, $3  }
0x1: {  	(tag) =	ssettag $0x0;
	lr =	simm.s32 $0x1  }
0x2: {  	[smem:$0x3F9B] =	sst lr;
	_ =	strace $0xD0000000  }
0x3: {  	_ = 	snop  }
0x4: {  	_ = 	snop  }
0x5: {  	_ = 	snop  }
0x6: {  	_ = 	snop  }
0x7: {  	_ = 	snop  }
__scs_overlays_trampoline_lowered:
0x8: {  	[smem:$0x3FAA] =	sst s0  }
0x9: {  	[smem:$0x3FAB] =	sst s1  }
0xa: {  	[smem:$0x3FAC] =	sst s2  }
0xb: {  	[smem:$0x3FAD] =	sst s3  }
0xc: {  	[smem:$0x3FAE] =	sst s4  }
0xd: {  	[smem:$0x3FAF] =	sst s5  }
0xe: {  	[smem:$0x3FB0] =	sst s6  }
0xf: {  	[smem:$0x3FB1] =	sst s7  }
0x10: {  	[smem:$0x3FB2] =	sst s8  }
0x11: {  	[smem:$0x3FB3] =	sst s9;
	s0 =	simm.s32 @!p0 $0x0  }
0x12: {  	s1 =	sld [smem:$0x3F99];
	s0 =	simm.s32 @p0 $0x1  }
0x13: {  	[smem:$0x3FB4] =	sst s0;
	s0 =	simm.s32 @!p1 $0x0  }
0x14: {  	s2 =	sld [smem:$0x3F98];
	s0 =	simm.s32 @p1 $0x1  }
0x15: {  	[smem:$0x3FB5] =	sst s0;
	s0 =	simm.s32 @!p2 $0x0  }
0x16: {  	s3 =	sld [smem:$0x3FDB];
	s0 =	simm.s32 @p2 $0x1  }
0x17: {  	s4 =	simm.s32 $0x1BF5;
	[smem:$0x3FB7] =	sst s0  }
0x18: {  	s0 =	sld [smem:$0x3F9A];
	_ =	swait.ge [sflag:s4], $0x0  }
0x19: {  	s7 =	sld [smem:$0x3F9B]  }
0x1a: {  	s8 =	sadd.s32 $0xFFFFE003, lr  }
0x1b: {  	s9 =	sadd.s32 $0xFFFFFEF7, lr;
	s5 =	simm.s32 $0xFFFFFFFF;
	p2 =	slt.u32 s8, $0xFFFFF086  }
0x1c: {  	p1 =	slt.u32 s9, $0xF7A;
	s5 =	simm.s32 @!p2 $0x0  }
0x1d: {  	s5 =	simm.s32 @p1 $0x1;
	p0 =	seq.s32 s7, s2  }
0x1e: {  	s7 =	smul.u32 @!p0 $0xF7A, s2;
	p2 =	seq.s32 @!p0 s5, $0x0  }
0x1f: {  	s9 =	smul.u32 $0xF7A, s1;
	s8 =	simm.s32 @!p0 $0x1BF5;
	p2 =	por !p2, p0  }
0x20: {  	[sflag:s8] =	ssyncset.s32 @!p0 $0xFFFFF086;
	s6 =	sadd.s32 @!p0 s3, s7;
	s7 =	simm.s32 @!p0 $0x108  }
0x21: {  	s3 =	sadd.s32 s3, s9;
	s6 =	sadd.s32 @!p0 $0x88, s6;
	s7 =	simm.s32 @p2 $0x1082  }
0x22: {  	[simem:s7], [sflag:s8] =	dma.local @!p0 [hbm:s6], $0xF7A  }
0x23: {  	s9 =	sor.u32 $0xD0000000, s2;
	s6 =	simm.s32 $0x108;
	_ =	swait.ge @!p0 [sflag:s8], $0x0  }
0x24: {  	s3 =	sadd.s32 $0x88, s3;
	s6 =	simm.s32 @!p1 $0x1082;
	[sflag:s4] =	ssyncset.s32 $0xFFFFF086  }
0x25: {  	[simem:s6], [sflag:s4] =	dma.local [hbm:s3], $0xF7A  }
0x26: {  	[smem:$0x3F9B] =	sst s1;
	(tag) =	ssettag s2;
	_ =	strace s9  }
0x27: {  	s1 =	sld [smem:$0x3FAB]  }
0x28: {  	s2 =	sld [smem:$0x3FAC]  }
0x29: {  	s4 =	sld [smem:$0x3FAE]  }
0x2a: {  	p0 =	seq.s32 s5, $0x0;
	s5 =	sld [smem:$0x3FAF]  }
0x2b: {  	s6 =	sld [smem:$0x3FB0]  }
0x2c: {  	s7 =	sld [smem:$0x3FB1]  }
0x2d: {  	s3 =	simm.s32 $0x108;
	s8 =	sld [smem:$0x3FB2]  }
0x2e: {  	s3 =	simm.s32 @!p0 $0x1082;
	s9 =	sld [smem:$0x3FB3]  }
0x2f: {  	lr =	sadd.s32 s0, s3;
	s0 =	sld [smem:$0x3FAA]  }
0x30: {  	s3 =	sld [smem:$0x3FAD]  }
0x31: {  	[smem:$0x3FB6] =	sst s10  }
0x32: {  	s10 =	sld [smem:$0x3FB4];
	_ =	sdelay $0x3  }
0x33: {  	p0 =	seq.s32 s10, $0x1;
	s10 =	sld [smem:$0x3FB6];
	_ =	sdelay $0x3  }
0x34: {  	[smem:$0x3FB6] =	sst s10  }
0x35: {  	s10 =	sld [smem:$0x3FB5];
	_ =	sdelay $0x3  }
0x36: {  	p1 =	seq.s32 s10, $0x1;
	s10 =	sld [smem:$0x3FB6];
	_ =	sdelay $0x3  }
0x37: {  	[smem:$0x3FB6] =	sst s10  }
0x38: {  	s10 =	sld [smem:$0x3FB7]  }
0x39: {  	_ = 	snop;
	(pc) =	sbr.ind lr, $3  }
0x3a: {  	_ = 	snop  }
0x3b: {  	_ = 	snop  }
0x3c: {  	p2 =	seq.s32 s10, $0x1;
	s10 =	sld [smem:$0x3FB6]  }
0x3d: {  	_ =	shalt  }
0x3e: {  	_ =	shalt  }
0x3f: {  	_ =	shalt  }
0x40: {  	_ =	shalt  }
0x41: {  	_ =	shalt  }
0x42: {  	_ =	shalt  }
0x43: {  	_ =	shalt  }
0x44: {  	_ =	shalt  }
0x45: {  	_ =	shalt  }
0x46: {  	_ =	shalt  }
0x47: {  	_ =	shalt  }
0x48: {  	_ =	shalt  }
0x49: {  	_ =	shalt  }
0x4a: {  	_ =	shalt  }
0x4b: {  	_ =	shalt  }
0x4c: {  	_ =	shalt  }
0x4d: {  	_ =	shalt  }
0x4e: {  	_ =	shalt  }
0x4f: {  	_ =	shalt  }
0x50: {  	_ =	shalt  }
0x51: {  	_ =	shalt  }
0x52: {  	_ =	shalt  }
0x53: {  	_ =	shalt  }
0x54: {  	_ =	shalt  }
0x55: {  	_ =	shalt  }
0x56: {  	_ =	shalt  }
0x57: {  	_ =	shalt  }
0x58: {  	_ =	shalt  }
0x59: {  	_ =	shalt  }
0x5a: {  	_ =	shalt  }
0x5b: {  	_ =	shalt  }
0x5c: {  	_ =	shalt  }
0x5d: {  	_ =	shalt  }
0x5e: {  	_ =	shalt  }
0x5f: {  	_ =	shalt  }
0x60: {  	_ =	shalt  }
0x61: {  	_ =	shalt  }
0x62: {  	_ =	shalt  }
0x63: {  	_ =	shalt  }
0x64: {  	_ =	shalt  }
0x65: {  	_ =	shalt  }
0x66: {  	_ =	shalt  }
0x67: {  	_ =	shalt  }
0x68: {  	_ =	shalt  }
0x69: {  	_ =	shalt  }
0x6a: {  	_ =	shalt  }
0x6b: {  	_ =	shalt  }
0x6c: {  	_ =	shalt  }
0x6d: {  	_ =	shalt  }
0x6e: {  	_ =	shalt  }
0x6f: {  	_ =	shalt  }
0x70: {  	_ =	shalt  }
0x71: {  	_ =	shalt  }
0x72: {  	_ =	shalt  }
0x73: {  	_ =	shalt  }
0x74: {  	_ =	shalt  }
0x75: {  	_ =	shalt  }
0x76: {  	_ =	shalt  }
0x77: {  	_ =	shalt  }
0x78: {  	_ =	shalt  }
0x79: {  	_ =	shalt  }
0x7a: {  	_ =	shalt  }
0x7b: {  	_ =	shalt  }
0x7c: {  	_ =	shalt  }
0x7d: {  	_ =	shalt  }
0x7e: {  	_ =	shalt  }
0x7f: {  	_ =	shalt  }
0x80: {  	_ =	shalt  }
0x81: {  	_ =	shalt  }
0x82: {  	_ =	shalt  }
0x83: {  	_ =	shalt  }
0x84: {  	_ =	shalt  }
0x85: {  	_ =	shalt  }
0x86: {  	_ =	shalt  }
0x87: {  	_ =	shalt  }
.Lfunc_end0:
.L_simem_size_0:
called_computation.1_lowered:
.L_overlay_start_0:
0x88: {  	s2 =	sld [smem:$0x3FD9]  }
0x89: {  	s3 =	sld [smem:$0x3FFE];
	_ =	sdelay $0x1  }
0x8a: {  	s1 =	srdreg.scid  }
0x8b: {  	s0 =	sand.u32 $0x1, s1  }
0x8c: {  	s16 =	sshll.u32 s0, $0xA;
	s2 =	sadd.s32 s3, s2  }
0x8d: {  	s2 =	sadd.s32 s2, s16  }
0x8e: {  	[smem:$0x3FC2] =	sst s2  }
0x8f: {  	_ = 	snop  }
0x90: {  	(tm) =	ssettm $0x1  }
0x91: {  	s17 =	sld [smem:$0x3FFB];
	_ =	sdelay $0x3  }
0x92: {  	_ =	strace s17  }
0x93: {  	s2 =	sld [smem:$0x3FFC];
	_ =	sdelay $0x3  }
0x94: {  	_ =	strace s2  }
0x95: {  	s2 =	sld [smem:$0x3FFD];
	_ =	sdelay $0x3  }
0x96: {  	_ =	strace s2  }
0x97: {  	_ =	strace $0x8FFFFFFF  }
0x98: {  	s18 =	sld [smem:$0x3FDB];
	_ =	sdelay $0x1  }
0x99: {  	s19 =	simm.s32 $_scs_section_size  }
0x9a: {  	s4 =	simm.s32 $_size__tile_overlayer_lowered;
	s5 =	simm.s32 $_tile_overlayer_lowered  }
0x9b: {  	s22 =	simm.s32 $0x1BFF;
	s21 =	sshll.u32 s5, $0x1;
	s2 =	sadd.s32 s19, s18  }
0x9c: {  	s6 =	simm.s32 $0x0;
	s20 =	sshll.u32 s4, $0x1;
	s4 =	sadd.s32 s21, s2  }
0x9d: {  	[timem:s6], [sflag:s22] =	dma.local [hbm:s4], s20  }
0x9e: {  	_ =	swait.ge [sflag:s22], s20  }
0x9f: {  	s3 =	ssub.s32 $0x0, s20;
	[sflag:s22] =	ssyncset.done $0x0  }
0xa0: {  	[sflag:s22] =	ssyncadd.s32 s3;
	_ =	sdelay $0x1  }
0xa1: {  	s23 =	simm.s32 $0x1B8B  }
0xa2: {  	_ =	swait.ge [sflag:s23], $0x1  }
0xa3: {  	[sflag:s23] =	ssyncset.done $0x0  }
0xa4: {  	s25 =	simm.s32 $0x1B8E;
	s24 =	sld [smem:$0x3FFE];
	[sflag:s23] =	ssyncadd.s32 $0xFFFFFFFF  }
0xa5: {  	s26 =	simm.s32 $execute0_lowered;
	[smem:$0x3FD2] =	sst s25  }
0xa6: {  	s4 =	sshll.u32 s26, $0x1;
	_ =	strace $0x80000049;
	[dreg:$0x1] =	wrdreg $0xFFFFFFFF  }
0xa7: {  	s28 =	simm.s32 $_size_execute0_lowered;
	s2 =	sadd.s32 s2, s4;
	[dreg:$0x0] =	wrdreg $0x0  }
0xa8: {  	s4 =	sshll.u32 s28, $0x1;
	[dreg:$0x2] =	wrdreg s2  }
0xa9: {  	[dreg:$0x3] =	wrdreg s4  }
0xaa: {  	[dreg:$0x4] =	wrdreg $0xC0  }
0xab: {  	_ =	task [dreg:s6], $0x5FFFF  }
0xac: {  	[dreg:$0x1] =	wrdreg $0xFFFFFFFF  }
0xad: {  	[dreg:$0x0] =	wrdreg $0x60  }
0xae: {  	[dreg:$0x2] =	wrdreg s24  }
0xaf: {  	[dreg:$0x3] =	wrdreg $0x0  }
0xb0: {  	[dreg:$0x4] =	wrdreg $0x9  }
0xb1: {  	_ =	task.clear_ibuf [dreg:s6], $0x5FFFF;
	_ =	strace $0x90000049  }
0xb2: {  	s29 =	simm.s32 $0x9;
	_ =	strace $0x8000004B  }
0xb3: {  	_ =	swait.ge [sflag:s29], $0x1  }
0xb4: {  	[sflag:s29] =	ssyncadd.s32 $0xFFFFFFFF  }
0xb5: {  	_ =	strace $0x9000004B  }
0xb6: {  	_ =	sfence  }
0xb7: {  	s30 =	sld [smem:$0x0];
	_ =	sdelay $0x2  }
0xb8: {  	s31 =	sshll.u32 s1, $0xD;
	s1 =	sshrl.u32 s1, $0x2  }
0xb9: {  	s3 =	sand.u32 $0x4000, s31;
	s1 =	sadd.s32 s1, s30  }
0xba: {  	s0 =	sor.u32 s3, s0;
	s1 =	sshll.u32 s1, $0x11  }
0xbb: {  	s0 =	sor.u32 s1, s0  }
0xbc: {  	s0 =	sadd.s32 $0x8F2B, s0  }
0xbd: {  	[sflag:s0] =	ssyncadd.remote.s32 $0x1  }
0xbe: {  	_ =	sfence.sel $0xFFFF  }
0xbf: {  	[dreg:$0x0] =	wrdreg $0xFFFFFFFF;
	(pc) =	sbr.abs _section_cstart, $3  }
0xc0: {  	[dreg:$0x1] =	wrdreg $0xFFFFFFFF  }
0xc1: {  	_ =	task.clear_ibuf [dreg:s6], $0x2FFFF;
	_ =	strace $0x9FFFFFFF  }
0xc2: {  	(tm) =	ssettm $0x7FFFFFFF  }
0xc3: {  	_ =	shalt  }
tec
execute0_lowered:
.L_overlay_start_1:
0x0: {  	(tag) =	ssettag $0x1  }
0x1: {  	s5 =	rddreg [dreg:$0x0]  }
0x2: {  	s1 =	rddreg [dreg:$0x1];
	s2 =	simm.s32 $0x0;
	s4 =	srdreg.scid  }
0x3: {  	s7 =	simm.s32 $0x6;
	s17 =	simm.s32 $0x13B00;
	s18 =	simm.s32 $0x3  }
0x4: {  	s19 =	simm.s32 $0x1;
	s20 =	simm.s32 $0x2;
	s21 =	simm.s32 $0x80  }
0x5: {  	s22 =	simm.s32 $0x17B00;
	s23 =	simm.s32 $0x1CE80;
	s24 =	simm.s32 $0x1E200  }
0x6: {  	s25 =	simm.s32 $0x1E280;
	s26 =	simm.s32 $0x0;
	[smem:$0x7FF] =	sst s2  }
0x7: {  	s3 =	sadd.s32 $0x15E00, s5;
	s10 =	sadd.s32 $0xBE00, s5;
	s11 =	sadd.s32 $0x1E00, s5  }
0x8: {  	s8 =	sand.u32 $0x1, s4;
	s4 =	stileid.u32;
	s5 =	sadd.s32 $0x3D000, s5  }
0x9: {  	_ =	strace $0x8000004A;
	s9 =	ssub.s32 $0x2, s8;
	s15 =	smul.u32 $0x138800, s8  }
0xa: {  	s6 =	sshll.u32 s8, $0x4;
	p0 =	seq.s32 s4, $0xF;
	s16 =	smul.u32 $0x50000, s4  }
0xb: {  	s30 =	smul.u32 $0x14000, s4;
	s12 =	sshrl.u32 s9, $0x1;
	s13 =	sor.u32 s4, s6  }
0xc: {  	s6 =	simm.s32 $0x5;
	s7 =	simm.s32 @!p0 $0x8;
	s14 =	smul.u32 $0x500, s13  }
0xd: {  	s6 =	simm.s32 @!p0 $0x8;
	s13 =	smul.u32 $0x2800, s13;
	s12 =	ssub.s32 s9, s12  }
0xe: {  	s31 =	sshrl.u32 s16, $0x2;
	s16 =	simm.s32 $0x1CF00;
	s12 =	smax.u32 s12, $0x1  }
0xf: {  	s8 =	sadd.s32 s10, s14;
	s13 =	sshrl.u32 s13, $0x3;
	s9 =	sadd.s32 s11, s14  }
0x10: {  	s14 =	sadd.s32 s30, s15;
	s15 =	simm.s32 $0x1BB00;
	s13 =	sadd.s32 $0x280, s13  }
0x11: {  	v0 =	vimm.f32 $0.0e+00;
	s10 =	sadd.s32 s10, s13;
	s11 =	sadd.s32 s11, s13;
	s13 =	sadd.s32 s31, s1  }
.LBB2_1:
0x12: {  	[tilespmem:s15], [sflag:$0x1] =	stream.linear.gather [hbm4b:s8+s2], $0x1400, $0x38;
	[tilespmem:$0x1E300] =	vst v63  }
0x13: {  	s28 =	simm.s32 $0x0;
	s29 =	simm.s32 $0x200  }
0x14: {  	[tilespmem:s16], [sflag:$0x2] =	stream.linear.gather [hbm4b:s9+s2], $0x1400, $0x38;
	[tilespmem:$0x1E300] =	vst v63  }
.LBB2_2:
0x15: {  	p0 =	sne.s32 s29, $0x9E00;
	[tilespmem:s28+$0x13B70] =	vst v0  }
0x16: {  	[tilespmem:s28+$0x13B00] =	vst v0  }
0x17: {  	[tilespmem:s28+$0x13B10] =	vst v0  }
.Ltmp0:
0x18: {  	[tilespmem:s28+$0x13B20] =	vst v0;
	(pc) =	sbr.rel @p0 .LBB2_2-.Ltmp0, $4  }
0x19: {  	[tilespmem:s28+$0x13B30] =	vst v0  }
0x1a: {  	[tilespmem:s28+$0x13B40] =	vst v0  }
0x1b: {  	[tilespmem:s28+$0x13B50] =	vst v0  }
0x1c: {  	[tilespmem:s28+$0x13B60] =	vst v0;
	s28 =	sshra.s32 s29, $0x2;
	s29 =	sadd.s32 $0x200, s29  }
0x1d: {  	[tilespmem:s28+$0x13B70] =	vst v0  }
0x1e: {  	[tilespmem:s28+$0x13B00] =	vst v0  }
0x1f: {  	[tilespmem:s28+$0x13B10] =	vst v0  }
0x20: {  	[tilespmem:s28+$0x13B20] =	vst v0  }
0x21: {  	[tilespmem:s28+$0x13B30] =	vst v0  }
0x22: {  	[tilespmem:s28+$0x13B40] =	vst v0;
	p0 =	sne.s32 s7, $0x1  }
.Ltmp1:
0x23: {  	[tilespmem:s28+$0x13B50] =	vst v0;
	(pc) =	sbr.rel @!p0 .LBB2_5-.Ltmp1, $4  }
0x24: {  	[tilespmem:s28+$0x13B60] =	vst v0  }
0x25: {  	[spmem:s13] =	stream.linear.scatter [tilespmem:s17], [sflag:$0x3], $0x2800, $0x38;
	[tilespmem:$0x1E300] =	vst v63  }
0x26: {  	_ =	swait.ge [sflag:s18], $0x2800  }
0x27: {  	s28 =	sadd.s32 $0xFFFFFFFF, s7;
	s29 =	smov.u32 s13;
	[sflag:s18] =	ssyncset.done $0x0  }
.LBB2_4:
0x28: {  	p0 =	sne.s32 s28, $0x1;
	[sflag:s18] =	ssyncadd.s32 $0xFFFFD800;
	s29 =	sadd.s32 $0x2800, s29  }
.Ltmp2:
0x29: {  	s28 =	sadd.s32 $0xFFFFFFFF, s28;
	(pc) =	sbr.rel @p0 .LBB2_4-.Ltmp2, $4  }
0x2a: {  	_ = 	snop  }
0x2b: {  	[spmem:s29] =	stream.linear.scatter [tilespmem:s17], [sflag:$0x3], $0x2800, $0x38;
	[tilespmem:$0x1E300] =	vst v63  }
0x2c: {  	_ =	swait.ge [sflag:s18], $0x2800  }
0x2d: {  	[sflag:s18] =	ssyncset.done $0x0  }
.LBB2_5:
0x2e: {  	[sflag:s18] =	ssyncadd.s32 $0xFFFFD800  }
0x2f: {  	[bflag:$0x0] =	sbarrier.arrive $0xFFFF  }
0x30: {  	_ =	swait.ge [sflag:s19], $0x1400  }
0x31: {  	[sflag:s19] =	ssyncset.done $0x0  }
0x32: {  	[sflag:s19] =	ssyncadd.s32 $0xFFFFEC00  }
0x33: {  	_ =	swait.ge [sflag:s20], $0x1400  }
0x34: {  	[sflag:s20] =	ssyncset.done $0x0  }
0x35: {  	[sflag:s20] =	ssyncadd.s32 $0xFFFFEC00  }
0x36: {  	[tilespmem:s17], [sflag:$0x1] =	stream.indirect.gather [hbm4b:s3+s21], $0x80, s15, s21, $0xb8;
	[tilespmem:$0x1E300] =	vst v63  }
0x37: {  	s28 =	simm.s32 $0x1BB80  }
0x38: {  	[tilespmem:s22], [sflag:$0x2] =	stream.indirect.gather [hbm4b:s3+s21], $0x80, s28, s21, $0xb8;
	[tilespmem:$0x1E300] =	vst v63  }
0x39: {  	_ =	swait.ge [sflag:s19], $0x4000  }
0x3a: {  	[sflag:s19] =	ssyncset.done $0x0  }
0x3b: {  	s28 =	simm.s32 $0x1CF00;
	[sflag:s19] =	ssyncadd.s32 $0xFFFFC000  }
0x3c: {  	[spmem:s1] =	stream.indirect.scatter.add.f32 [tilespmem:s17], [sflag:$0x3], $0x80, s28, s21, $0xb8;
	[tilespmem:$0x1E300] =	vst v63  }
0x3d: {  	_ =	swait.ge [sflag:s18], $0x4000  }
0x3e: {  	[sflag:s18] =	ssyncset.done $0x0  }
0x3f: {  	s28 =	simm.s32 $0x1BC00;
	[sflag:s18] =	ssyncadd.s32 $0xFFFFC000  }
0x40: {  	[tilespmem:s17], [sflag:$0x1] =	stream.indirect.gather [hbm4b:s3+s21], $0x80, s28, s21, $0xb8;
	[tilespmem:$0x1E300] =	vst v63  }
0x41: {  	_ =	swait.ge [sflag:s20], $0x4000  }
0x42: {  	[sflag:s20] =	ssyncset.done $0x0  }
0x43: {  	s28 =	simm.s32 $0x1CF80;
	[sflag:s20] =	ssyncadd.s32 $0xFFFFC000  }
0x44: {  	[spmem:s1] =	stream.indirect.scatter.add.f32 [tilespmem:s22], [sflag:$0x3], $0x80, s28, s21, $0xb8;
	[tilespmem:$0x1E300] =	vst v63  }
0x45: {  	_ =	swait.ge [sflag:s18], $0x4000  }
0x46: {  	s29 =	simm.s32 $0x800;
	s28 =	simm.s32 $0x100;
	[sflag:s18] =	ssyncset.done $0x0  }
.LBB2_6:
0x47: {  	s30 =	sadd.s32 $0x1BB80, s28  }
0x48: {  	[sflag:s18] =	ssyncadd.s32 $0xFFFFC000;
	s31 =	smov.u32 s29;
	s0 =	sadd.s32 $0x400, s29  }
0x49: {  	[tilespmem:s22], [sflag:$0x2] =	stream.indirect.gather [hbm4b:s3+s21], $0x80, s30, s21, $0xb8;
	[tilespmem:$0x1E300] =	vst v63  }
0x4a: {  	p0 =	sne.s32 s29, $0x4800;
	_ =	swait.ge [sflag:s19], $0x4000  }
0x4b: {  	[sflag:s19] =	ssyncset.done $0x0  }
0x4c: {  	s29 =	sadd.s32 $0x1CF00, s28;
	[sflag:s19] =	ssyncadd.s32 $0xFFFFC000  }
0x4d: {  	[spmem:s1] =	stream.indirect.scatter.add.f32 [tilespmem:s17], [sflag:$0x3], $0x80, s29, s21, $0xb8;
	[tilespmem:$0x1E300] =	vst v63  }
0x4e: {  	_ =	swait.ge [sflag:s18], $0x4000  }
0x4f: {  	[sflag:s18] =	ssyncset.done $0x0  }
0x50: {  	s29 =	sadd.s32 $0x1BC00, s28;
	[sflag:s18] =	ssyncadd.s32 $0xFFFFC000  }
0x51: {  	[tilespmem:s17], [sflag:$0x1] =	stream.indirect.gather [hbm4b:s3+s21], $0x80, s29, s21, $0xb8;
	[tilespmem:$0x1E300] =	vst v63  }
0x52: {  	_ =	swait.ge [sflag:s20], $0x4000  }
.Ltmp3:
0x53: {  	[sflag:s20] =	ssyncset.done $0x0;
	(pc) =	sbr.rel @p0 .LBB2_6-.Ltmp3, $4  }
0x54: {  	s28 =	sadd.s32 $0x1CF80, s28;
	[sflag:s20] =	ssyncadd.s32 $0xFFFFC000  }
0x55: {  	[spmem:s1] =	stream.indirect.scatter.add.f32 [tilespmem:s22], [sflag:$0x3], $0x80, s28, s21, $0xb8;
	[tilespmem:$0x1E300] =	vst v63  }
0x56: {  	_ =	swait.ge [sflag:s18], $0x4000  }
0x57: {  	s29 =	smov.u32 s0;
	s28 =	sshra.s32 s31, $0x2;
	[sflag:s18] =	ssyncset.done $0x0  }
0x58: {  	s0 =	sadd.s32 $0x1BB80, s28;
	[sflag:s18] =	ssyncadd.s32 $0xFFFFC000  }
0x59: {  	[tilespmem:s22], [sflag:$0x2] =	stream.indirect.gather [hbm4b:s3+s21], $0x80, s0, s21, $0xb8;
	[tilespmem:$0x1E300] =	vst v63  }
0x5a: {  	_ =	swait.ge [sflag:s19], $0x4000  }
0x5b: {  	[sflag:s19] =	ssyncset.done $0x0  }
0x5c: {  	s30 =	sadd.s32 $0x1CF00, s28;
	[sflag:s19] =	ssyncadd.s32 $0xFFFFC000  }
0x5d: {  	[spmem:s1] =	stream.indirect.scatter.add.f32 [tilespmem:s17], [sflag:$0x3], $0x80, s30, s21, $0xb8;
	[tilespmem:$0x1E300] =	vst v63  }
0x5e: {  	_ =	swait.ge [sflag:s18], $0x4000  }
0x5f: {  	[sflag:s18] =	ssyncset.done $0x0  }
0x60: {  	s31 =	sadd.s32 $0x1BC00, s28;
	[sflag:s18] =	ssyncadd.s32 $0xFFFFC000  }
0x61: {  	[tilespmem:s17], [sflag:$0x1] =	stream.indirect.gather [hbm4b:s3+s21], $0x80, s31, s21, $0xb8;
	[tilespmem:$0x1E300] =	vst v63  }
0x62: {  	_ =	swait.ge [sflag:s20], $0x4000  }
0x63: {  	[sflag:s20] =	ssyncset.done $0x0  }
0x64: {  	s30 =	sadd.s32 $0x1CF80, s28;
	[sflag:s20] =	ssyncadd.s32 $0xFFFFC000  }
0x65: {  	[spmem:s1] =	stream.indirect.scatter.add.f32 [tilespmem:s22], [sflag:$0x3], $0x80, s30, s21, $0xb8;
	[tilespmem:$0x1E300] =	vst v63  }
0x66: {  	_ =	swait.ge [sflag:s18], $0x4000  }
0x67: {  	[sflag:s18] =	ssyncset.done $0x0  }
0x68: {  	[sflag:s18] =	ssyncadd.s32 $0xFFFFC000  }
0x69: {  	[tilespmem:s22], [sflag:$0x2] =	stream.indirect.gather [hbm4b:s3+s21], $0x80, s23, s21, $0xb8;
	[tilespmem:$0x1E300] =	vst v63  }
0x6a: {  	_ =	swait.ge [sflag:s19], $0x4000  }
0x6b: {  	[sflag:s19] =	ssyncset.done $0x0  }
0x6c: {  	[sflag:s19] =	ssyncadd.s32 $0xFFFFC000  }
0x6d: {  	[spmem:s1] =	stream.indirect.scatter.add.f32 [tilespmem:s17], [sflag:$0x3], $0x80, s24, s21, $0xb8;
	[tilespmem:$0x1E300] =	vst v63  }
0x6e: {  	_ =	swait.ge [sflag:s18], $0x4000  }
0x6f: {  	[sflag:s18] =	ssyncset.done $0x0  }
0x70: {  	[sflag:s18] =	ssyncadd.s32 $0xFFFFC000  }
0x71: {  	_ =	swait.ge [sflag:s20], $0x4000  }
0x72: {  	[sflag:s20] =	ssyncset.done $0x0  }
0x73: {  	[sflag:s20] =	ssyncadd.s32 $0xFFFFC000  }
0x74: {  	[spmem:s1] =	stream.indirect.scatter.add.f32 [tilespmem:s22], [sflag:$0x3], $0x80, s25, s21, $0xb8;
	[tilespmem:$0x1E300] =	vst v63  }
0x75: {  	_ =	swait.ge [sflag:s18], $0x4000  }
0x76: {  	[sflag:s18] =	ssyncset.done $0x0  }
0x77: {  	s31 =	simm.s32 $0x0;
	[sflag:s18] =	ssyncadd.s32 $0xFFFFC000  }
0x78: {  	[tilespmem:s15], [sflag:$0x3] =	stream.linear.gather [hbm4b:s10+s31], $0x1400, $0x38;
	[tilespmem:$0x1E300] =	vst v63  }
0x79: {  	_ =	swait.ge [sflag:s18], $0x1400  }
0x7a: {  	[sflag:s18] =	ssyncset.done $0x0  }
0x7b: {  	[sflag:s18] =	ssyncadd.s32 $0xFFFFEC00  }
0x7c: {  	[tilespmem:s16], [sflag:$0x3] =	stream.linear.gather [hbm4b:s11+s31], $0x1400, $0x38;
	[tilespmem:$0x1E300] =	vst v63  }
0x7d: {  	_ =	swait.ge [sflag:s18], $0x1400  }
0x7e: {  	[sflag:s18] =	ssyncset.done $0x0  }
0x7f: {  	[sflag:s18] =	ssyncadd.s32 $0xFFFFEC00  }
0x80: {  	[tilespmem:s17], [sflag:$0x1] =	stream.indirect.gather [hbm4b:s3+s21], $0x80, s15, s21, $0xb8;
	[tilespmem:$0x1E300] =	vst v63  }
0x81: {  	s30 =	simm.s32 $0x1BB80  }
0x82: {  	[tilespmem:s22], [sflag:$0x2] =	stream.indirect.gather [hbm4b:s3+s21], $0x80, s30, s21, $0xb8;
	[tilespmem:$0x1E300] =	vst v63  }
0x83: {  	_ =	swait.ge [sflag:s19], $0x4000  }
0x84: {  	[sflag:s19] =	ssyncset.done $0x0  }
0x85: {  	s31 =	simm.s32 $0x1CF00;
	[sflag:s19] =	ssyncadd.s32 $0xFFFFC000  }
0x86: {  	[spmem:s1] =	stream.indirect.scatter.add.f32 [tilespmem:s17], [sflag:$0x3], $0x80, s31, s21, $0xb8;
	[tilespmem:$0x1E300] =	vst v63  }
0x87: {  	_ =	swait.ge [sflag:s18], $0x4000  }
0x88: {  	[sflag:s18] =	ssyncset.done $0x0  }
0x89: {  	s30 =	simm.s32 $0x1BC00;
	[sflag:s18] =	ssyncadd.s32 $0xFFFFC000  }
0x8a: {  	[tilespmem:s17], [sflag:$0x1] =	stream.indirect.gather [hbm4b:s3+s21], $0x80, s30, s21, $0xb8;
	[tilespmem:$0x1E300] =	vst v63  }
0x8b: {  	_ =	swait.ge [sflag:s20], $0x4000  }
0x8c: {  	[sflag:s20] =	ssyncset.done $0x0  }
0x8d: {  	s31 =	simm.s32 $0x1CF80;
	[sflag:s20] =	ssyncadd.s32 $0xFFFFC000  }
0x8e: {  	[spmem:s1] =	stream.indirect.scatter.add.f32 [tilespmem:s22], [sflag:$0x3], $0x80, s31, s21, $0xb8;
	[tilespmem:$0x1E300] =	vst v63  }
0x8f: {  	_ =	swait.ge [sflag:s18], $0x4000  }
0x90: {  	s29 =	simm.s32 $0x800;
	s28 =	simm.s32 $0x100;
	[sflag:s18] =	ssyncset.done $0x0  }
.LBB2_8:
0x91: {  	s0 =	sadd.s32 $0x1BB80, s28  }
0x92: {  	[sflag:s18] =	ssyncadd.s32 $0xFFFFC000;
	s30 =	smov.u32 s29;
	s31 =	sadd.s32 $0x400, s29  }
0x93: {  	[tilespmem:s22], [sflag:$0x2] =	stream.indirect.gather [hbm4b:s3+s21], $0x80, s0, s21, $0xb8;
	[tilespmem:$0x1E300] =	vst v63  }
0x94: {  	p0 =	sne.s32 s29, $0x4800;
	_ =	swait.ge [sflag:s19], $0x4000  }
0x95: {  	[sflag:s19] =	ssyncset.done $0x0  }
0x96: {  	s0 =	sadd.s32 $0x1CF00, s28;
	[sflag:s19] =	ssyncadd.s32 $0xFFFFC000  }
0x97: {  	[spmem:s1] =	stream.indirect.scatter.add.f32 [tilespmem:s17], [sflag:$0x3], $0x80, s0, s21, $0xb8;
	[tilespmem:$0x1E300] =	vst v63  }
0x98: {  	_ =	swait.ge [sflag:s18], $0x4000  }
0x99: {  	[sflag:s18] =	ssyncset.done $0x0  }
0x9a: {  	s0 =	sadd.s32 $0x1BC00, s28;
	[sflag:s18] =	ssyncadd.s32 $0xFFFFC000  }
0x9b: {  	[tilespmem:s17], [sflag:$0x1] =	stream.indirect.gather [hbm4b:s3+s21], $0x80, s0, s21, $0xb8;
	[tilespmem:$0x1E300] =	vst v63  }
0x9c: {  	_ =	swait.ge [sflag:s20], $0x4000  }
.Ltmp4:
0x9d: {  	[sflag:s20] =	ssyncset.done $0x0;
	(pc) =	sbr.rel @p0 .LBB2_8-.Ltmp4, $4  }
0x9e: {  	s0 =	sadd.s32 $0x1CF80, s28;
	[sflag:s20] =	ssyncadd.s32 $0xFFFFC000  }
0x9f: {  	[spmem:s1] =	stream.indirect.scatter.add.f32 [tilespmem:s22], [sflag:$0x3], $0x80, s0, s21, $0xb8;
	[tilespmem:$0x1E300] =	vst v63  }
0xa0: {  	_ =	swait.ge [sflag:s18], $0x4000  }
0xa1: {  	s29 =	smov.u32 s31;
	s28 =	sshra.s32 s30, $0x2;
	[sflag:s18] =	ssyncset.done $0x0  }
0xa2: {  	s0 =	sadd.s32 $0x1BB80, s28;
	[sflag:s18] =	ssyncadd.s32 $0xFFFFC000  }
0xa3: {  	[tilespmem:s22], [sflag:$0x2] =	stream.indirect.gather [hbm4b:s3+s21], $0x80, s0, s21, $0xb8;
	[tilespmem:$0x1E300] =	vst v63  }
0xa4: {  	_ =	swait.ge [sflag:s19], $0x4000  }
0xa5: {  	[sflag:s19] =	ssyncset.done $0x0  }
0xa6: {  	s31 =	sadd.s32 $0x1CF00, s28;
	[sflag:s19] =	ssyncadd.s32 $0xFFFFC000  }
0xa7: {  	[spmem:s1] =	stream.indirect.scatter.add.f32 [tilespmem:s17], [sflag:$0x3], $0x80, s31, s21, $0xb8;
	[tilespmem:$0x1E300] =	vst v63  }
0xa8: {  	_ =	swait.ge [sflag:s18], $0x4000  }
0xa9: {  	[sflag:s18] =	ssyncset.done $0x0  }
0xaa: {  	s31 =	sadd.s32 $0x1BC00, s28;
	[sflag:s18] =	ssyncadd.s32 $0xFFFFC000  }
0xab: {  	[tilespmem:s17], [sflag:$0x1] =	stream.indirect.gather [hbm4b:s3+s21], $0x80, s31, s21, $0xb8;
	[tilespmem:$0x1E300] =	vst v63  }
0xac: {  	_ =	swait.ge [sflag:s20], $0x4000  }
0xad: {  	[sflag:s20] =	ssyncset.done $0x0  }
0xae: {  	s31 =	sadd.s32 $0x1CF80, s28;
	[sflag:s20] =	ssyncadd.s32 $0xFFFFC000  }
0xaf: {  	[spmem:s1] =	stream.indirect.scatter.add.f32 [tilespmem:s22], [sflag:$0x3], $0x80, s31, s21, $0xb8;
	[tilespmem:$0x1E300] =	vst v63  }
0xb0: {  	_ =	swait.ge [sflag:s18], $0x4000  }
0xb1: {  	[sflag:s18] =	ssyncset.done $0x0  }
0xb2: {  	[sflag:s18] =	ssyncadd.s32 $0xFFFFC000  }
0xb3: {  	[tilespmem:s22], [sflag:$0x2] =	stream.indirect.gather [hbm4b:s3+s21], $0x80, s23, s21, $0xb8;
	[tilespmem:$0x1E300] =	vst v63  }
0xb4: {  	_ =	swait.ge [sflag:s19], $0x4000  }
0xb5: {  	[sflag:s19] =	ssyncset.done $0x0  }
0xb6: {  	[sflag:s19] =	ssyncadd.s32 $0xFFFFC000  }
0xb7: {  	[spmem:s1] =	stream.indirect.scatter.add.f32 [tilespmem:s17], [sflag:$0x3], $0x80, s24, s21, $0xb8;
	[tilespmem:$0x1E300] =	vst v63  }
0xb8: {  	_ =	swait.ge [sflag:s18], $0x4000  }
0xb9: {  	[sflag:s18] =	ssyncset.done $0x0  }
0xba: {  	[sflag:s18] =	ssyncadd.s32 $0xFFFFC000  }
0xbb: {  	_ =	swait.ge [sflag:s20], $0x4000  }
0xbc: {  	[sflag:s20] =	ssyncset.done $0x0  }
0xbd: {  	[sflag:s20] =	ssyncadd.s32 $0xFFFFC000  }
0xbe: {  	[spmem:s1] =	stream.indirect.scatter.add.f32 [tilespmem:s22], [sflag:$0x3], $0x80, s25, s21, $0xb8;
	[tilespmem:$0x1E300] =	vst v63  }
0xbf: {  	_ =	swait.ge [sflag:s18], $0x4000  }
0xc0: {  	[sflag:s18] =	ssyncset.done $0x0  }
0xc1: {  	[sflag:s18] =	ssyncadd.s32 $0xFFFFC000  }
0xc2: {  	[bflag:$0x0] =	sbarrier.arrive $0xFFFF  }
0xc3: {  	[tilespmem:s17], [sflag:$0x3] =	stream.linear.gather [spmem:s13], $0x2800, $0x38;
	[tilespmem:$0x1E300] =	vst v63  }
0xc4: {  	p0 =	sne.s32 s6, $0x1;
	_ =	swait.ge [sflag:s18], $0x2800  }
.Ltmp5:
0xc5: {  	s31 =	sshrl.u32 s14, $0x3;
	[sflag:s18] =	ssyncset.done $0x0;
	(pc) =	sbr.rel @!p0 .LBB2_11-.Ltmp5, $4  }
0xc6: {  	s0 =	sadd.s32 s5, s31;
	[sflag:s18] =	ssyncadd.s32 $0xFFFFD800  }
0xc7: {  	[hbm4b:s0+s2] =	stream.linear.scatter [tilespmem:s17], [sflag:$0x3], $0x2800, $0x38;
	[tilespmem:$0x1E300] =	vst v63  }
0xc8: {  	s29 =	smov.u32 s14;
	_ =	swait.ge [sflag:s18], $0x2800  }
0xc9: {  	s30 =	smov.u32 s13;
	s28 =	sadd.s32 $0xFFFFFFFF, s6;
	[sflag:s18] =	ssyncset.done $0x0  }
.LBB2_10:
0xca: {  	[sflag:s18] =	ssyncadd.s32 $0xFFFFD800;
	s29 =	sadd.s32 $0x2800, s29;
	s30 =	sadd.s32 $0x2800, s30  }
0xcb: {  	[tilespmem:s17], [sflag:$0x3] =	stream.linear.gather [spmem:s30], $0x2800, $0x38;
	[tilespmem:$0x1E300] =	vst v63  }
0xcc: {  	p0 =	sne.s32 s28, $0x1;
	s28 =	sadd.s32 $0xFFFFFFFF, s28;
	_ =	swait.ge [sflag:s18], $0x2800  }
.Ltmp6:
0xcd: {  	s0 =	sshrl.u32 s29, $0x3;
	[sflag:s18] =	ssyncset.done $0x0;
	(pc) =	sbr.rel @p0 .LBB2_10-.Ltmp6, $4  }
0xce: {  	s0 =	sadd.s32 s5, s0;
	[sflag:s18] =	ssyncadd.s32 $0xFFFFD800  }
0xcf: {  	[hbm4b:s0+s2] =	stream.linear.scatter [tilespmem:s17], [sflag:$0x3], $0x2800, $0x38;
	[tilespmem:$0x1E300] =	vst v63  }
0xd0: {  	_ =	swait.ge [sflag:s18], $0x2800  }
0xd1: {  	[sflag:s18] =	ssyncset.done $0x0  }
.LBB2_11:
0xd2: {  	s26 =	sadd.s32 $0x1, s26  }
0xd3: {  	p0 =	sne.s32 s26, s12  }
.Ltmp7:
0xd4: {  	_ = 	snop;
	(pc) =	sbr.rel @p0 .LBB2_1-.Ltmp7, $2  }
0xd5: {  	_ =	sdelay $0x2  }
0xd6: {  	[sflag:s18] =	ssyncadd.s32 $0xFFFFD800  }
0xd7: {  	_ =	sfence.sel $0x180000  }
0xd8: {  	[bflag:$0x0] =	sbarrier.arrive $0xFFFF  }
0xd9: {  	_ =	strace $0x9000004A  }
0xda: {  	[bflag:$0x2] =	sbarrier.arrive $0xFFFF  }
0xdb: {  	p0 =	sne.s32 s4, $0x0;
	s0 =	rddreg [dreg:$0x2]  }
0xdc: {  	s0 =	sadd.s32 @!p0 $0x100000, s0  }
0xdd: {  	[sflag:s0] =	ssyncadd.tile.s32 @!p0 $0x1;
	_ =	shalt  }
.Lfunc_end2:
_tile_overlayer_lowered:
.L_overlay_start_2:
0xde: {  	(tag) =	ssettag $0x2  }
0xdf: {  	s0 =	rddreg [dreg:$0x0];
	s2 =	stileid.u32  }
0xe0: {  	s1 =	rddreg [dreg:$0x1];
	p0 =	sne.s32 s2, $0x0  }
0xe1: {  	s3 =	rddreg [dreg:$0x2];
	[bflag:$0x3] =	sbarrier.arrive $0xFFFF;
	s2 =	simm.s32 @!p0 $0x1C03  }
0xe2: {  	[timem:s3], [sflag:s2] =	dma.local @!p0 [hbm:s0], s1  }
0xe3: {  	s0 =	simm.s32 @!p0 $0x3  }
0xe4: {  	_ =	swait.ge @!p0 [sflag:s0], s1  }
0xe5: {  	s1 =	ssub.s32 @!p0 $0x0, s1;
	[sflag:s0] =	ssyncset.done @!p0 $0x0  }
0xe6: {  	[sflag:s0] =	ssyncadd.s32 @!p0 s1  }
0xe7: {  	[bflag:$0x3] =	sbarrier.arrive $0xFFFF  }
0xe8: {  	_ =	shalt  }

// kernel: kernel.14.cloned.1.call-start
scs
__scs_entry_jumppad:
0x0: {  	(pc) =	sbr.rel $0x88, $3  }
0x1: {  	(tag) =	ssettag $0x0;
	lr =	simm.s32 $0x1  }
0x2: {  	[smem:$0x3F9B] =	sst lr;
	_ =	strace $0xD0000000  }
0x3: {  	_ = 	snop  }
0x4: {  	_ = 	snop  }
0x5: {  	_ = 	snop  }
0x6: {  	_ = 	snop  }
0x7: {  	_ = 	snop  }
__scs_overlays_trampoline_lowered:
0x8: {  	[smem:$0x3FAA] =	sst s0  }
0x9: {  	[smem:$0x3FAB] =	sst s1  }
0xa: {  	[smem:$0x3FAC] =	sst s2  }
0xb: {  	[smem:$0x3FAD] =	sst s3  }
0xc: {  	[smem:$0x3FAE] =	sst s4  }
0xd: {  	[smem:$0x3FAF] =	sst s5  }
0xe: {  	[smem:$0x3FB0] =	sst s6  }
0xf: {  	[smem:$0x3FB1] =	sst s7  }
0x10: {  	[smem:$0x3FB2] =	sst s8  }
0x11: {  	[smem:$0x3FB3] =	sst s9;
	s0 =	simm.s32 @!p0 $0x0  }
0x12: {  	s1 =	sld [smem:$0x3F99];
	s0 =	simm.s32 @p0 $0x1  }
0x13: {  	[smem:$0x3FB4] =	sst s0;
	s0 =	simm.s32 @!p1 $0x0  }
0x14: {  	s2 =	sld [smem:$0x3F98];
	s0 =	simm.s32 @p1 $0x1  }
0x15: {  	[smem:$0x3FB5] =	sst s0;
	s0 =	simm.s32 @!p2 $0x0  }
0x16: {  	s3 =	sld [smem:$0x3FDB];
	s0 =	simm.s32 @p2 $0x1  }
0x17: {  	s4 =	simm.s32 $0x1BF5;
	[smem:$0x3FB7] =	sst s0  }
0x18: {  	s0 =	sld [smem:$0x3F9A];
	_ =	swait.ge [sflag:s4], $0x0  }
0x19: {  	s7 =	sld [smem:$0x3F9B]  }
0x1a: {  	s8 =	sadd.s32 $0xFFFFE003, lr  }
0x1b: {  	s9 =	sadd.s32 $0xFFFFFEF7, lr;
	s5 =	simm.s32 $0xFFFFFFFF;
	p2 =	slt.u32 s8, $0xFFFFF086  }
0x1c: {  	p1 =	slt.u32 s9, $0xF7A;
	s5 =	simm.s32 @!p2 $0x0  }
0x1d: {  	s5 =	simm.s32 @p1 $0x1;
	p0 =	seq.s32 s7, s2  }
0x1e: {  	s7 =	smul.u32 @!p0 $0xF7A, s2;
	p2 =	seq.s32 @!p0 s5, $0x0  }
0x1f: {  	s9 =	smul.u32 $0xF7A, s1;
	s8 =	simm.s32 @!p0 $0x1BF5;
	p2 =	por !p2, p0  }
0x20: {  	[sflag:s8] =	ssyncset.s32 @!p0 $0xFFFFF086;
	s6 =	sadd.s32 @!p0 s3, s7;
	s7 =	simm.s32 @!p0 $0x108  }
0x21: {  	s3 =	sadd.s32 s3, s9;
	s6 =	sadd.s32 @!p0 $0x88, s6;
	s7 =	simm.s32 @p2 $0x1082  }
0x22: {  	[simem:s7], [sflag:s8] =	dma.local @!p0 [hbm:s6], $0xF7A  }
0x23: {  	s9 =	sor.u32 $0xD0000000, s2;
	s6 =	simm.s32 $0x108;
	_ =	swait.ge @!p0 [sflag:s8], $0x0  }
0x24: {  	s3 =	sadd.s32 $0x88, s3;
	s6 =	simm.s32 @!p1 $0x1082;
	[sflag:s4] =	ssyncset.s32 $0xFFFFF086  }
0x25: {  	[simem:s6], [sflag:s4] =	dma.local [hbm:s3], $0xF7A  }
0x26: {  	[smem:$0x3F9B] =	sst s1;
	(tag) =	ssettag s2;
	_ =	strace s9  }
0x27: {  	s1 =	sld [smem:$0x3FAB]  }
0x28: {  	s2 =	sld [smem:$0x3FAC]  }
0x29: {  	s4 =	sld [smem:$0x3FAE]  }
0x2a: {  	p0 =	seq.s32 s5, $0x0;
	s5 =	sld [smem:$0x3FAF]  }
0x2b: {  	s6 =	sld [smem:$0x3FB0]  }
0x2c: {  	s7 =	sld [smem:$0x3FB1]  }
0x2d: {  	s3 =	simm.s32 $0x108;
	s8 =	sld [smem:$0x3FB2]  }
0x2e: {  	s3 =	simm.s32 @!p0 $0x1082;
	s9 =	sld [smem:$0x3FB3]  }
0x2f: {  	lr =	sadd.s32 s0, s3;
	s0 =	sld [smem:$0x3FAA]  }
0x30: {  	s3 =	sld [smem:$0x3FAD]  }
0x31: {  	[smem:$0x3FB6] =	sst s10  }
0x32: {  	s10 =	sld [smem:$0x3FB4];
	_ =	sdelay $0x3  }
0x33: {  	p0 =	seq.s32 s10, $0x1;
	s10 =	sld [smem:$0x3FB6];
	_ =	sdelay $0x3  }
0x34: {  	[smem:$0x3FB6] =	sst s10  }
0x35: {  	s10 =	sld [smem:$0x3FB5];
	_ =	sdelay $0x3  }
0x36: {  	p1 =	seq.s32 s10, $0x1;
	s10 =	sld [smem:$0x3FB6];
	_ =	sdelay $0x3  }
0x37: {  	[smem:$0x3FB6] =	sst s10  }
0x38: {  	s10 =	sld [smem:$0x3FB7]  }
0x39: {  	_ = 	snop;
	(pc) =	sbr.ind lr, $3  }
0x3a: {  	_ = 	snop  }
0x3b: {  	_ = 	snop  }
0x3c: {  	p2 =	seq.s32 s10, $0x1;
	s10 =	sld [smem:$0x3FB6]  }
0x3d: {  	_ =	shalt  }
0x3e: {  	_ =	shalt  }
0x3f: {  	_ =	shalt  }
0x40: {  	_ =	shalt  }
0x41: {  	_ =	shalt  }
0x42: {  	_ =	shalt  }
0x43: {  	_ =	shalt  }
0x44: {  	_ =	shalt  }
0x45: {  	_ =	shalt  }
0x46: {  	_ =	shalt  }
0x47: {  	_ =	shalt  }
0x48: {  	_ =	shalt  }
0x49: {  	_ =	shalt  }
0x4a: {  	_ =	shalt  }
0x4b: {  	_ =	shalt  }
0x4c: {  	_ =	shalt  }
0x4d: {  	_ =	shalt  }
0x4e: {  	_ =	shalt  }
0x4f: {  	_ =	shalt  }
0x50: {  	_ =	shalt  }
0x51: {  	_ =	shalt  }
0x52: {  	_ =	shalt  }
0x53: {  	_ =	shalt  }
0x54: {  	_ =	shalt  }
0x55: {  	_ =	shalt  }
0x56: {  	_ =	shalt  }
0x57: {  	_ =	shalt  }
0x58: {  	_ =	shalt  }
0x59: {  	_ =	shalt  }
0x5a: {  	_ =	shalt  }
0x5b: {  	_ =	shalt  }
0x5c: {  	_ =	shalt  }
0x5d: {  	_ =	shalt  }
0x5e: {  	_ =	shalt  }
0x5f: {  	_ =	shalt  }
0x60: {  	_ =	shalt  }
0x61: {  	_ =	shalt  }
0x62: {  	_ =	shalt  }
0x63: {  	_ =	shalt  }
0x64: {  	_ =	shalt  }
0x65: {  	_ =	shalt  }
0x66: {  	_ =	shalt  }
0x67: {  	_ =	shalt  }
0x68: {  	_ =	shalt  }
0x69: {  	_ =	shalt  }
0x6a: {  	_ =	shalt  }
0x6b: {  	_ =	shalt  }
0x6c: {  	_ =	shalt  }
0x6d: {  	_ =	shalt  }
0x6e: {  	_ =	shalt  }
0x6f: {  	_ =	shalt  }
0x70: {  	_ =	shalt  }
0x71: {  	_ =	shalt  }
0x72: {  	_ =	shalt  }
0x73: {  	_ =	shalt  }
0x74: {  	_ =	shalt  }
0x75: {  	_ =	shalt  }
0x76: {  	_ =	shalt  }
0x77: {  	_ =	shalt  }
0x78: {  	_ =	shalt  }
0x79: {  	_ =	shalt  }
0x7a: {  	_ =	shalt  }
0x7b: {  	_ =	shalt  }
0x7c: {  	_ =	shalt  }
0x7d: {  	_ =	shalt  }
0x7e: {  	_ =	shalt  }
0x7f: {  	_ =	shalt  }
0x80: {  	_ =	shalt  }
0x81: {  	_ =	shalt  }
0x82: {  	_ =	shalt  }
0x83: {  	_ =	shalt  }
0x84: {  	_ =	shalt  }
0x85: {  	_ =	shalt  }
0x86: {  	_ =	shalt  }
0x87: {  	_ =	shalt  }
.Lfunc_end0:
.L_simem_size_0:
called_computation.2_lowered:
.L_overlay_start_0:
0x88: {  	s2 =	sld [smem:$0x3FD9]  }
0x89: {  	s3 =	sld [smem:$0x3FFE];
	_ =	sdelay $0x1  }
0x8a: {  	s1 =	srdreg.scid  }
0x8b: {  	s0 =	sand.u32 $0x1, s1  }
0x8c: {  	s17 =	sshll.u32 s0, $0xA;
	s2 =	sadd.s32 s3, s2  }
0x8d: {  	s2 =	sadd.s32 s2, s17  }
0x8e: {  	[smem:$0x3FC2] =	sst s2  }
0x8f: {  	_ = 	snop  }
0x90: {  	s2 =	sld [smem:$0x3FD0];
	(tm) =	ssettm $0x1  }
0x91: {  	s18 =	sld [smem:$0x3FFB];
	_ =	sdelay $0x3  }
0x92: {  	_ =	strace s18  }
0x93: {  	s3 =	sld [smem:$0x3FFC];
	_ =	sdelay $0x3  }
0x94: {  	_ =	strace s3  }
0x95: {  	s3 =	sld [smem:$0x3FFD];
	_ =	sdelay $0x3  }
0x96: {  	_ =	strace s3  }
0x97: {  	_ =	strace $0x8FFFFFFF  }
0x98: {  	s19 =	sld [smem:$0x3FDB];
	_ =	sdelay $0x1  }
0x99: {  	s4 =	simm.s32 $_scs_section_size  }
0x9a: {  	s5 =	simm.s32 $_size__tile_overlayer_lowered;
	s6 =	simm.s32 $_tile_overlayer_lowered  }
0x9b: {  	s22 =	simm.s32 $0x1BFF;
	s21 =	sshll.u32 s6, $0x1;
	s3 =	sadd.s32 s4, s19  }
0x9c: {  	s7 =	simm.s32 $0x0;
	s20 =	sshll.u32 s5, $0x1;
	s5 =	sadd.s32 s21, s3  }
0x9d: {  	[timem:s7], [sflag:s22] =	dma.local [hbm:s5], s20  }
0x9e: {  	_ =	swait.ge [sflag:s22], s20  }
0x9f: {  	s4 =	ssub.s32 $0x0, s20;
	[sflag:s22] =	ssyncset.done $0x0  }
0xa0: {  	[sflag:s22] =	ssyncadd.s32 s4;
	_ =	sdelay $0x1  }
0xa1: {  	s23 =	simm.s32 $0x1B8B  }
0xa2: {  	_ =	swait.ge [sflag:s23], $0x1  }
0xa3: {  	[sflag:s23] =	ssyncset.done $0x0  }
0xa4: {  	s25 =	simm.s32 $0x1B8E;
	s24 =	sld [smem:$0x3FFE];
	[sflag:s23] =	ssyncadd.s32 $0xFFFFFFFF  }
0xa5: {  	s26 =	simm.s32 $execute0_lowered;
	[smem:$0x3FD2] =	sst s25  }
0xa6: {  	s5 =	sshll.u32 s26, $0x1;
	_ =	strace $0x8000004C;
	[dreg:$0x1] =	wrdreg $0xFFFFFFFF  }
0xa7: {  	s28 =	simm.s32 $_size_execute0_lowered;
	s3 =	sadd.s32 s3, s5;
	[dreg:$0x0] =	wrdreg $0x0  }
0xa8: {  	s5 =	sshll.u32 s28, $0x1;
	[dreg:$0x2] =	wrdreg s3  }
0xa9: {  	[dreg:$0x3] =	wrdreg s5  }
0xaa: {  	[dreg:$0x4] =	wrdreg $0xC0  }
0xab: {  	_ =	task [dreg:s7], $0x5FFFF  }
0xac: {  	[dreg:$0x1] =	wrdreg $0xFFFFFFFF  }
0xad: {  	[dreg:$0x0] =	wrdreg $0x60  }
0xae: {  	[dreg:$0x2] =	wrdreg s2  }
0xaf: {  	[dreg:$0x3] =	wrdreg s24  }
0xb0: {  	[dreg:$0x4] =	wrdreg $0x0  }
0xb1: {  	[dreg:$0x5] =	wrdreg $0x9  }
0xb2: {  	_ =	task.clear_ibuf [dreg:s7], $0x6FFFF;
	_ =	strace $0x9000004C  }
0xb3: {  	s29 =	simm.s32 $0x9;
	_ =	strace $0x8000004E  }
0xb4: {  	_ =	swait.ge [sflag:s29], $0x1  }
0xb5: {  	[sflag:s29] =	ssyncadd.s32 $0xFFFFFFFF  }
0xb6: {  	_ =	strace $0x9000004E  }
0xb7: {  	_ =	sfence  }
0xb8: {  	s30 =	sld [smem:$0x0];
	_ =	sdelay $0x2  }
0xb9: {  	s31 =	sshll.u32 s1, $0xD;
	s1 =	sshrl.u32 s1, $0x2  }
0xba: {  	s3 =	sand.u32 $0x4000, s31;
	s1 =	sadd.s32 s1, s30  }
0xbb: {  	s0 =	sor.u32 s3, s0;
	s1 =	sshll.u32 s1, $0x11  }
0xbc: {  	s0 =	sor.u32 s1, s0  }
0xbd: {  	s0 =	sadd.s32 $0x8F2B, s0  }
0xbe: {  	[sflag:s0] =	ssyncadd.remote.s32 $0x1  }
0xbf: {  	_ =	sfence.sel $0xFFFF  }
0xc0: {  	[dreg:$0x0] =	wrdreg $0xFFFFFFFF;
	(pc) =	sbr.abs _section_cstart, $3  }
0xc1: {  	[dreg:$0x1] =	wrdreg $0xFFFFFFFF  }
0xc2: {  	_ =	task.clear_ibuf [dreg:s7], $0x2FFFF;
	_ =	strace $0x9FFFFFFF  }
0xc3: {  	(tm) =	ssettm $0x7FFFFFFF  }
tec
execute0_lowered:
.L_overlay_start_1:
0x0: {  	(tag) =	ssettag $0x1  }
0x1: {  	s1 =	rddreg [dreg:$0x0]  }
0x2: {  	s5 =	rddreg [dreg:$0x1]  }
0x3: {  	s2 =	rddreg [dreg:$0x2];
	s3 =	simm.s32 $0x0  }
0x4: {  	s4 =	srdreg.scid;
	s7 =	simm.s32 $0x6;
	s17 =	simm.s32 $0x4EC0  }
0x5: {  	s18 =	simm.s32 $0x3;
	s19 =	simm.s32 $0x1;
	s20 =	simm.s32 $0x2  }
0x6: {  	s21 =	simm.s32 $0x80;
	s22 =	simm.s32 $0x5EC0;
	s23 =	simm.s32 $0x8240  }
0x7: {  	s24 =	simm.s32 $0x95C0;
	s25 =	simm.s32 $0x9640;
	s26 =	simm.s32 $0x0  }
0x8: {  	[smem:$0x7FF] =	sst s3;
	s10 =	sadd.s32 $0x95200, s5;
	s11 =	sadd.s32 $0x8B200, s5  }
0x9: {  	s8 =	sand.u32 $0x1, s4;
	s4 =	stileid.u32;
	s5 =	sadd.s32 $0x1E00, s5  }
0xa: {  	_ =	strace $0x8000004D;
	s9 =	ssub.s32 $0x2, s8;
	s15 =	smul.u32 $0x4E200, s8  }
0xb: {  	s6 =	sshll.u32 s8, $0x4;
	p0 =	seq.s32 s4, $0xF;
	s16 =	smul.u32 $0x14000, s4  }
0xc: {  	s30 =	smul.u32 $0x5000, s4;
	s12 =	sshrl.u32 s9, $0x1;
	s13 =	sor.u32 s4, s6  }
0xd: {  	s6 =	simm.s32 $0x5;
	s7 =	simm.s32 @!p0 $0x8;
	s14 =	smul.u32 $0x500, s13  }
0xe: {  	s6 =	simm.s32 @!p0 $0x8;
	s13 =	smul.u32 $0x2800, s13;
	s12 =	ssub.s32 s9, s12  }
0xf: {  	s31 =	sshrl.u32 s16, $0x2;
	s16 =	simm.s32 $0x82C0;
	s12 =	smax.u32 s12, $0x1  }
0x10: {  	s8 =	sadd.s32 s10, s14;
	s13 =	sshrl.u32 s13, $0x3;
	s9 =	sadd.s32 s11, s14  }
0x11: {  	s14 =	sadd.s32 s30, s15;
	s15 =	simm.s32 $0x6EC0;
	s13 =	sadd.s32 $0x280, s13  }
0x12: {  	v0 =	vimm.f32 $0.0e+00;
	s10 =	sadd.s32 s10, s13;
	s11 =	sadd.s32 s11, s13;
	s13 =	sadd.s32 s31, s2  }
.LBB2_1:
0x13: {  	[tilespmem:s15], [sflag:$0x1] =	stream.linear.gather [hbm4b:s8+s3], $0x1400, $0x38;
	[tilespmem:$0x96C0] =	vst v63  }
0x14: {  	s28 =	simm.s32 $0x80;
	s29 =	simm.s32 $0x0  }
0x15: {  	[tilespmem:s16], [sflag:$0x2] =	stream.linear.gather [hbm4b:s9+s3], $0x1400, $0x38;
	[tilespmem:$0x96C0] =	vst v63  }
.LBB2_2:
0x16: {  	p0 =	sne.s32 s28, $0x2780;
	[tilespmem:s29+$0x4EC0] =	vst v0;
	s30 =	smov.u32 s28;
	s28 =	sadd.s32 $0x80, s28  }
.Ltmp0:
0x17: {  	[tilespmem:s29+$0x4ED0] =	vst v0;
	(pc) =	sbr.rel @p0 .LBB2_2-.Ltmp0, $2  }
0x18: {  	_ =	sdelay $0x2  }
0x19: {  	s29 =	sshra.s32 s30, $0x2  }
0x1a: {  	p0 =	sne.s32 s7, $0x1  }
.Ltmp1:
0x1b: {  	[tilespmem:s29+$0x4EC0] =	vst v0;
	(pc) =	sbr.rel @!p0 .LBB2_5-.Ltmp1, $4  }
0x1c: {  	[tilespmem:s29+$0x4ED0] =	vst v0  }
0x1d: {  	[spmem:s13] =	stream.linear.scatter [tilespmem:s17], [sflag:$0x3], $0xA00, $0x38;
	[tilespmem:$0x96C0] =	vst v63  }
0x1e: {  	_ =	swait.ge [sflag:s18], $0xA00  }
0x1f: {  	s28 =	sadd.s32 $0xFFFFFFFF, s7;
	s29 =	smov.u32 s13;
	[sflag:s18] =	ssyncset.done $0x0  }
.LBB2_4:
0x20: {  	p0 =	sne.s32 s28, $0x1;
	[sflag:s18] =	ssyncadd.s32 $0xFFFFF600;
	s29 =	sadd.s32 $0xA00, s29  }
.Ltmp2:
0x21: {  	s28 =	sadd.s32 $0xFFFFFFFF, s28;
	(pc) =	sbr.rel @p0 .LBB2_4-.Ltmp2, $4  }
0x22: {  	_ = 	snop  }
0x23: {  	[spmem:s29] =	stream.linear.scatter [tilespmem:s17], [sflag:$0x3], $0xA00, $0x38;
	[tilespmem:$0x96C0] =	vst v63  }
0x24: {  	_ =	swait.ge [sflag:s18], $0xA00  }
0x25: {  	[sflag:s18] =	ssyncset.done $0x0  }
.LBB2_5:
0x26: {  	[sflag:s18] =	ssyncadd.s32 $0xFFFFF600  }
0x27: {  	[bflag:$0x0] =	sbarrier.arrive $0xFFFF  }
0x28: {  	_ =	swait.ge [sflag:s19], $0x1400  }
0x29: {  	[sflag:s19] =	ssyncset.done $0x0  }
0x2a: {  	[sflag:s19] =	ssyncadd.s32 $0xFFFFEC00  }
0x2b: {  	_ =	swait.ge [sflag:s20], $0x1400  }
0x2c: {  	[sflag:s20] =	ssyncset.done $0x0  }
0x2d: {  	[sflag:s20] =	ssyncadd.s32 $0xFFFFEC00  }
0x2e: {  	[tilespmem:s17], [sflag:$0x1] =	stream.indirect.gather [hbm4b:s1+s21], $0x20, s15, s21, $0xb8;
	[tilespmem:$0x96C0] =	vst v63  }
0x2f: {  	s28 =	simm.s32 $0x6F40  }
0x30: {  	[tilespmem:s22], [sflag:$0x2] =	stream.indirect.gather [hbm4b:s1+s21], $0x20, s28, s21, $0xb8;
	[tilespmem:$0x96C0] =	vst v63  }
0x31: {  	_ =	swait.ge [sflag:s19], $0x1000  }
0x32: {  	[sflag:s19] =	ssyncset.done $0x0  }
0x33: {  	s28 =	simm.s32 $0x82C0;
	[sflag:s19] =	ssyncadd.s32 $0xFFFFF000  }
0x34: {  	[spmem:s2] =	stream.indirect.scatter.add.f32 [tilespmem:s17], [sflag:$0x3], $0x20, s28, s21, $0xb8;
	[tilespmem:$0x96C0] =	vst v63  }
0x35: {  	_ =	swait.ge [sflag:s18], $0x1000  }
0x36: {  	[sflag:s18] =	ssyncset.done $0x0  }
0x37: {  	s28 =	simm.s32 $0x6FC0;
	[sflag:s18] =	ssyncadd.s32 $0xFFFFF000  }
0x38: {  	[tilespmem:s17], [sflag:$0x1] =	stream.indirect.gather [hbm4b:s1+s21], $0x20, s28, s21, $0xb8;
	[tilespmem:$0x96C0] =	vst v63  }
0x39: {  	_ =	swait.ge [sflag:s20], $0x1000  }
0x3a: {  	[sflag:s20] =	ssyncset.done $0x0  }
0x3b: {  	s28 =	simm.s32 $0x8340;
	[sflag:s20] =	ssyncadd.s32 $0xFFFFF000  }
0x3c: {  	[spmem:s2] =	stream.indirect.scatter.add.f32 [tilespmem:s22], [sflag:$0x3], $0x20, s28, s21, $0xb8;
	[tilespmem:$0x96C0] =	vst v63  }
0x3d: {  	_ =	swait.ge [sflag:s18], $0x1000  }
0x3e: {  	s29 =	simm.s32 $0x800;
	s28 =	simm.s32 $0x100;
	[sflag:s18] =	ssyncset.done $0x0  }
.LBB2_6:
0x3f: {  	s30 =	sadd.s32 $0x6F40, s28  }
0x40: {  	[sflag:s18] =	ssyncadd.s32 $0xFFFFF000;
	s31 =	smov.u32 s29;
	s0 =	sadd.s32 $0x400, s29  }
0x41: {  	[tilespmem:s22], [sflag:$0x2] =	stream.indirect.gather [hbm4b:s1+s21], $0x20, s30, s21, $0xb8;
	[tilespmem:$0x96C0] =	vst v63  }
0x42: {  	p0 =	sne.s32 s29, $0x4800;
	_ =	swait.ge [sflag:s19], $0x1000  }
0x43: {  	[sflag:s19] =	ssyncset.done $0x0  }
0x44: {  	s29 =	sadd.s32 $0x82C0, s28;
	[sflag:s19] =	ssyncadd.s32 $0xFFFFF000  }
0x45: {  	[spmem:s2] =	stream.indirect.scatter.add.f32 [tilespmem:s17], [sflag:$0x3], $0x20, s29, s21, $0xb8;
	[tilespmem:$0x96C0] =	vst v63  }
0x46: {  	_ =	swait.ge [sflag:s18], $0x1000  }
0x47: {  	[sflag:s18] =	ssyncset.done $0x0  }
0x48: {  	s29 =	sadd.s32 $0x6FC0, s28;
	[sflag:s18] =	ssyncadd.s32 $0xFFFFF000  }
0x49: {  	[tilespmem:s17], [sflag:$0x1] =	stream.indirect.gather [hbm4b:s1+s21], $0x20, s29, s21, $0xb8;
	[tilespmem:$0x96C0] =	vst v63  }
0x4a: {  	_ =	swait.ge [sflag:s20], $0x1000  }
.Ltmp3:
0x4b: {  	[sflag:s20] =	ssyncset.done $0x0;
	(pc) =	sbr.rel @p0 .LBB2_6-.Ltmp3, $4  }
0x4c: {  	s28 =	sadd.s32 $0x8340, s28;
	[sflag:s20] =	ssyncadd.s32 $0xFFFFF000  }
0x4d: {  	[spmem:s2] =	stream.indirect.scatter.add.f32 [tilespmem:s22], [sflag:$0x3], $0x20, s28, s21, $0xb8;
	[tilespmem:$0x96C0] =	vst v63  }
0x4e: {  	_ =	swait.ge [sflag:s18], $0x1000  }
0x4f: {  	s29 =	smov.u32 s0;
	s28 =	sshra.s32 s31, $0x2;
	[sflag:s18] =	ssyncset.done $0x0  }
0x50: {  	s0 =	sadd.s32 $0x6F40, s28;
	[sflag:s18] =	ssyncadd.s32 $0xFFFFF000  }
0x51: {  	[tilespmem:s22], [sflag:$0x2] =	stream.indirect.gather [hbm4b:s1+s21], $0x20, s0, s21, $0xb8;
	[tilespmem:$0x96C0] =	vst v63  }
0x52: {  	_ =	swait.ge [sflag:s19], $0x1000  }
0x53: {  	[sflag:s19] =	ssyncset.done $0x0  }
0x54: {  	s30 =	sadd.s32 $0x82C0, s28;
	[sflag:s19] =	ssyncadd.s32 $0xFFFFF000  }
0x55: {  	[spmem:s2] =	stream.indirect.scatter.add.f32 [tilespmem:s17], [sflag:$0x3], $0x20, s30, s21, $0xb8;
	[tilespmem:$0x96C0] =	vst v63  }
0x56: {  	_ =	swait.ge [sflag:s18], $0x1000  }
0x57: {  	[sflag:s18] =	ssyncset.done $0x0  }
0x58: {  	s31 =	sadd.s32 $0x6FC0, s28;
	[sflag:s18] =	ssyncadd.s32 $0xFFFFF000  }
0x59: {  	[tilespmem:s17], [sflag:$0x1] =	stream.indirect.gather [hbm4b:s1+s21], $0x20, s31, s21, $0xb8;
	[tilespmem:$0x96C0] =	vst v63  }
0x5a: {  	_ =	swait.ge [sflag:s20], $0x1000  }
0x5b: {  	[sflag:s20] =	ssyncset.done $0x0  }
0x5c: {  	s30 =	sadd.s32 $0x8340, s28;
	[sflag:s20] =	ssyncadd.s32 $0xFFFFF000  }
0x5d: {  	[spmem:s2] =	stream.indirect.scatter.add.f32 [tilespmem:s22], [sflag:$0x3], $0x20, s30, s21, $0xb8;
	[tilespmem:$0x96C0] =	vst v63  }
0x5e: {  	_ =	swait.ge [sflag:s18], $0x1000  }
0x5f: {  	[sflag:s18] =	ssyncset.done $0x0  }
0x60: {  	[sflag:s18] =	ssyncadd.s32 $0xFFFFF000  }
0x61: {  	[tilespmem:s22], [sflag:$0x2] =	stream.indirect.gather [hbm4b:s1+s21], $0x20, s23, s21, $0xb8;
	[tilespmem:$0x96C0] =	vst v63  }
0x62: {  	_ =	swait.ge [sflag:s19], $0x1000  }
0x63: {  	[sflag:s19] =	ssyncset.done $0x0  }
0x64: {  	[sflag:s19] =	ssyncadd.s32 $0xFFFFF000  }
0x65: {  	[spmem:s2] =	stream.indirect.scatter.add.f32 [tilespmem:s17], [sflag:$0x3], $0x20, s24, s21, $0xb8;
	[tilespmem:$0x96C0] =	vst v63  }
0x66: {  	_ =	swait.ge [sflag:s18], $0x1000  }
0x67: {  	[sflag:s18] =	ssyncset.done $0x0  }
0x68: {  	[sflag:s18] =	ssyncadd.s32 $0xFFFFF000  }
0x69: {  	_ =	swait.ge [sflag:s20], $0x1000  }
0x6a: {  	[sflag:s20] =	ssyncset.done $0x0  }
0x6b: {  	[sflag:s20] =	ssyncadd.s32 $0xFFFFF000  }
0x6c: {  	[spmem:s2] =	stream.indirect.scatter.add.f32 [tilespmem:s22], [sflag:$0x3], $0x20, s25, s21, $0xb8;
	[tilespmem:$0x96C0] =	vst v63  }
0x6d: {  	_ =	swait.ge [sflag:s18], $0x1000  }
0x6e: {  	[sflag:s18] =	ssyncset.done $0x0  }
0x6f: {  	s31 =	simm.s32 $0x0;
	[sflag:s18] =	ssyncadd.s32 $0xFFFFF000  }
0x70: {  	[tilespmem:s15], [sflag:$0x3] =	stream.linear.gather [hbm4b:s10+s31], $0x1400, $0x38;
	[tilespmem:$0x96C0] =	vst v63  }
0x71: {  	_ =	swait.ge [sflag:s18], $0x1400  }
0x72: {  	[sflag:s18] =	ssyncset.done $0x0  }
0x73: {  	[sflag:s18] =	ssyncadd.s32 $0xFFFFEC00  }
0x74: {  	[tilespmem:s16], [sflag:$0x3] =	stream.linear.gather [hbm4b:s11+s31], $0x1400, $0x38;
	[tilespmem:$0x96C0] =	vst v63  }
0x75: {  	_ =	swait.ge [sflag:s18], $0x1400  }
0x76: {  	[sflag:s18] =	ssyncset.done $0x0  }
0x77: {  	[sflag:s18] =	ssyncadd.s32 $0xFFFFEC00  }
0x78: {  	[tilespmem:s17], [sflag:$0x1] =	stream.indirect.gather [hbm4b:s1+s21], $0x20, s15, s21, $0xb8;
	[tilespmem:$0x96C0] =	vst v63  }
0x79: {  	s30 =	simm.s32 $0x6F40  }
0x7a: {  	[tilespmem:s22], [sflag:$0x2] =	stream.indirect.gather [hbm4b:s1+s21], $0x20, s30, s21, $0xb8;
	[tilespmem:$0x96C0] =	vst v63  }
0x7b: {  	_ =	swait.ge [sflag:s19], $0x1000  }
0x7c: {  	[sflag:s19] =	ssyncset.done $0x0  }
0x7d: {  	s31 =	simm.s32 $0x82C0;
	[sflag:s19] =	ssyncadd.s32 $0xFFFFF000  }
0x7e: {  	[spmem:s2] =	stream.indirect.scatter.add.f32 [tilespmem:s17], [sflag:$0x3], $0x20, s31, s21, $0xb8;
	[tilespmem:$0x96C0] =	vst v63  }
0x7f: {  	_ =	swait.ge [sflag:s18], $0x1000  }
0x80: {  	[sflag:s18] =	ssyncset.done $0x0  }
0x81: {  	s30 =	simm.s32 $0x6FC0;
	[sflag:s18] =	ssyncadd.s32 $0xFFFFF000  }
0x82: {  	[tilespmem:s17], [sflag:$0x1] =	stream.indirect.gather [hbm4b:s1+s21], $0x20, s30, s21, $0xb8;
	[tilespmem:$0x96C0] =	vst v63  }
0x83: {  	_ =	swait.ge [sflag:s20], $0x1000  }
0x84: {  	[sflag:s20] =	ssyncset.done $0x0  }
0x85: {  	s31 =	simm.s32 $0x8340;
	[sflag:s20] =	ssyncadd.s32 $0xFFFFF000  }
0x86: {  	[spmem:s2] =	stream.indirect.scatter.add.f32 [tilespmem:s22], [sflag:$0x3], $0x20, s31, s21, $0xb8;
	[tilespmem:$0x96C0] =	vst v63  }
0x87: {  	_ =	swait.ge [sflag:s18], $0x1000  }
0x88: {  	s29 =	simm.s32 $0x800;
	s28 =	simm.s32 $0x100;
	[sflag:s18] =	ssyncset.done $0x0  }
.LBB2_8:
0x89: {  	s0 =	sadd.s32 $0x6F40, s28  }
0x8a: {  	[sflag:s18] =	ssyncadd.s32 $0xFFFFF000;
	s30 =	smov.u32 s29;
	s31 =	sadd.s32 $0x400, s29  }
0x8b: {  	[tilespmem:s22], [sflag:$0x2] =	stream.indirect.gather [hbm4b:s1+s21], $0x20, s0, s21, $0xb8;
	[tilespmem:$0x96C0] =	vst v63  }
0x8c: {  	p0 =	sne.s32 s29, $0x4800;
	_ =	swait.ge [sflag:s19], $0x1000  }
0x8d: {  	[sflag:s19] =	ssyncset.done $0x0  }
0x8e: {  	s0 =	sadd.s32 $0x82C0, s28;
	[sflag:s19] =	ssyncadd.s32 $0xFFFFF000  }
0x8f: {  	[spmem:s2] =	stream.indirect.scatter.add.f32 [tilespmem:s17], [sflag:$0x3], $0x20, s0, s21, $0xb8;
	[tilespmem:$0x96C0] =	vst v63  }
0x90: {  	_ =	swait.ge [sflag:s18], $0x1000  }
0x91: {  	[sflag:s18] =	ssyncset.done $0x0  }
0x92: {  	s0 =	sadd.s32 $0x6FC0, s28;
	[sflag:s18] =	ssyncadd.s32 $0xFFFFF000  }
0x93: {  	[tilespmem:s17], [sflag:$0x1] =	stream.indirect.gather [hbm4b:s1+s21], $0x20, s0, s21, $0xb8;
	[tilespmem:$0x96C0] =	vst v63  }
0x94: {  	_ =	swait.ge [sflag:s20], $0x1000  }
.Ltmp4:
0x95: {  	[sflag:s20] =	ssyncset.done $0x0;
	(pc) =	sbr.rel @p0 .LBB2_8-.Ltmp4, $4  }
0x96: {  	s0 =	sadd.s32 $0x8340, s28;
	[sflag:s20] =	ssyncadd.s32 $0xFFFFF000  }
0x97: {  	[spmem:s2] =	stream.indirect.scatter.add.f32 [tilespmem:s22], [sflag:$0x3], $0x20, s0, s21, $0xb8;
	[tilespmem:$0x96C0] =	vst v63  }
0x98: {  	_ =	swait.ge [sflag:s18], $0x1000  }
0x99: {  	s29 =	smov.u32 s31;
	s28 =	sshra.s32 s30, $0x2;
	[sflag:s18] =	ssyncset.done $0x0  }
0x9a: {  	s0 =	sadd.s32 $0x6F40, s28;
	[sflag:s18] =	ssyncadd.s32 $0xFFFFF000  }
0x9b: {  	[tilespmem:s22], [sflag:$0x2] =	stream.indirect.gather [hbm4b:s1+s21], $0x20, s0, s21, $0xb8;
	[tilespmem:$0x96C0] =	vst v63  }
0x9c: {  	_ =	swait.ge [sflag:s19], $0x1000  }
0x9d: {  	[sflag:s19] =	ssyncset.done $0x0  }
0x9e: {  	s31 =	sadd.s32 $0x82C0, s28;
	[sflag:s19] =	ssyncadd.s32 $0xFFFFF000  }
0x9f: {  	[spmem:s2] =	stream.indirect.scatter.add.f32 [tilespmem:s17], [sflag:$0x3], $0x20, s31, s21, $0xb8;
	[tilespmem:$0x96C0] =	vst v63  }
0xa0: {  	_ =	swait.ge [sflag:s18], $0x1000  }
0xa1: {  	[sflag:s18] =	ssyncset.done $0x0  }
0xa2: {  	s31 =	sadd.s32 $0x6FC0, s28;
	[sflag:s18] =	ssyncadd.s32 $0xFFFFF000  }
0xa3: {  	[tilespmem:s17], [sflag:$0x1] =	stream.indirect.gather [hbm4b:s1+s21], $0x20, s31, s21, $0xb8;
	[tilespmem:$0x96C0] =	vst v63  }
0xa4: {  	_ =	swait.ge [sflag:s20], $0x1000  }
0xa5: {  	[sflag:s20] =	ssyncset.done $0x0  }
0xa6: {  	s31 =	sadd.s32 $0x8340, s28;
	[sflag:s20] =	ssyncadd.s32 $0xFFFFF000  }
0xa7: {  	[spmem:s2] =	stream.indirect.scatter.add.f32 [tilespmem:s22], [sflag:$0x3], $0x20, s31, s21, $0xb8;
	[tilespmem:$0x96C0] =	vst v63  }
0xa8: {  	_ =	swait.ge [sflag:s18], $0x1000  }
0xa9: {  	[sflag:s18] =	ssyncset.done $0x0  }
0xaa: {  	[sflag:s18] =	ssyncadd.s32 $0xFFFFF000  }
0xab: {  	[tilespmem:s22], [sflag:$0x2] =	stream.indirect.gather [hbm4b:s1+s21], $0x20, s23, s21, $0xb8;
	[tilespmem:$0x96C0] =	vst v63  }
0xac: {  	_ =	swait.ge [sflag:s19], $0x1000  }
0xad: {  	[sflag:s19] =	ssyncset.done $0x0  }
0xae: {  	[sflag:s19] =	ssyncadd.s32 $0xFFFFF000  }
0xaf: {  	[spmem:s2] =	stream.indirect.scatter.add.f32 [tilespmem:s17], [sflag:$0x3], $0x20, s24, s21, $0xb8;
	[tilespmem:$0x96C0] =	vst v63  }
0xb0: {  	_ =	swait.ge [sflag:s18], $0x1000  }
0xb1: {  	[sflag:s18] =	ssyncset.done $0x0  }
0xb2: {  	[sflag:s18] =	ssyncadd.s32 $0xFFFFF000  }
0xb3: {  	_ =	swait.ge [sflag:s20], $0x1000  }
0xb4: {  	[sflag:s20] =	ssyncset.done $0x0  }
0xb5: {  	[sflag:s20] =	ssyncadd.s32 $0xFFFFF000  }
0xb6: {  	[spmem:s2] =	stream.indirect.scatter.add.f32 [tilespmem:s22], [sflag:$0x3], $0x20, s25, s21, $0xb8;
	[tilespmem:$0x96C0] =	vst v63  }
0xb7: {  	_ =	swait.ge [sflag:s18], $0x1000  }
0xb8: {  	[sflag:s18] =	ssyncset.done $0x0  }
0xb9: {  	[sflag:s18] =	ssyncadd.s32 $0xFFFFF000  }
0xba: {  	[bflag:$0x0] =	sbarrier.arrive $0xFFFF  }
0xbb: {  	[tilespmem:s17], [sflag:$0x3] =	stream.linear.gather [spmem:s13], $0xA00, $0x38;
	[tilespmem:$0x96C0] =	vst v63  }
0xbc: {  	p0 =	sne.s32 s6, $0x1;
	_ =	swait.ge [sflag:s18], $0xA00  }
.Ltmp5:
0xbd: {  	s31 =	sshrl.u32 s14, $0x3;
	[sflag:s18] =	ssyncset.done $0x0;
	(pc) =	sbr.rel @!p0 .LBB2_11-.Ltmp5, $4  }
0xbe: {  	s0 =	sadd.s32 s5, s31;
	[sflag:s18] =	ssyncadd.s32 $0xFFFFF600  }
0xbf: {  	[hbm4b:s0+s3] =	stream.linear.scatter [tilespmem:s17], [sflag:$0x3], $0xA00, $0x38;
	[tilespmem:$0x96C0] =	vst v63  }
0xc0: {  	s29 =	smov.u32 s13;
	_ =	swait.ge [sflag:s18], $0xA00  }
0xc1: {  	s30 =	smov.u32 s14;
	s28 =	sadd.s32 $0xFFFFFFFF, s6;
	[sflag:s18] =	ssyncset.done $0x0  }
.LBB2_10:
0xc2: {  	[sflag:s18] =	ssyncadd.s32 $0xFFFFF600;
	s29 =	sadd.s32 $0xA00, s29;
	s30 =	sadd.s32 $0xA00, s30  }
0xc3: {  	[tilespmem:s17], [sflag:$0x3] =	stream.linear.gather [spmem:s29], $0xA00, $0x38;
	[tilespmem:$0x96C0] =	vst v63  }
0xc4: {  	p0 =	sne.s32 s28, $0x1;
	s28 =	sadd.s32 $0xFFFFFFFF, s28;
	_ =	swait.ge [sflag:s18], $0xA00  }
.Ltmp6:
0xc5: {  	s0 =	sshrl.u32 s30, $0x3;
	[sflag:s18] =	ssyncset.done $0x0;
	(pc) =	sbr.rel @p0 .LBB2_10-.Ltmp6, $4  }
0xc6: {  	s0 =	sadd.s32 s5, s0;
	[sflag:s18] =	ssyncadd.s32 $0xFFFFF600  }
0xc7: {  	[hbm4b:s0+s3] =	stream.linear.scatter [tilespmem:s17], [sflag:$0x3], $0xA00, $0x38;
	[tilespmem:$0x96C0] =	vst v63  }
0xc8: {  	_ =	swait.ge [sflag:s18], $0xA00  }
0xc9: {  	[sflag:s18] =	ssyncset.done $0x0  }
.LBB2_11:
0xca: {  	s26 =	sadd.s32 $0x1, s26  }
0xcb: {  	p0 =	sne.s32 s26, s12  }
.Ltmp7:
0xcc: {  	_ = 	snop;
	(pc) =	sbr.rel @p0 .LBB2_1-.Ltmp7, $2  }
0xcd: {  	_ =	sdelay $0x2  }
0xce: {  	[sflag:s18] =	ssyncadd.s32 $0xFFFFF600  }
0xcf: {  	_ =	sfence.sel $0x180000  }
0xd0: {  	[bflag:$0x0] =	sbarrier.arrive $0xFFFF  }
0xd1: {  	_ =	strace $0x9000004D  }
0xd2: {  	[bflag:$0x2] =	sbarrier.arrive $0xFFFF  }
0xd3: {  	p0 =	sne.s32 s4, $0x0;
	s0 =	rddreg [dreg:$0x3]  }
0xd4: {  	s0 =	sadd.s32 @!p0 $0x100000, s0  }
0xd5: {  	[sflag:s0] =	ssyncadd.tile.s32 @!p0 $0x1;
	_ =	shalt  }
.Lfunc_end2:
_tile_overlayer_lowered:
.L_overlay_start_2:
0xd6: {  	(tag) =	ssettag $0x2  }
0xd7: {  	s0 =	rddreg [dreg:$0x0];
	s2 =	stileid.u32  }
0xd8: {  	s1 =	rddreg [dreg:$0x1];
	p0 =	sne.s32 s2, $0x0  }
0xd9: {  	s3 =	rddreg [dreg:$0x2];
	[bflag:$0x3] =	sbarrier.arrive $0xFFFF;
	s2 =	simm.s32 @!p0 $0x1C03  }
0xda: {  	[timem:s3], [sflag:s2] =	dma.local @!p0 [hbm:s0], s1  }
0xdb: {  	s0 =	simm.s32 @!p0 $0x3  }
0xdc: {  	_ =	swait.ge @!p0 [sflag:s0], s1  }
0xdd: {  	s1 =	ssub.s32 @!p0 $0x0, s1;
	[sflag:s0] =	ssyncset.done @!p0 $0x0  }
0xde: {  	[sflag:s0] =	ssyncadd.s32 @!p0 s1  }
0xdf: {  	[bflag:$0x3] =	sbarrier.arrive $0xFFFF  }
0xe0: {  	_ =	shalt  }

// kernel: kernel.8.cloned.1.call-start
scs
__scs_entry_jumppad:
0x0: {  	(pc) =	sbr.rel $0x88, $3  }
0x1: {  	(tag) =	ssettag $0x0;
	lr =	simm.s32 $0x1  }
0x2: {  	[smem:$0x3F9B] =	sst lr;
	_ =	strace $0xD0000000  }
0x3: {  	_ = 	snop  }
0x4: {  	_ = 	snop  }
0x5: {  	_ = 	snop  }
0x6: {  	_ = 	snop  }
0x7: {  	_ = 	snop  }
__scs_overlays_trampoline_lowered:
0x8: {  	[smem:$0x3FAA] =	sst s0  }
0x9: {  	[smem:$0x3FAB] =	sst s1  }
0xa: {  	[smem:$0x3FAC] =	sst s2  }
0xb: {  	[smem:$0x3FAD] =	sst s3  }
0xc: {  	[smem:$0x3FAE] =	sst s4  }
0xd: {  	[smem:$0x3FAF] =	sst s5  }
0xe: {  	[smem:$0x3FB0] =	sst s6  }
0xf: {  	[smem:$0x3FB1] =	sst s7  }
0x10: {  	[smem:$0x3FB2] =	sst s8  }
0x11: {  	[smem:$0x3FB3] =	sst s9;
	s0 =	simm.s32 @!p0 $0x0  }
0x12: {  	s1 =	sld [smem:$0x3F99];
	s0 =	simm.s32 @p0 $0x1  }
0x13: {  	[smem:$0x3FB4] =	sst s0;
	s0 =	simm.s32 @!p1 $0x0  }
0x14: {  	s2 =	sld [smem:$0x3F98];
	s0 =	simm.s32 @p1 $0x1  }
0x15: {  	[smem:$0x3FB5] =	sst s0;
	s0 =	simm.s32 @!p2 $0x0  }
0x16: {  	s3 =	sld [smem:$0x3FDB];
	s0 =	simm.s32 @p2 $0x1  }
0x17: {  	s4 =	simm.s32 $0x1BF5;
	[smem:$0x3FB7] =	sst s0  }
0x18: {  	s0 =	sld [smem:$0x3F9A];
	_ =	swait.ge [sflag:s4], $0x0  }
0x19: {  	s7 =	sld [smem:$0x3F9B]  }
0x1a: {  	s8 =	sadd.s32 $0xFFFFE003, lr  }
0x1b: {  	s9 =	sadd.s32 $0xFFFFFEF7, lr;
	s5 =	simm.s32 $0xFFFFFFFF;
	p2 =	slt.u32 s8, $0xFFFFF086  }
0x1c: {  	p1 =	slt.u32 s9, $0xF7A;
	s5 =	simm.s32 @!p2 $0x0  }
0x1d: {  	s5 =	simm.s32 @p1 $0x1;
	p0 =	seq.s32 s7, s2  }
0x1e: {  	s7 =	smul.u32 @!p0 $0xF7A, s2;
	p2 =	seq.s32 @!p0 s5, $0x0  }
0x1f: {  	s9 =	smul.u32 $0xF7A, s1;
	s8 =	simm.s32 @!p0 $0x1BF5;
	p2 =	por !p2, p0  }
0x20: {  	[sflag:s8] =	ssyncset.s32 @!p0 $0xFFFFF086;
	s6 =	sadd.s32 @!p0 s3, s7;
	s7 =	simm.s32 @!p0 $0x108  }
0x21: {  	s3 =	sadd.s32 s3, s9;
	s6 =	sadd.s32 @!p0 $0x88, s6;
	s7 =	simm.s32 @p2 $0x1082  }
0x22: {  	[simem:s7], [sflag:s8] =	dma.local @!p0 [hbm:s6], $0xF7A  }
0x23: {  	s9 =	sor.u32 $0xD0000000, s2;
	s6 =	simm.s32 $0x108;
	_ =	swait.ge @!p0 [sflag:s8], $0x0  }
0x24: {  	s3 =	sadd.s32 $0x88, s3;
	s6 =	simm.s32 @!p1 $0x1082;
	[sflag:s4] =	ssyncset.s32 $0xFFFFF086  }
0x25: {  	[simem:s6], [sflag:s4] =	dma.local [hbm:s3], $0xF7A  }
0x26: {  	[smem:$0x3F9B] =	sst s1;
	(tag) =	ssettag s2;
	_ =	strace s9  }
0x27: {  	s1 =	sld [smem:$0x3FAB]  }
0x28: {  	s2 =	sld [smem:$0x3FAC]  }
0x29: {  	s4 =	sld [smem:$0x3FAE]  }
0x2a: {  	p0 =	seq.s32 s5, $0x0;
	s5 =	sld [smem:$0x3FAF]  }
0x2b: {  	s6 =	sld [smem:$0x3FB0]  }
0x2c: {  	s7 =	sld [smem:$0x3FB1]  }
0x2d: {  	s3 =	simm.s32 $0x108;
	s8 =	sld [smem:$0x3FB2]  }
0x2e: {  	s3 =	simm.s32 @!p0 $0x1082;
	s9 =	sld [smem:$0x3FB3]  }
0x2f: {  	lr =	sadd.s32 s0, s3;
	s0 =	sld [smem:$0x3FAA]  }
0x30: {  	s3 =	sld [smem:$0x3FAD]  }
0x31: {  	[smem:$0x3FB6] =	sst s10  }
0x32: {  	s10 =	sld [smem:$0x3FB4];
	_ =	sdelay $0x3  }
0x33: {  	p0 =	seq.s32 s10, $0x1;
	s10 =	sld [smem:$0x3FB6];
	_ =	sdelay $0x3  }
0x34: {  	[smem:$0x3FB6] =	sst s10  }
0x35: {  	s10 =	sld [smem:$0x3FB5];
	_ =	sdelay $0x3  }
0x36: {  	p1 =	seq.s32 s10, $0x1;
	s10 =	sld [smem:$0x3FB6];
	_ =	sdelay $0x3  }
0x37: {  	[smem:$0x3FB6] =	sst s10  }
0x38: {  	s10 =	sld [smem:$0x3FB7]  }
0x39: {  	_ = 	snop;
	(pc) =	sbr.ind lr, $3  }
0x3a: {  	_ = 	snop  }
0x3b: {  	_ = 	snop  }
0x3c: {  	p2 =	seq.s32 s10, $0x1;
	s10 =	sld [smem:$0x3FB6]  }
0x3d: {  	_ =	shalt  }
0x3e: {  	_ =	shalt  }
0x3f: {  	_ =	shalt  }
0x40: {  	_ =	shalt  }
0x41: {  	_ =	shalt  }
0x42: {  	_ =	shalt  }
0x43: {  	_ =	shalt  }
0x44: {  	_ =	shalt  }
0x45: {  	_ =	shalt  }
0x46: {  	_ =	shalt  }
0x47: {  	_ =	shalt  }
0x48: {  	_ =	shalt  }
0x49: {  	_ =	shalt  }
0x4a: {  	_ =	shalt  }
0x4b: {  	_ =	shalt  }
0x4c: {  	_ =	shalt  }
0x4d: {  	_ =	shalt  }
0x4e: {  	_ =	shalt  }
0x4f: {  	_ =	shalt  }
0x50: {  	_ =	shalt  }
0x51: {  	_ =	shalt  }
0x52: {  	_ =	shalt  }
0x53: {  	_ =	shalt  }
0x54: {  	_ =	shalt  }
0x55: {  	_ =	shalt  }
0x56: {  	_ =	shalt  }
0x57: {  	_ =	shalt  }
0x58: {  	_ =	shalt  }
0x59: {  	_ =	shalt  }
0x5a: {  	_ =	shalt  }
0x5b: {  	_ =	shalt  }
0x5c: {  	_ =	shalt  }
0x5d: {  	_ =	shalt  }
0x5e: {  	_ =	shalt  }
0x5f: {  	_ =	shalt  }
0x60: {  	_ =	shalt  }
0x61: {  	_ =	shalt  }
0x62: {  	_ =	shalt  }
0x63: {  	_ =	shalt  }
0x64: {  	_ =	shalt  }
0x65: {  	_ =	shalt  }
0x66: {  	_ =	shalt  }
0x67: {  	_ =	shalt  }
0x68: {  	_ =	shalt  }
0x69: {  	_ =	shalt  }
0x6a: {  	_ =	shalt  }
0x6b: {  	_ =	shalt  }
0x6c: {  	_ =	shalt  }
0x6d: {  	_ =	shalt  }
0x6e: {  	_ =	shalt  }
0x6f: {  	_ =	shalt  }
0x70: {  	_ =	shalt  }
0x71: {  	_ =	shalt  }
0x72: {  	_ =	shalt  }
0x73: {  	_ =	shalt  }
0x74: {  	_ =	shalt  }
0x75: {  	_ =	shalt  }
0x76: {  	_ =	shalt  }
0x77: {  	_ =	shalt  }
0x78: {  	_ =	shalt  }
0x79: {  	_ =	shalt  }
0x7a: {  	_ =	shalt  }
0x7b: {  	_ =	shalt  }
0x7c: {  	_ =	shalt  }
0x7d: {  	_ =	shalt  }
0x7e: {  	_ =	shalt  }
0x7f: {  	_ =	shalt  }
0x80: {  	_ =	shalt  }
0x81: {  	_ =	shalt  }
0x82: {  	_ =	shalt  }
0x83: {  	_ =	shalt  }
0x84: {  	_ =	shalt  }
0x85: {  	_ =	shalt  }
0x86: {  	_ =	shalt  }
0x87: {  	_ =	shalt  }
.Lfunc_end0:
.L_simem_size_0:
called_computation_lowered:
.L_overlay_start_0:
0x88: {  	s2 =	sld [smem:$0x3FD9]  }
0x89: {  	s3 =	sld [smem:$0x3FFE];
	_ =	sdelay $0x1  }
0x8a: {  	s1 =	srdreg.scid  }
0x8b: {  	s0 =	sand.u32 $0x1, s1  }
0x8c: {  	s17 =	sshll.u32 s0, $0xA;
	s2 =	sadd.s32 s3, s2  }
0x8d: {  	s2 =	sadd.s32 s2, s17  }
0x8e: {  	[smem:$0x3FC2] =	sst s2  }
0x8f: {  	_ = 	snop  }
0x90: {  	s2 =	sld [smem:$0x3FD0];
	(tm) =	ssettm $0x1  }
0x91: {  	s18 =	sld [smem:$0x3FFB];
	_ =	sdelay $0x3  }
0x92: {  	_ =	strace s18  }
0x93: {  	s3 =	sld [smem:$0x3FFC];
	_ =	sdelay $0x3  }
0x94: {  	_ =	strace s3  }
0x95: {  	s3 =	sld [smem:$0x3FFD];
	_ =	sdelay $0x3  }
0x96: {  	_ =	strace s3  }
0x97: {  	_ =	strace $0x8FFFFFFF  }
0x98: {  	s19 =	sld [smem:$0x3FDB];
	_ =	sdelay $0x1  }
0x99: {  	s4 =	simm.s32 $_scs_section_size  }
0x9a: {  	s5 =	simm.s32 $_size__tile_overlayer_lowered;
	s6 =	simm.s32 $_tile_overlayer_lowered  }
0x9b: {  	s22 =	simm.s32 $0x1BFF;
	s21 =	sshll.u32 s6, $0x1;
	s3 =	sadd.s32 s4, s19  }
0x9c: {  	s7 =	simm.s32 $0x0;
	s20 =	sshll.u32 s5, $0x1;
	s5 =	sadd.s32 s21, s3  }
0x9d: {  	[timem:s7], [sflag:s22] =	dma.local [hbm:s5], s20  }
0x9e: {  	_ =	swait.ge [sflag:s22], s20  }
0x9f: {  	s4 =	ssub.s32 $0x0, s20;
	[sflag:s22] =	ssyncset.done $0x0  }
0xa0: {  	[sflag:s22] =	ssyncadd.s32 s4;
	_ =	sdelay $0x1  }
0xa1: {  	s23 =	simm.s32 $0x1B8B  }
0xa2: {  	_ =	swait.ge [sflag:s23], $0x1  }
0xa3: {  	[sflag:s23] =	ssyncset.done $0x0  }
0xa4: {  	s25 =	simm.s32 $0x1B8E;
	s24 =	sld [smem:$0x3FFE];
	[sflag:s23] =	ssyncadd.s32 $0xFFFFFFFF  }
0xa5: {  	s26 =	simm.s32 $execute0_lowered;
	[smem:$0x3FD2] =	sst s25  }
0xa6: {  	s5 =	sshll.u32 s26, $0x1;
	_ =	strace $0x80000046;
	[dreg:$0x1] =	wrdreg $0xFFFFFFFF  }
0xa7: {  	s28 =	simm.s32 $_size_execute0_lowered;
	s3 =	sadd.s32 s3, s5;
	[dreg:$0x0] =	wrdreg $0x0  }
0xa8: {  	s5 =	sshll.u32 s28, $0x1;
	[dreg:$0x2] =	wrdreg s3  }
0xa9: {  	[dreg:$0x3] =	wrdreg s5  }
0xaa: {  	[dreg:$0x4] =	wrdreg $0xC0  }
0xab: {  	_ =	task [dreg:s7], $0x5FFFF  }
0xac: {  	[dreg:$0x1] =	wrdreg $0xFFFFFFFF  }
0xad: {  	[dreg:$0x0] =	wrdreg $0x60  }
0xae: {  	[dreg:$0x2] =	wrdreg s24  }
0xaf: {  	[dreg:$0x3] =	wrdreg s2  }
0xb0: {  	[dreg:$0x4] =	wrdreg $0x0  }
0xb1: {  	[dreg:$0x5] =	wrdreg $0x9  }
0xb2: {  	_ =	task.clear_ibuf [dreg:s7], $0x6FFFF;
	_ =	strace $0x90000046  }
0xb3: {  	s29 =	simm.s32 $0x9;
	_ =	strace $0x80000048  }
0xb4: {  	_ =	swait.ge [sflag:s29], $0x1  }
0xb5: {  	[sflag:s29] =	ssyncadd.s32 $0xFFFFFFFF  }
0xb6: {  	_ =	strace $0x90000048  }
0xb7: {  	_ =	sfence  }
0xb8: {  	s30 =	sld [smem:$0x0];
	_ =	sdelay $0x2  }
0xb9: {  	s31 =	sshll.u32 s1, $0xD;
	s1 =	sshrl.u32 s1, $0x2  }
0xba: {  	s3 =	sand.u32 $0x4000, s31;
	s1 =	sadd.s32 s1, s30  }
0xbb: {  	s0 =	sor.u32 s3, s0;
	s1 =	sshll.u32 s1, $0x11  }
0xbc: {  	s0 =	sor.u32 s1, s0  }
0xbd: {  	s0 =	sadd.s32 $0x8F2B, s0  }
0xbe: {  	[sflag:s0] =	ssyncadd.remote.s32 $0x1  }
0xbf: {  	_ =	sfence.sel $0xFFFF  }
0xc0: {  	[dreg:$0x0] =	wrdreg $0xFFFFFFFF;
	(pc) =	sbr.abs _section_cstart, $3  }
0xc1: {  	[dreg:$0x1] =	wrdreg $0xFFFFFFFF  }
0xc2: {  	_ =	task.clear_ibuf [dreg:s7], $0x2FFFF;
	_ =	strace $0x9FFFFFFF  }
0xc3: {  	(tm) =	ssettm $0x7FFFFFFF  }
tec
execute0_lowered:
.L_overlay_start_1:
0x0: {  	(tag) =	ssettag $0x1  }
0x1: {  	s5 =	rddreg [dreg:$0x0]  }
0x2: {  	s7 =	rddreg [dreg:$0x1]  }
0x3: {  	s0 =	srdreg.scid;
	s2 =	rddreg [dreg:$0x2];
	s3 =	simm.s32 $0x0  }
0x4: {  	s11 =	simm.s32 $0x280;
	s12 =	simm.s32 $0x80;
	s13 =	simm.s32 $0x500  }
0x5: {  	s14 =	simm.s32 $0x0;
	s4 =	sand.u32 $0x1, s0;
	s0 =	stileid.u32  }
0x6: {  	[smem:$0x7FF] =	sst s3;
	s1 =	sshll.u32 s4, $0x4;
	s8 =	smul.u32 $0x280, s0  }
0x7: {  	s9 =	ssub.s32 $0x2, s4;
	s10 =	smul.u32 $0x2710, s4;
	s1 =	sor.u32 s0, s1  }
0x8: {  	p0 =	seq.s32 s0, $0xF;
	s30 =	sshrl.u32 s9, $0x1;
	s6 =	smul.u32 $0x500, s1  }
0x9: {  	s1 =	rddreg [dreg:$0x3];
	_ =	strace $0x80000047;
	s9 =	ssub.s32 s9, s30  }
0xa: {  	s31 =	sadd.s32 s8, s10;
	s10 =	sshrl.u32 s10, $0x3;
	s5 =	sadd.s32 s6, s5  }
0xb: {  	s6 =	sshrl.u32 s31, $0x3;
	s4 =	sadd.s32 $0x1E00, s5;
	s5 =	sadd.s32 s8, s2  }
0xc: {  	s6 =	sadd.s32 s7, s6;
	s7 =	sadd.s32 s7, s10;
	s8 =	smax.u32 s9, $0x1  }
0xd: {  	v0 =	vimm.f32 $0.0e+00;
	v1 =	vimm.f32 $1.000000000e+00;
	s9 =	simm.s32 $0x580;
	s10 =	simm.s32 $0x1;
	s7 =	sadd.s32 $0x4B0, s7  }
.LBB2_1:
0xe: {  	[tilespmem:$0x280] =	vst v0  }
0xf: {  	[tilespmem:$0x290] =	vst v0  }
0x10: {  	[tilespmem:$0x2A0] =	vst v0  }
0x11: {  	[tilespmem:$0x2B0] =	vst v0  }
0x12: {  	[tilespmem:$0x2C0] =	vst v0  }
0x13: {  	[tilespmem:$0x2D0] =	vst v0  }
0x14: {  	[tilespmem:$0x2E0] =	vst v0  }
0x15: {  	[tilespmem:$0x2F0] =	vst v0  }
0x16: {  	[tilespmem:$0x300] =	vst v0  }
0x17: {  	[tilespmem:$0x310] =	vst v0  }
0x18: {  	[tilespmem:$0x320] =	vst v0  }
0x19: {  	[tilespmem:$0x330] =	vst v0  }
0x1a: {  	[tilespmem:$0x340] =	vst v0  }
0x1b: {  	[tilespmem:$0x350] =	vst v0  }
0x1c: {  	[tilespmem:$0x360] =	vst v0  }
0x1d: {  	[tilespmem:$0x370] =	vst v0  }
0x1e: {  	[tilespmem:$0x380] =	vst v0  }
0x1f: {  	[tilespmem:$0x390] =	vst v0  }
0x20: {  	[tilespmem:$0x3A0] =	vst v0  }
0x21: {  	[tilespmem:$0x3B0] =	vst v0  }
0x22: {  	[tilespmem:$0x3C0] =	vst v0  }
0x23: {  	[tilespmem:$0x3D0] =	vst v0  }
0x24: {  	[tilespmem:$0x3E0] =	vst v0  }
0x25: {  	[tilespmem:$0x3F0] =	vst v0  }
0x26: {  	[tilespmem:$0x400] =	vst v0  }
0x27: {  	[tilespmem:$0x410] =	vst v0  }
0x28: {  	[tilespmem:$0x420] =	vst v0  }
0x29: {  	[tilespmem:$0x430] =	vst v0  }
0x2a: {  	[tilespmem:$0x440] =	vst v0  }
0x2b: {  	[tilespmem:$0x450] =	vst v0  }
0x2c: {  	[tilespmem:$0x460] =	vst v0  }
0x2d: {  	[tilespmem:$0x470] =	vst v0  }
0x2e: {  	[tilespmem:$0x480] =	vst v0  }
0x2f: {  	[tilespmem:$0x490] =	vst v0  }
0x30: {  	[tilespmem:$0x4A0] =	vst v0  }
0x31: {  	[tilespmem:$0x4B0] =	vst v0  }
0x32: {  	[tilespmem:$0x4C0] =	vst v0  }
0x33: {  	[tilespmem:$0x4D0] =	vst v0  }
0x34: {  	[tilespmem:$0x4E0] =	vst v0  }
0x35: {  	[tilespmem:$0x4F0] =	vst v0  }
0x36: {  	[tilespmem:$0x500] =	vst v1  }
0x37: {  	[tilespmem:$0x510] =	vst v1  }
0x38: {  	[tilespmem:$0x520] =	vst v1  }
0x39: {  	[tilespmem:$0x530] =	vst v1  }
0x3a: {  	[tilespmem:$0x540] =	vst v1  }
0x3b: {  	[tilespmem:$0x550] =	vst v1  }
0x3c: {  	[tilespmem:$0x560] =	vst v1  }
0x3d: {  	[tilespmem:$0x570] =	vst v1  }
0x3e: {  	[tilespmem:s9], [sflag:$0x1] =	stream.linear.gather [hbm4b:s4+s3], $0x2800, $0x38;
	[tilespmem:$0x2D80] =	vst v63  }
0x3f: {  	_ =	swait.ge [sflag:s10], $0x2800  }
0x40: {  	[sflag:s10] =	ssyncset.done $0x0  }
0x41: {  	[sflag:s10] =	ssyncadd.s32 $0xFFFFD800  }
0x42: {  	[spmem:s5] =	stream.linear.scatter [tilespmem:s11], [sflag:$0x1], $0x280, $0x38;
	[tilespmem:$0x2D80] =	vst v63  }
0x43: {  	_ =	swait.ge [sflag:s10], $0x280  }
0x44: {  	[sflag:s10] =	ssyncset.done $0x0  }
0x45: {  	[sflag:s10] =	ssyncadd.s32 $0xFFFFFD80  }
0x46: {  	s15 =	simm.s32 $0x580;
	[bflag:$0x0] =	sbarrier.arrive $0xFFFF  }
0x47: {  	[spmem:s2] =	stream.indirect.scatter.add.f32 [tilespmem:s13], [sflag:$0x1], $0x1, s15, s12, $0xb8;
	[tilespmem:$0x2D80] =	vst v63  }
0x48: {  	s15 =	simm.s32 $0x200;
	_ =	swait.ge [sflag:s10], $0x80  }
.LBB2_2:
0x49: {  	s16 =	sshra.s32 s15, $0x2;
	[sflag:s10] =	ssyncset.done $0x0;
	p1 =	sne.s32 s15, $0x9E00  }
.Ltmp0:
0x4a: {  	s16 =	sadd.s32 $0x580, s16;
	[sflag:s10] =	ssyncadd.s32 $0xFFFFFF80;
	(pc) =	sbr.rel @p1 .LBB2_2-.Ltmp0, $3  }
0x4b: {  	[spmem:s2] =	stream.indirect.scatter.add.f32 [tilespmem:s13], [sflag:$0x1], $0x1, s16, s12, $0xb8;
	[tilespmem:$0x2D80] =	vst v63  }
0x4c: {  	s15 =	sadd.s32 $0x200, s15;
	_ =	sdelay $0x1  }
0x4d: {  	_ =	swait.ge [sflag:s10], $0x80  }
0x4e: {  	[sflag:s10] =	ssyncset.done $0x0  }
0x4f: {  	[sflag:s10] =	ssyncadd.s32 $0xFFFFFF80  }
0x50: {  	s15 =	simm.s32 @p0 $0x280;
	s16 =	simm.s32 @p0 $0x1;
	[bflag:$0x0] =	sbarrier.arrive $0xFFFF  }
0x51: {  	[tilespmem:s15], [sflag:$0x1] =	stream.linear.gather @p0 [spmem:s5], $0x190, $0x38;
	[tilespmem:$0x2D80] =	vst v63  }
0x52: {  	_ =	swait.ge @p0 [sflag:s16], $0x190  }
0x53: {  	[sflag:s16] =	ssyncset.done @p0 $0x0  }
0x54: {  	s17 =	simm.s32 @p0 $0x0;
	[sflag:s16] =	ssyncadd.s32 @p0 $0xFFFFFE70  }
0x55: {  	[hbm4b:s7+s17] =	stream.linear.scatter @p0 [tilespmem:s15], [sflag:$0x1], $0x190, $0x38;
	[tilespmem:$0x2D80] =	vst v63  }
0x56: {  	_ =	swait.ge @p0 [sflag:s16], $0x190  }
0x57: {  	[sflag:s16] =	ssyncset.done @p0 $0x0  }
0x58: {  	s15 =	simm.s32 @!p0 $0x280;
	[sflag:s16] =	ssyncadd.s32 @p0 $0xFFFFFE70;
	s16 =	simm.s32 @!p0 $0x1  }
0x59: {  	[tilespmem:s15], [sflag:$0x1] =	stream.linear.gather @!p0 [spmem:s5], $0x280, $0x38;
	[tilespmem:$0x2D80] =	vst v63  }
0x5a: {  	s14 =	sadd.s32 $0x1, s14;
	_ =	swait.ge @!p0 [sflag:s16], $0x280  }
0x5b: {  	p1 =	sne.s32 s14, s8;
	[sflag:s16] =	ssyncset.done @!p0 $0x0  }
.Ltmp1:
0x5c: {  	s17 =	simm.s32 @!p0 $0x0;
	[sflag:s16] =	ssyncadd.s32 @!p0 $0xFFFFFD80;
	(pc) =	sbr.rel @p1 .LBB2_1-.Ltmp1, $4  }
0x5d: {  	[hbm4b:s6+s17] =	stream.linear.scatter @!p0 [tilespmem:s15], [sflag:$0x1], $0x280, $0x38;
	[tilespmem:$0x2D80] =	vst v63  }
0x5e: {  	_ =	swait.ge @!p0 [sflag:s16], $0x280  }
0x5f: {  	[sflag:s16] =	ssyncset.done @!p0 $0x0  }
0x60: {  	[sflag:s16] =	ssyncadd.s32 @!p0 $0xFFFFFD80  }
0x61: {  	_ =	sfence.sel $0x180000  }
0x62: {  	[bflag:$0x0] =	sbarrier.arrive $0xFFFF  }
0x63: {  	p0 =	sne.s32 s0, $0x0;
	_ =	strace $0x90000047  }
0x64: {  	s0 =	sadd.s32 @!p0 $0x100000, s1;
	[bflag:$0x2] =	sbarrier.arrive $0xFFFF  }
0x65: {  	[sflag:s0] =	ssyncadd.tile.s32 @!p0 $0x1;
	_ =	shalt  }
.Lfunc_end2:
_tile_overlayer_lowered:
.L_overlay_start_2:
0x66: {  	(tag) =	ssettag $0x2  }
0x67: {  	s0 =	rddreg [dreg:$0x0];
	s2 =	stileid.u32  }
0x68: {  	s1 =	rddreg [dreg:$0x1];
	p0 =	sne.s32 s2, $0x0  }
0x69: {  	s3 =	rddreg [dreg:$0x2];
	[bflag:$0x3] =	sbarrier.arrive $0xFFFF;
	s2 =	simm.s32 @!p0 $0x1C01  }
0x6a: {  	[timem:s3], [sflag:s2] =	dma.local @!p0 [hbm:s0], s1  }
0x6b: {  	s0 =	simm.s32 @!p0 $0x1  }
0x6c: {  	_ =	swait.ge @!p0 [sflag:s0], s1  }
0x6d: {  	s1 =	ssub.s32 @!p0 $0x0, s1;
	[sflag:s0] =	ssyncset.done @!p0 $0x0  }
0x6e: {  	[sflag:s0] =	ssyncadd.s32 @!p0 s1  }
0x6f: {  	[bflag:$0x3] =	sbarrier.arrive $0xFFFF  }
0x70: {  	_ =	shalt  }

</sc_bundles>
